<compile_context>
chip_gen: v7x
topology: tpu7x:2x2x1
jax: 0.10.2.dev20260603
libtpu: 0.0.44.dev20260713+nightly
codegen_flags: <defaults>
</compile_context>

<pallas_src>
import functools

import jax
import jax.numpy as jnp
from jax import lax
from jax.experimental import pallas as pl
from jax.experimental.pallas import tpu as pltpu
from jax.experimental.pallas import tpu_sc as plsc

N = 10000
E = 320000
H = 128
NC, NS = 2, 16
NW = NC * NS
CHUNK = 128
CPT = 4 * (-(-E // (4 * NW * CHUNK)))
E_PAD = CPT * NW * CHUNK
ACC_ROWS = 10112
RPT = ACC_ROWS // NS
DEG_ROWS = 10240


def _sc_mesh():
    return plsc.VectorSubcoreMesh(core_axis_name="c", subcore_axis_name="s",
                                  num_cores=NC, num_subcores=NS)


DEG_R = DEG_ROWS // H


def _sc_degree(dstp, iota_hbm, zeros_hbm):

    @functools.partial(
        pl.kernel,
        out_type=jax.ShapeDtypeStruct((NC * DEG_R, H), jnp.float32),
        mesh=_sc_mesh(),
        scratch_types=[
            pltpu.VMEM((CHUNK,), jnp.int32),
            pltpu.VMEM((CHUNK,), jnp.int32),
            pltpu.VMEM((DEG_R,), jnp.int32),
            pltpu.VMEM((DEG_R, H), jnp.float32),
            pltpu.SemaphoreType.DMA,
            pltpu.SemaphoreType.DMA,
            pltpu.VMEM_SHARED((DEG_R, H), jnp.float32),
        ],
        compiler_params=pltpu.CompilerParams(needs_layout_passes=False),
    )
    def k(dst_ref, iota_ref, zeros_ref, out_ref, dst0, dst1, iota_v, local,
          isem0, isem1, acc):
        cid = lax.axis_index("c")
        sid = lax.axis_index("s")
        pltpu.sync_copy(iota_ref, iota_v)
        pltpu.sync_copy(zeros_ref, local)

        @pl.when(sid == 0)
        def _():
            pltpu.sync_copy(local, acc)

        plsc.subcore_barrier()
        tile_base = (cid * NS + sid) * (CPT * CHUNK)
        ones = jnp.ones((16,), jnp.float32)
        dv_bufs = (dst0, dst1)
        isems = (isem0, isem1)

        def idx_start(b, c):
            pltpu.make_async_copy(
                dst_ref.at[pl.ds(tile_base + c * CHUNK, CHUNK)],
                dv_bufs[b], isems[b]).start()

        def idx_wait(b):
            pltpu.make_async_copy(
                dst_ref.at[pl.ds(0, CHUNK)], dv_bufs[b], isems[b]).wait()

        def count(b):
            for j in range(CHUNK // 16):
                dv = dv_bufs[b][pl.ds(j * 16, 16)]
                plsc.addupdate_scatter(
                    local, [lax.shift_right_logical(dv, 7), dv & 127], ones)

        idx_start(0, 0)
        idx_start(1, 1)

        def body(g, carry):
            c = 2 * g
            idx_wait(0)
            count(0)
            idx_start(0, c + 2)
            idx_wait(1)
            count(1)
            idx_start(1, c + 3)
            return carry

        lax.fori_loop(0, (CPT - 2) // 2, body, 0)
        idx_wait(0)
        count(0)
        idx_wait(1)
        count(1)
        pltpu.sync_copy(local, acc.at[iota_v], add=True)
        plsc.subcore_barrier()

        @pl.when(sid < DEG_R // 8)
        def _():
            pltpu.sync_copy(acc.at[pl.ds(sid * 8, 8)],
                            out_ref.at[pl.ds(cid * DEG_R + sid * 8, 8)])

    return k(dstp, iota_hbm, zeros_hbm)


def _sc_edge_agg(rows, srcp, dstp, zeros_hbm):

    @functools.partial(
        pl.kernel,
        out_type=jax.ShapeDtypeStruct((NC * ACC_ROWS, H), jnp.float32),
        mesh=_sc_mesh(),
        scratch_types=[
            pltpu.VMEM((CHUNK,), jnp.int32),
            pltpu.VMEM((CHUNK,), jnp.int32),
            pltpu.VMEM((CHUNK,), jnp.int32),
            pltpu.VMEM((CHUNK,), jnp.int32),
            pltpu.VMEM((CHUNK,), jnp.int32),
            pltpu.VMEM((CHUNK,), jnp.int32),
            pltpu.VMEM((CHUNK, H), jnp.float32),
            pltpu.VMEM((CHUNK, H), jnp.float32),
            pltpu.VMEM((CHUNK, H), jnp.float32),
            pltpu.SemaphoreType.DMA,
            pltpu.SemaphoreType.DMA,
            pltpu.SemaphoreType.DMA,
            pltpu.SemaphoreType.DMA,
            pltpu.VMEM_SHARED((ACC_ROWS, H), jnp.float32),
        ],
    )
    def k(rows_ref, src_ref, dst_ref, zeros_ref, out_ref,
          src0, src1, dst0, dst1, dst2, dst3, rows0, rows1, zbuf,
          sem0, sem1, isem0, isem1, acc):
        cid = lax.axis_index("c")
        sid = lax.axis_index("s")
        pltpu.sync_copy(zeros_ref, zbuf)
        for z in range(RPT // CHUNK):
            pltpu.sync_copy(
                zbuf, acc.at[pl.ds(sid * RPT + z * CHUNK, CHUNK)])
        rem = RPT % CHUNK
        if rem:
            pltpu.sync_copy(
                zbuf.at[pl.ds(0, rem)],
                acc.at[pl.ds(sid * RPT + (RPT // CHUNK) * CHUNK, rem)])
        plsc.subcore_barrier()
        tile_base = (cid * NS + sid) * (CPT * CHUNK)

        sv = (src0, src1)
        dv = (dst0, dst1, dst2, dst3)
        rows = (rows0, rows1)
        gsem = (sem0, sem1)
        isem = (isem0, isem1)

        def idx_start(p, t):
            base = tile_base + t * CHUNK
            pltpu.make_async_copy(src_ref.at[pl.ds(base, CHUNK)], sv[p % 2],
                                  isem[p % 2]).start()
            pltpu.make_async_copy(dst_ref.at[pl.ds(base, CHUNK)], dv[p % 4],
                                  isem[p % 2]).start()

        def idx_wait(t):
            pltpu.make_async_copy(src_ref.at[pl.ds(0, CHUNK)], sv[t % 2],
                                  isem[t % 2]).wait()
            pltpu.make_async_copy(dst_ref.at[pl.ds(0, CHUNK)], dv[t % 4],
                                  isem[t % 2]).wait()

        def gather_start(t):
            pltpu.make_async_copy(rows_ref.at[sv[t % 2]], rows[t % 2],
                                  gsem[t % 2]).start()

        def gather_wait(t):
            pltpu.make_async_copy(rows_ref.at[sv[t % 2]], rows[t % 2],
                                  gsem[t % 2]).wait()

        def scatter(t):
            pltpu.sync_copy(rows[t % 2], acc.at[dv[t % 4]], add=True)

        idx_start(0, 0)
        idx_start(1, 1)
        idx_wait(0)
        gather_start(0)

        def body(g, carry):
            c0 = 4 * g
            for p in range(4):
                idx_wait(p + 1)
                gather_start(p + 1)
                gather_wait(p)
                scatter(p)
                idx_start(p + 2, c0 + p + 2)
            return carry

        lax.fori_loop(0, CPT // 4 - 1, body, 0)
        for p in range(4):
            if p + 1 < 4:
                idx_wait(p + 1)
                gather_start(p + 1)
            gather_wait(p)
            scatter(p)
            if p + 2 < 4:
                idx_start(p + 2, CPT - 2 + p)
        plsc.subcore_barrier()
        pltpu.sync_copy(acc.at[pl.ds(sid * RPT, RPT)],
                        out_ref.at[pl.ds(cid * ACC_ROWS + sid * RPT, RPT)])

    return k(rows, srcp, dstp, zeros_hbm)


def _dis_block(degp_ref):
    d = degp_ref[...]
    deg = d[:, 0:1] + d[:, 1:2] + 1.0
    return lax.rsqrt(deg)


_B = 1000


def _tc_prep(xidx, emb, W1, degp):

    def body(idx_ref, emb_ref, w1_ref, degp_ref, g1_ref):
        ew = jnp.dot(emb_ref[...], w1_ref[...],
                     preferred_element_type=jnp.float32)
        dis = _dis_block(degp_ref)
        onehot = (idx_ref[...] == lax.broadcasted_iota(jnp.int32, (_B, H), 1)
                  ).astype(jnp.float32)
        hw = jnp.dot(onehot, ew, preferred_element_type=jnp.float32)
        g1_ref[...] = hw * dis

    return pl.pallas_call(
        body,
        grid=(N // _B,),
        in_specs=[
            pl.BlockSpec((_B, 1), lambda i: (i, 0)),
            pl.BlockSpec((H, H), lambda i: (0, 0)),
            pl.BlockSpec((H, H), lambda i: (0, 0)),
            pl.BlockSpec((_B, NC), lambda i: (i, 0)),
        ],
        out_specs=pl.BlockSpec((_B, H), lambda i: (i, 0)),
        out_shape=jax.ShapeDtypeStruct((N, H), jnp.float32),
    )(xidx, emb, W1, degp)


def _tc_mid(accp, g1, degp, b1, W2):

    def body(accp_ref, g1_ref, degp_ref, b1_ref, w2_ref, g2_ref):
        dis = _dis_block(degp_ref)
        acc = accp_ref[0] + accp_ref[1] + g1_ref[...]
        h2 = jnp.maximum(acc * dis + b1_ref[...], 0.0)
        hw2 = jnp.dot(h2, w2_ref[...], preferred_element_type=jnp.float32)
        g2_ref[...] = hw2 * dis

    return pl.pallas_call(
        body,
        grid=(N // _B,),
        in_specs=[
            pl.BlockSpec((NC, _B, H), lambda i: (0, i, 0)),
            pl.BlockSpec((_B, H), lambda i: (i, 0)),
            pl.BlockSpec((_B, NC), lambda i: (i, 0)),
            pl.BlockSpec((1, H), lambda i: (0, 0)),
            pl.BlockSpec((H, H), lambda i: (0, 0)),
        ],
        out_specs=pl.BlockSpec((_B, H), lambda i: (i, 0)),
        out_shape=jax.ShapeDtypeStruct((N, H), jnp.float32),
    )(accp, g1, degp, b1, W2)


def _tc_final(accp, g2, degp, b2):

    def body(accp_ref, g2_ref, degp_ref, b2_ref, out_ref):
        dis = _dis_block(degp_ref)
        acc = accp_ref[0] + accp_ref[1] + g2_ref[...]
        out_ref[...] = acc * dis + b2_ref[...]

    return pl.pallas_call(
        body,
        grid=(N // _B,),
        in_specs=[
            pl.BlockSpec((NC, _B, H), lambda i: (0, i, 0)),
            pl.BlockSpec((_B, H), lambda i: (i, 0)),
            pl.BlockSpec((_B, NC), lambda i: (i, 0)),
            pl.BlockSpec((1, H), lambda i: (0, 0)),
        ],
        out_specs=pl.BlockSpec((_B, H), lambda i: (i, 0)),
        out_shape=jax.ShapeDtypeStruct((N, H), jnp.float32),
    )(accp, g2, degp, b2)


def kernel(x, edge_index, emb, W1, b1, W2, b2):
    src = edge_index[0].astype(jnp.int32)
    dst = edge_index[1].astype(jnp.int32)
    pad = E_PAD - E
    srcp = jnp.concatenate(
        [src, jnp.arange(pad, dtype=jnp.int32) % jnp.int32(N)])
    dstp = jnp.concatenate(
        [dst, N + jnp.arange(pad, dtype=jnp.int32) % jnp.int32(ACC_ROWS - N)])
    iota80 = jnp.arange(DEG_R, dtype=jnp.int32)
    zeros80 = jnp.zeros((DEG_R, H), jnp.float32)
    zerosH = jnp.zeros((CHUNK, H), jnp.float32)

    degp = _sc_degree(dstp, iota80, zeros80).reshape(NC, DEG_ROWS).T
    g1 = _tc_prep(x.astype(jnp.int32), emb, W1, degp)
    accp1 = _sc_edge_agg(g1, srcp, dstp, zerosH).reshape(NC, ACC_ROWS, H)
    g2 = _tc_mid(accp1, g1, degp, b1.reshape(1, H), W2)
    accp2 = _sc_edge_agg(g2, srcp, dstp, zerosH).reshape(NC, ACC_ROWS, H)
    return _tc_final(accp2, g2, degp, b2.reshape(1, H))

# --- scband reference (transcript-rebuilt; emitter-appended) ---
"""Pipeline reference for scband-gcnembedder-32684701122868 (READ-ONLY COPY).

The authoritative reference and input builder live on the scoring server;
editing this copy changes nothing except your own understanding.
"""

import jax, jax.numpy as jnp
import numpy as np

NUM_NODES = 10000
NUM_EDGES = 320000
NUM_ACTIVITIES = 128
HIDDEN = 128


def setup_inputs(seed: int = 0) -> dict:
    key = jax.random.key(seed)
    ks = jax.random.split(key, 8)
    x = jax.random.randint(ks[0], (NUM_NODES, 1), 0, NUM_ACTIVITIES, dtype=jnp.int64 if jax.config.jax_enable_x64 else jnp.int32)
    edge_index = jax.random.randint(ks[1], (2, NUM_EDGES), 0, NUM_NODES, dtype=jnp.int64 if jax.config.jax_enable_x64 else jnp.int32)
    # learned params
    emb = jax.random.normal(ks[2], (NUM_ACTIVITIES, HIDDEN), dtype=jnp.float32) * (1.0)
    glorot = lambda k, fi, fo: jax.random.uniform(k, (fi, fo), jnp.float32, -1.0, 1.0) * jnp.sqrt(6.0 / (fi + fo))
    W1 = glorot(ks[3], HIDDEN, HIDDEN)
    b1 = jnp.zeros((HIDDEN,), jnp.float32)
    W2 = glorot(ks[4], HIDDEN, HIDDEN)
    b2 = jnp.zeros((HIDDEN,), jnp.float32)
    return {"x": x, "edge_index": edge_index, "emb": emb, "W1": W1, "b1": b1, "W2": W2, "b2": b2}


def _gcn_conv(h, src, dst, W, b, num_nodes):
    # PyG GCNConv with add_self_loops=True, symmetric normalization
    loop = jnp.arange(num_nodes, dtype=src.dtype)
    s = jnp.concatenate([src, loop])
    d = jnp.concatenate([dst, loop])
    ew = jnp.ones(s.shape[0], jnp.float32)
    deg = jnp.zeros((num_nodes,), jnp.float32).at[d].add(ew)
    dis = jnp.where(deg > 0, jax.lax.rsqrt(deg), 0.0)
    norm = dis[s] * dis[d]
    hw = h @ W
    msg = jnp.take(hw, s, axis=0) * norm[:, None]
    out = jnp.zeros((num_nodes, W.shape[1]), jnp.float32).at[d].add(msg)
    return out + b


def reference(x, edge_index, emb, W1, b1, W2, b2):
    # node embedding lookup (graph.x.squeeze(-1))
    idx = jnp.squeeze(x, axis=-1)
    h = jnp.take(emb, idx, axis=0)
    src, dst = edge_index[0], edge_index[1]
    # GCN, num_layers=2, dropout inactive at inference
    h = _gcn_conv(h, src, dst, W1, b1, NUM_NODES)
    h = jax.nn.relu(h)
    h = _gcn_conv(h, src, dst, W2, b2, NUM_NODES)
    return h

if __name__ == "__main__":
    import jax
    _d = setup_inputs()
    print(jax.jit(kernel)(*tuple(_d.values())))

</pallas_src>

<mosaic_0001>
#map = affine_map<(d0, d1) -> (0)>
#map1 = affine_map<(d0, d1) -> (0, 0)>
module attributes {stable_mosaic.version = 14 : i64} {
  func.func @k(%arg0: i32, %arg1: i32, %arg2: memref<327680xi32, #tpu.memory_space<hbm>>, %arg3: memref<80xi32, #tpu.memory_space<hbm>>, %arg4: memref<80x128xf32, #tpu.memory_space<hbm>>, %arg5: memref<160x128xf32, #tpu.memory_space<hbm>>, %arg6: memref<128xi32, #tpu.memory_space<vmem>>, %arg7: memref<128xi32, #tpu.memory_space<vmem>>, %arg8: memref<80xi32, #tpu.memory_space<vmem>>, %arg9: memref<80x128xf32, #tpu.memory_space<vmem>>, %arg10: memref<!tpu.dma_semaphore, #tpu.memory_space<semaphore_mem>>, %arg11: memref<!tpu.dma_semaphore, #tpu.memory_space<semaphore_mem>>, %arg12: memref<80x128xf32, #tpu.memory_space<vmem_shared>>) attributes {dimension_semantics = [#tpu.dimension_semantics<core_parallel>, #tpu.dimension_semantics<subcore_parallel>], iteration_bounds = array<i64: 2, 16>, scalar_prefetch = 0 : i64, scratch_operands = 7 : i64, tpu.core_type = #tpu.core_type<sc_vector_subcore>, window_params = [{transform_indices = #map}, {transform_indices = #map}, {transform_indices = #map1}, {transform_indices = #map1}]} {
    "tpu.region"() ({
      %run_scoped3A = tpu.sem_alloc : memref<!tpu.dma_semaphore, #tpu.memory_space<semaphore_mem>>
      tpu.enqueue_dma source(%arg3 : memref<80xi32, #tpu.memory_space<hbm>>) target(%arg8 : memref<80xi32, #tpu.memory_space<vmem>>) target_semaphore(%run_scoped3A : memref<!tpu.dma_semaphore, #tpu.memory_space<semaphore_mem>>)
      tpu.wait_dma2 semaphore(%run_scoped3A : memref<!tpu.dma_semaphore, #tpu.memory_space<semaphore_mem>>) src(%arg3 : memref<80xi32, #tpu.memory_space<hbm>>) dst(%arg8 : memref<80xi32, #tpu.memory_space<vmem>>)
      tpu.yield
    }) : () -> ()
    "tpu.region"() ({
      %run_scoped3A = tpu.sem_alloc : memref<!tpu.dma_semaphore, #tpu.memory_space<semaphore_mem>>
      tpu.enqueue_dma source(%arg4 : memref<80x128xf32, #tpu.memory_space<hbm>>) target(%arg9 : memref<80x128xf32, #tpu.memory_space<vmem>>) target_semaphore(%run_scoped3A : memref<!tpu.dma_semaphore, #tpu.memory_space<semaphore_mem>>)
      tpu.wait_dma2 semaphore(%run_scoped3A : memref<!tpu.dma_semaphore, #tpu.memory_space<semaphore_mem>>) src(%arg4 : memref<80x128xf32, #tpu.memory_space<hbm>>) dst(%arg9 : memref<80x128xf32, #tpu.memory_space<vmem>>)
      tpu.yield
    }) : () -> ()
    %eq3A = arith.constant 0 : i32
    %eq3A_0 = arith.cmpi eq, %arg1, %eq3A : i32
    %convert_element_type3A = arith.extui %eq3A_0 : i1 to i32
    %cond3A = arith.constant 0 : i32
    %cond3A_1 = arith.cmpi ne, %convert_element_type3A, %cond3A : i32
    scf.if %cond3A_1 {
      "tpu.region"() ({
        %run_scoped3A = tpu.sem_alloc : memref<!tpu.dma_semaphore, #tpu.memory_space<semaphore_mem>>
        tpu.enqueue_dma source(%arg9 : memref<80x128xf32, #tpu.memory_space<vmem>>) target(%arg12 : memref<80x128xf32, #tpu.memory_space<vmem_shared>>) target_semaphore(%run_scoped3A : memref<!tpu.dma_semaphore, #tpu.memory_space<semaphore_mem>>)
        tpu.wait_dma2 semaphore(%run_scoped3A : memref<!tpu.dma_semaphore, #tpu.memory_space<semaphore_mem>>) src(%arg9 : memref<80x128xf32, #tpu.memory_space<vmem>>) dst(%arg12 : memref<80x128xf32, #tpu.memory_space<vmem_shared>>)
        tpu.yield
      }) : () -> ()
    } else {
    }
    %barrier3A = arith.constant 0 : index
    tpu.barrier barrier_id(%barrier3A)
    %mul3A = arith.constant 16 : i32
    %mul3A_2 = arith.muli %arg0, %mul3A : i32
    %add3A = arith.addi %mul3A_2, %arg1 : i32
    %mul3A_3 = arith.constant 10240 : i32
    %mul3A_4 = arith.muli %add3A, %mul3A_3 : i32
    %broadcast_in_dim3A = arith.constant 1.000000e+00 : f32
    %broadcast_in_dim3A_5 = vector.broadcast %broadcast_in_dim3A : f32 to vector<16xf32>
    %add3A_6 = arith.constant 0 : i32
    %add3A_7 = arith.addi %mul3A_4, %add3A_6 : i32
    %dma_start3A = tpu.memref_slice %arg2[%add3A_7] : memref<327680xi32, #tpu.memory_space<hbm>> -> memref<128xi32, #tpu.memory_space<hbm>>
    %dma_start3A_8 = tpu.memref_slice %arg2[%add3A_7] : memref<327680xi32, #tpu.memory_space<hbm>> -> memref<128xi32, #tpu.memory_space<hbm>>
    tpu.enqueue_dma source(%dma_start3A_8 : memref<128xi32, #tpu.memory_space<hbm>>) target(%arg6 : memref<128xi32, #tpu.memory_space<vmem>>) target_semaphore(%arg10 : memref<!tpu.dma_semaphore, #tpu.memory_space<semaphore_mem>>)
    %add3A_9 = arith.constant 128 : i32
    %add3A_10 = arith.addi %mul3A_4, %add3A_9 : i32
    %dma_start3A_11 = tpu.memref_slice %arg2[%add3A_10] : memref<327680xi32, #tpu.memory_space<hbm>> -> memref<128xi32, #tpu.memory_space<hbm>>
    %dma_start3A_12 = tpu.memref_slice %arg2[%add3A_10] : memref<327680xi32, #tpu.memory_space<hbm>> -> memref<128xi32, #tpu.memory_space<hbm>>
    tpu.enqueue_dma source(%dma_start3A_12 : memref<128xi32, #tpu.memory_space<hbm>>) target(%arg7 : memref<128xi32, #tpu.memory_space<vmem>>) target_semaphore(%arg11 : memref<!tpu.dma_semaphore, #tpu.memory_space<semaphore_mem>>)
    %scan3A = arith.constant 0 : i32
    %scan3A_13 = arith.constant 0 : i32
    %scan3A_14 = arith.constant 39 : i32
    %scan3A_15 = arith.addi %scan3A_13, %scan3A_14 : i32
    %scan3A_16 = arith.constant 1 : i32
    scf.for %scan3A_155 = %scan3A_13 to %scan3A_15 step %scan3A_16  : i32 {
      %mul3A_156 = arith.constant 2 : i32
      %mul3A_157 = arith.muli %mul3A_156, %scan3A_155 : i32
      %dma_wait3A_158 = arith.constant 0 : i32
      %dma_wait3A_159 = tpu.memref_slice %arg2[%dma_wait3A_158] : memref<327680xi32, #tpu.memory_space<hbm>> -> memref<128xi32, #tpu.memory_space<hbm>>
      %dma_wait3A_160 = arith.constant 0 : i32
      %dma_wait3A_161 = tpu.memref_slice %arg2[%dma_wait3A_160] : memref<327680xi32, #tpu.memory_space<hbm>> -> memref<128xi32, #tpu.memory_space<hbm>>
      tpu.wait_dma2 semaphore(%arg10 : memref<!tpu.dma_semaphore, #tpu.memory_space<semaphore_mem>>) src(%dma_wait3A_161 : memref<128xi32, #tpu.memory_space<hbm>>) dst(%arg6 : memref<128xi32, #tpu.memory_space<vmem>>)
      %get3A_162 = arith.constant 0 : index
      %get3A_163 = tpu.vector_load %arg6[%get3A_162] {strides = array<i32>} : memref<128xi32, #tpu.memory_space<vmem>>, vector<16xi32>,
      %shift_right_logical3A_164 = arith.constant 7 : i32
      %shift_right_logical3A_165 = vector.broadcast %shift_right_logical3A_164 : i32 to vector<16xi32>
      %shift_right_logical3A_166 = arith.shrui %get3A_163, %shift_right_logical3A_165 : vector<16xi32>
      %and3A_167 = arith.constant 127 : i32
      %and3A_168 = vector.broadcast %and3A_167 : i32 to vector<16xi32>
      %and3A_169 = arith.andi %get3A_163, %and3A_168 : vector<16xi32>
      tpu.vector_store_idx %arg9[%shift_right_logical3A_166, %and3A_169], %broadcast_in_dim3A_5 {add = true} : memref<80x128xf32, #tpu.memory_space<vmem>>[vector<16xi32>, vector<16xi32>], vector<16xf32>,
      %get3A_170 = arith.constant 16 : index
      %get3A_171 = tpu.vector_load %arg6[%get3A_170] {strides = array<i32>} : memref<128xi32, #tpu.memory_space<vmem>>, vector<16xi32>,
      %shift_right_logical3A_172 = arith.constant 7 : i32
      %shift_right_logical3A_173 = vector.broadcast %shift_right_logical3A_172 : i32 to vector<16xi32>
      %shift_right_logical3A_174 = arith.shrui %get3A_171, %shift_right_logical3A_173 : vector<16xi32>
      %and3A_175 = arith.constant 127 : i32
      %and3A_176 = vector.broadcast %and3A_175 : i32 to vector<16xi32>
      %and3A_177 = arith.andi %get3A_171, %and3A_176 : vector<16xi32>
      tpu.vector_store_idx %arg9[%shift_right_logical3A_174, %and3A_177], %broadcast_in_dim3A_5 {add = true} : memref<80x128xf32, #tpu.memory_space<vmem>>[vector<16xi32>, vector<16xi32>], vector<16xf32>,
      %get3A_178 = arith.constant 32 : index
      %get3A_179 = tpu.vector_load %arg6[%get3A_178] {strides = array<i32>} : memref<128xi32, #tpu.memory_space<vmem>>, vector<16xi32>,
      %shift_right_logical3A_180 = arith.constant 7 : i32
      %shift_right_logical3A_181 = vector.broadcast %shift_right_logical3A_180 : i32 to vector<16xi32>
      %shift_right_logical3A_182 = arith.shrui %get3A_179, %shift_right_logical3A_181 : vector<16xi32>
      %and3A_183 = arith.constant 127 : i32
      %and3A_184 = vector.broadcast %and3A_183 : i32 to vector<16xi32>
      %and3A_185 = arith.andi %get3A_179, %and3A_184 : vector<16xi32>
      tpu.vector_store_idx %arg9[%shift_right_logical3A_182, %and3A_185], %broadcast_in_dim3A_5 {add = true} : memref<80x128xf32, #tpu.memory_space<vmem>>[vector<16xi32>, vector<16xi32>], vector<16xf32>,
      %get3A_186 = arith.constant 48 : index
      %get3A_187 = tpu.vector_load %arg6[%get3A_186] {strides = array<i32>} : memref<128xi32, #tpu.memory_space<vmem>>, vector<16xi32>,
      %shift_right_logical3A_188 = arith.constant 7 : i32
      %shift_right_logical3A_189 = vector.broadcast %shift_right_logical3A_188 : i32 to vector<16xi32>
      %shift_right_logical3A_190 = arith.shrui %get3A_187, %shift_right_logical3A_189 : vector<16xi32>
      %and3A_191 = arith.constant 127 : i32
      %and3A_192 = vector.broadcast %and3A_191 : i32 to vector<16xi32>
      %and3A_193 = arith.andi %get3A_187, %and3A_192 : vector<16xi32>
      tpu.vector_store_idx %arg9[%shift_right_logical3A_190, %and3A_193], %broadcast_in_dim3A_5 {add = true} : memref<80x128xf32, #tpu.memory_space<vmem>>[vector<16xi32>, vector<16xi32>], vector<16xf32>,
      %get3A_194 = arith.constant 64 : index
      %get3A_195 = tpu.vector_load %arg6[%get3A_194] {strides = array<i32>} : memref<128xi32, #tpu.memory_space<vmem>>, vector<16xi32>,
      %shift_right_logical3A_196 = arith.constant 7 : i32
      %shift_right_logical3A_197 = vector.broadcast %shift_right_logical3A_196 : i32 to vector<16xi32>
      %shift_right_logical3A_198 = arith.shrui %get3A_195, %shift_right_logical3A_197 : vector<16xi32>
      %and3A_199 = arith.constant 127 : i32
      %and3A_200 = vector.broadcast %and3A_199 : i32 to vector<16xi32>
      %and3A_201 = arith.andi %get3A_195, %and3A_200 : vector<16xi32>
      tpu.vector_store_idx %arg9[%shift_right_logical3A_198, %and3A_201], %broadcast_in_dim3A_5 {add = true} : memref<80x128xf32, #tpu.memory_space<vmem>>[vector<16xi32>, vector<16xi32>], vector<16xf32>,
      %get3A_202 = arith.constant 80 : index
      %get3A_203 = tpu.vector_load %arg6[%get3A_202] {strides = array<i32>} : memref<128xi32, #tpu.memory_space<vmem>>, vector<16xi32>,
      %shift_right_logical3A_204 = arith.constant 7 : i32
      %shift_right_logical3A_205 = vector.broadcast %shift_right_logical3A_204 : i32 to vector<16xi32>
      %shift_right_logical3A_206 = arith.shrui %get3A_203, %shift_right_logical3A_205 : vector<16xi32>
      %and3A_207 = arith.constant 127 : i32
      %and3A_208 = vector.broadcast %and3A_207 : i32 to vector<16xi32>
      %and3A_209 = arith.andi %get3A_203, %and3A_208 : vector<16xi32>
      tpu.vector_store_idx %arg9[%shift_right_logical3A_206, %and3A_209], %broadcast_in_dim3A_5 {add = true} : memref<80x128xf32, #tpu.memory_space<vmem>>[vector<16xi32>, vector<16xi32>], vector<16xf32>,
      %get3A_210 = arith.constant 96 : index
      %get3A_211 = tpu.vector_load %arg6[%get3A_210] {strides = array<i32>} : memref<128xi32, #tpu.memory_space<vmem>>, vector<16xi32>,
      %shift_right_logical3A_212 = arith.constant 7 : i32
      %shift_right_logical3A_213 = vector.broadcast %shift_right_logical3A_212 : i32 to vector<16xi32>
      %shift_right_logical3A_214 = arith.shrui %get3A_211, %shift_right_logical3A_213 : vector<16xi32>
      %and3A_215 = arith.constant 127 : i32
      %and3A_216 = vector.broadcast %and3A_215 : i32 to vector<16xi32>
      %and3A_217 = arith.andi %get3A_211, %and3A_216 : vector<16xi32>
      tpu.vector_store_idx %arg9[%shift_right_logical3A_214, %and3A_217], %broadcast_in_dim3A_5 {add = true} : memref<80x128xf32, #tpu.memory_space<vmem>>[vector<16xi32>, vector<16xi32>], vector<16xf32>,
      %get3A_218 = arith.constant 112 : index
      %get3A_219 = tpu.vector_load %arg6[%get3A_218] {strides = array<i32>} : memref<128xi32, #tpu.memory_space<vmem>>, vector<16xi32>,
      %shift_right_logical3A_220 = arith.constant 7 : i32
      %shift_right_logical3A_221 = vector.broadcast %shift_right_logical3A_220 : i32 to vector<16xi32>
      %shift_right_logical3A_222 = arith.shrui %get3A_219, %shift_right_logical3A_221 : vector<16xi32>
      %and3A_223 = arith.constant 127 : i32
      %and3A_224 = vector.broadcast %and3A_223 : i32 to vector<16xi32>
      %and3A_225 = arith.andi %get3A_219, %and3A_224 : vector<16xi32>
      tpu.vector_store_idx %arg9[%shift_right_logical3A_222, %and3A_225], %broadcast_in_dim3A_5 {add = true} : memref<80x128xf32, #tpu.memory_space<vmem>>[vector<16xi32>, vector<16xi32>], vector<16xf32>,
      %add3A_226 = arith.constant 2 : i32
      %add3A_227 = arith.addi %mul3A_157, %add3A_226 : i32
      %mul3A_228 = arith.constant 128 : i32
      %mul3A_229 = arith.muli %add3A_227, %mul3A_228 : i32
      %add3A_230 = arith.addi %mul3A_4, %mul3A_229 : i32
      %dma_start3A_231 = tpu.memref_slice %arg2[%add3A_230] : memref<327680xi32, #tpu.memory_space<hbm>> -> memref<128xi32, #tpu.memory_space<hbm>>
      %dma_start3A_232 = tpu.memref_slice %arg2[%add3A_230] : memref<327680xi32, #tpu.memory_space<hbm>> -> memref<128xi32, #tpu.memory_space<hbm>>
      tpu.enqueue_dma source(%dma_start3A_232 : memref<128xi32, #tpu.memory_space<hbm>>) target(%arg6 : memref<128xi32, #tpu.memory_space<vmem>>) target_semaphore(%arg10 : memref<!tpu.dma_semaphore, #tpu.memory_space<semaphore_mem>>)
      %dma_wait3A_233 = arith.constant 0 : i32
      %dma_wait3A_234 = tpu.memref_slice %arg2[%dma_wait3A_233] : memref<327680xi32, #tpu.memory_space<hbm>> -> memref<128xi32, #tpu.memory_space<hbm>>
      %dma_wait3A_235 = arith.constant 0 : i32
      %dma_wait3A_236 = tpu.memref_slice %arg2[%dma_wait3A_235] : memref<327680xi32, #tpu.memory_space<hbm>> -> memref<128xi32, #tpu.memory_space<hbm>>
      tpu.wait_dma2 semaphore(%arg11 : memref<!tpu.dma_semaphore, #tpu.memory_space<semaphore_mem>>) src(%dma_wait3A_236 : memref<128xi32, #tpu.memory_space<hbm>>) dst(%arg7 : memref<128xi32, #tpu.memory_space<vmem>>)
      %get3A_237 = arith.constant 0 : index
      %get3A_238 = tpu.vector_load %arg7[%get3A_237] {strides = array<i32>} : memref<128xi32, #tpu.memory_space<vmem>>, vector<16xi32>,
      %shift_right_logical3A_239 = arith.constant 7 : i32
      %shift_right_logical3A_240 = vector.broadcast %shift_right_logical3A_239 : i32 to vector<16xi32>
      %shift_right_logical3A_241 = arith.shrui %get3A_238, %shift_right_logical3A_240 : vector<16xi32>
      %and3A_242 = arith.constant 127 : i32
      %and3A_243 = vector.broadcast %and3A_242 : i32 to vector<16xi32>
      %and3A_244 = arith.andi %get3A_238, %and3A_243 : vector<16xi32>
      tpu.vector_store_idx %arg9[%shift_right_logical3A_241, %and3A_244], %broadcast_in_dim3A_5 {add = true} : memref<80x128xf32, #tpu.memory_space<vmem>>[vector<16xi32>, vector<16xi32>], vector<16xf32>,
      %get3A_245 = arith.constant 16 : index
      %get3A_246 = tpu.vector_load %arg7[%get3A_245] {strides = array<i32>} : memref<128xi32, #tpu.memory_space<vmem>>, vector<16xi32>,
      %shift_right_logical3A_247 = arith.constant 7 : i32
      %shift_right_logical3A_248 = vector.broadcast %shift_right_logical3A_247 : i32 to vector<16xi32>
      %shift_right_logical3A_249 = arith.shrui %get3A_246, %shift_right_logical3A_248 : vector<16xi32>
      %and3A_250 = arith.constant 127 : i32
      %and3A_251 = vector.broadcast %and3A_250 : i32 to vector<16xi32>
      %and3A_252 = arith.andi %get3A_246, %and3A_251 : vector<16xi32>
      tpu.vector_store_idx %arg9[%shift_right_logical3A_249, %and3A_252], %broadcast_in_dim3A_5 {add = true} : memref<80x128xf32, #tpu.memory_space<vmem>>[vector<16xi32>, vector<16xi32>], vector<16xf32>,
      %get3A_253 = arith.constant 32 : index
      %get3A_254 = tpu.vector_load %arg7[%get3A_253] {strides = array<i32>} : memref<128xi32, #tpu.memory_space<vmem>>, vector<16xi32>,
      %shift_right_logical3A_255 = arith.constant 7 : i32
      %shift_right_logical3A_256 = vector.broadcast %shift_right_logical3A_255 : i32 to vector<16xi32>
      %shift_right_logical3A_257 = arith.shrui %get3A_254, %shift_right_logical3A_256 : vector<16xi32>
      %and3A_258 = arith.constant 127 : i32
      %and3A_259 = vector.broadcast %and3A_258 : i32 to vector<16xi32>
      %and3A_260 = arith.andi %get3A_254, %and3A_259 : vector<16xi32>
      tpu.vector_store_idx %arg9[%shift_right_logical3A_257, %and3A_260], %broadcast_in_dim3A_5 {add = true} : memref<80x128xf32, #tpu.memory_space<vmem>>[vector<16xi32>, vector<16xi32>], vector<16xf32>,
      %get3A_261 = arith.constant 48 : index
      %get3A_262 = tpu.vector_load %arg7[%get3A_261] {strides = array<i32>} : memref<128xi32, #tpu.memory_space<vmem>>, vector<16xi32>,
      %shift_right_logical3A_263 = arith.constant 7 : i32
      %shift_right_logical3A_264 = vector.broadcast %shift_right_logical3A_263 : i32 to vector<16xi32>
      %shift_right_logical3A_265 = arith.shrui %get3A_262, %shift_right_logical3A_264 : vector<16xi32>
      %and3A_266 = arith.constant 127 : i32
      %and3A_267 = vector.broadcast %and3A_266 : i32 to vector<16xi32>
      %and3A_268 = arith.andi %get3A_262, %and3A_267 : vector<16xi32>
      tpu.vector_store_idx %arg9[%shift_right_logical3A_265, %and3A_268], %broadcast_in_dim3A_5 {add = true} : memref<80x128xf32, #tpu.memory_space<vmem>>[vector<16xi32>, vector<16xi32>], vector<16xf32>,
      %get3A_269 = arith.constant 64 : index
      %get3A_270 = tpu.vector_load %arg7[%get3A_269] {strides = array<i32>} : memref<128xi32, #tpu.memory_space<vmem>>, vector<16xi32>,
      %shift_right_logical3A_271 = arith.constant 7 : i32
      %shift_right_logical3A_272 = vector.broadcast %shift_right_logical3A_271 : i32 to vector<16xi32>
      %shift_right_logical3A_273 = arith.shrui %get3A_270, %shift_right_logical3A_272 : vector<16xi32>
      %and3A_274 = arith.constant 127 : i32
      %and3A_275 = vector.broadcast %and3A_274 : i32 to vector<16xi32>
      %and3A_276 = arith.andi %get3A_270, %and3A_275 : vector<16xi32>
      tpu.vector_store_idx %arg9[%shift_right_logical3A_273, %and3A_276], %broadcast_in_dim3A_5 {add = true} : memref<80x128xf32, #tpu.memory_space<vmem>>[vector<16xi32>, vector<16xi32>], vector<16xf32>,
      %get3A_277 = arith.constant 80 : index
      %get3A_278 = tpu.vector_load %arg7[%get3A_277] {strides = array<i32>} : memref<128xi32, #tpu.memory_space<vmem>>, vector<16xi32>,
      %shift_right_logical3A_279 = arith.constant 7 : i32
      %shift_right_logical3A_280 = vector.broadcast %shift_right_logical3A_279 : i32 to vector<16xi32>
      %shift_right_logical3A_281 = arith.shrui %get3A_278, %shift_right_logical3A_280 : vector<16xi32>
      %and3A_282 = arith.constant 127 : i32
      %and3A_283 = vector.broadcast %and3A_282 : i32 to vector<16xi32>
      %and3A_284 = arith.andi %get3A_278, %and3A_283 : vector<16xi32>
      tpu.vector_store_idx %arg9[%shift_right_logical3A_281, %and3A_284], %broadcast_in_dim3A_5 {add = true} : memref<80x128xf32, #tpu.memory_space<vmem>>[vector<16xi32>, vector<16xi32>], vector<16xf32>,
      %get3A_285 = arith.constant 96 : index
      %get3A_286 = tpu.vector_load %arg7[%get3A_285] {strides = array<i32>} : memref<128xi32, #tpu.memory_space<vmem>>, vector<16xi32>,
      %shift_right_logical3A_287 = arith.constant 7 : i32
      %shift_right_logical3A_288 = vector.broadcast %shift_right_logical3A_287 : i32 to vector<16xi32>
      %shift_right_logical3A_289 = arith.shrui %get3A_286, %shift_right_logical3A_288 : vector<16xi32>
      %and3A_290 = arith.constant 127 : i32
      %and3A_291 = vector.broadcast %and3A_290 : i32 to vector<16xi32>
      %and3A_292 = arith.andi %get3A_286, %and3A_291 : vector<16xi32>
      tpu.vector_store_idx %arg9[%shift_right_logical3A_289, %and3A_292], %broadcast_in_dim3A_5 {add = true} : memref<80x128xf32, #tpu.memory_space<vmem>>[vector<16xi32>, vector<16xi32>], vector<16xf32>,
      %get3A_293 = arith.constant 112 : index
      %get3A_294 = tpu.vector_load %arg7[%get3A_293] {strides = array<i32>} : memref<128xi32, #tpu.memory_space<vmem>>, vector<16xi32>,
      %shift_right_logical3A_295 = arith.constant 7 : i32
      %shift_right_logical3A_296 = vector.broadcast %shift_right_logical3A_295 : i32 to vector<16xi32>
      %shift_right_logical3A_297 = arith.shrui %get3A_294, %shift_right_logical3A_296 : vector<16xi32>
      %and3A_298 = arith.constant 127 : i32
      %and3A_299 = vector.broadcast %and3A_298 : i32 to vector<16xi32>
      %and3A_300 = arith.andi %get3A_294, %and3A_299 : vector<16xi32>
      tpu.vector_store_idx %arg9[%shift_right_logical3A_297, %and3A_300], %broadcast_in_dim3A_5 {add = true} : memref<80x128xf32, #tpu.memory_space<vmem>>[vector<16xi32>, vector<16xi32>], vector<16xf32>,
      %add3A_301 = arith.constant 3 : i32
      %add3A_302 = arith.addi %mul3A_157, %add3A_301 : i32
      %mul3A_303 = arith.constant 128 : i32
      %mul3A_304 = arith.muli %add3A_302, %mul3A_303 : i32
      %add3A_305 = arith.addi %mul3A_4, %mul3A_304 : i32
      %dma_start3A_306 = tpu.memref_slice %arg2[%add3A_305] : memref<327680xi32, #tpu.memory_space<hbm>> -> memref<128xi32, #tpu.memory_space<hbm>>
      %dma_start3A_307 = tpu.memref_slice %arg2[%add3A_305] : memref<327680xi32, #tpu.memory_space<hbm>> -> memref<128xi32, #tpu.memory_space<hbm>>
      tpu.enqueue_dma source(%dma_start3A_307 : memref<128xi32, #tpu.memory_space<hbm>>) target(%arg7 : memref<128xi32, #tpu.memory_space<vmem>>) target_semaphore(%arg11 : memref<!tpu.dma_semaphore, #tpu.memory_space<semaphore_mem>>)
    }
    %scan3A_17 = arith.constant 39 : i32
    %dma_wait3A = arith.constant 0 : i32
    %dma_wait3A_18 = tpu.memref_slice %arg2[%dma_wait3A] : memref<327680xi32, #tpu.memory_space<hbm>> -> memref<128xi32, #tpu.memory_space<hbm>>
    %dma_wait3A_19 = arith.constant 0 : i32
    %dma_wait3A_20 = tpu.memref_slice %arg2[%dma_wait3A_19] : memref<327680xi32, #tpu.memory_space<hbm>> -> memref<128xi32, #tpu.memory_space<hbm>>
    tpu.wait_dma2 semaphore(%arg10 : memref<!tpu.dma_semaphore, #tpu.memory_space<semaphore_mem>>) src(%dma_wait3A_20 : memref<128xi32, #tpu.memory_space<hbm>>) dst(%arg6 : memref<128xi32, #tpu.memory_space<vmem>>)
    %get3A = arith.constant 0 : index
    %get3A_21 = tpu.vector_load %arg6[%get3A] {strides = array<i32>} : memref<128xi32, #tpu.memory_space<vmem>>, vector<16xi32>,
    %shift_right_logical3A = arith.constant 7 : i32
    %shift_right_logical3A_22 = vector.broadcast %shift_right_logical3A : i32 to vector<16xi32>
    %shift_right_logical3A_23 = arith.shrui %get3A_21, %shift_right_logical3A_22 : vector<16xi32>
    %and3A = arith.constant 127 : i32
    %and3A_24 = vector.broadcast %and3A : i32 to vector<16xi32>
    %and3A_25 = arith.andi %get3A_21, %and3A_24 : vector<16xi32>
    tpu.vector_store_idx %arg9[%shift_right_logical3A_23, %and3A_25], %broadcast_in_dim3A_5 {add = true} : memref<80x128xf32, #tpu.memory_space<vmem>>[vector<16xi32>, vector<16xi32>], vector<16xf32>,
    %get3A_26 = arith.constant 16 : index
    %get3A_27 = tpu.vector_load %arg6[%get3A_26] {strides = array<i32>} : memref<128xi32, #tpu.memory_space<vmem>>, vector<16xi32>,
    %shift_right_logical3A_28 = arith.constant 7 : i32
    %shift_right_logical3A_29 = vector.broadcast %shift_right_logical3A_28 : i32 to vector<16xi32>
    %shift_right_logical3A_30 = arith.shrui %get3A_27, %shift_right_logical3A_29 : vector<16xi32>
    %and3A_31 = arith.constant 127 : i32
    %and3A_32 = vector.broadcast %and3A_31 : i32 to vector<16xi32>
    %and3A_33 = arith.andi %get3A_27, %and3A_32 : vector<16xi32>
    tpu.vector_store_idx %arg9[%shift_right_logical3A_30, %and3A_33], %broadcast_in_dim3A_5 {add = true} : memref<80x128xf32, #tpu.memory_space<vmem>>[vector<16xi32>, vector<16xi32>], vector<16xf32>,
    %get3A_34 = arith.constant 32 : index
    %get3A_35 = tpu.vector_load %arg6[%get3A_34] {strides = array<i32>} : memref<128xi32, #tpu.memory_space<vmem>>, vector<16xi32>,
    %shift_right_logical3A_36 = arith.constant 7 : i32
    %shift_right_logical3A_37 = vector.broadcast %shift_right_logical3A_36 : i32 to vector<16xi32>
    %shift_right_logical3A_38 = arith.shrui %get3A_35, %shift_right_logical3A_37 : vector<16xi32>
    %and3A_39 = arith.constant 127 : i32
    %and3A_40 = vector.broadcast %and3A_39 : i32 to vector<16xi32>
    %and3A_41 = arith.andi %get3A_35, %and3A_40 : vector<16xi32>
    tpu.vector_store_idx %arg9[%shift_right_logical3A_38, %and3A_41], %broadcast_in_dim3A_5 {add = true} : memref<80x128xf32, #tpu.memory_space<vmem>>[vector<16xi32>, vector<16xi32>], vector<16xf32>,
    %get3A_42 = arith.constant 48 : index
    %get3A_43 = tpu.vector_load %arg6[%get3A_42] {strides = array<i32>} : memref<128xi32, #tpu.memory_space<vmem>>, vector<16xi32>,
    %shift_right_logical3A_44 = arith.constant 7 : i32
    %shift_right_logical3A_45 = vector.broadcast %shift_right_logical3A_44 : i32 to vector<16xi32>
    %shift_right_logical3A_46 = arith.shrui %get3A_43, %shift_right_logical3A_45 : vector<16xi32>
    %and3A_47 = arith.constant 127 : i32
    %and3A_48 = vector.broadcast %and3A_47 : i32 to vector<16xi32>
    %and3A_49 = arith.andi %get3A_43, %and3A_48 : vector<16xi32>
    tpu.vector_store_idx %arg9[%shift_right_logical3A_46, %and3A_49], %broadcast_in_dim3A_5 {add = true} : memref<80x128xf32, #tpu.memory_space<vmem>>[vector<16xi32>, vector<16xi32>], vector<16xf32>,
    %get3A_50 = arith.constant 64 : index
    %get3A_51 = tpu.vector_load %arg6[%get3A_50] {strides = array<i32>} : memref<128xi32, #tpu.memory_space<vmem>>, vector<16xi32>,
    %shift_right_logical3A_52 = arith.constant 7 : i32
    %shift_right_logical3A_53 = vector.broadcast %shift_right_logical3A_52 : i32 to vector<16xi32>
    %shift_right_logical3A_54 = arith.shrui %get3A_51, %shift_right_logical3A_53 : vector<16xi32>
    %and3A_55 = arith.constant 127 : i32
    %and3A_56 = vector.broadcast %and3A_55 : i32 to vector<16xi32>
    %and3A_57 = arith.andi %get3A_51, %and3A_56 : vector<16xi32>
    tpu.vector_store_idx %arg9[%shift_right_logical3A_54, %and3A_57], %broadcast_in_dim3A_5 {add = true} : memref<80x128xf32, #tpu.memory_space<vmem>>[vector<16xi32>, vector<16xi32>], vector<16xf32>,
    %get3A_58 = arith.constant 80 : index
    %get3A_59 = tpu.vector_load %arg6[%get3A_58] {strides = array<i32>} : memref<128xi32, #tpu.memory_space<vmem>>, vector<16xi32>,
    %shift_right_logical3A_60 = arith.constant 7 : i32
    %shift_right_logical3A_61 = vector.broadcast %shift_right_logical3A_60 : i32 to vector<16xi32>
    %shift_right_logical3A_62 = arith.shrui %get3A_59, %shift_right_logical3A_61 : vector<16xi32>
    %and3A_63 = arith.constant 127 : i32
    %and3A_64 = vector.broadcast %and3A_63 : i32 to vector<16xi32>
    %and3A_65 = arith.andi %get3A_59, %and3A_64 : vector<16xi32>
    tpu.vector_store_idx %arg9[%shift_right_logical3A_62, %and3A_65], %broadcast_in_dim3A_5 {add = true} : memref<80x128xf32, #tpu.memory_space<vmem>>[vector<16xi32>, vector<16xi32>], vector<16xf32>,
    %get3A_66 = arith.constant 96 : index
    %get3A_67 = tpu.vector_load %arg6[%get3A_66] {strides = array<i32>} : memref<128xi32, #tpu.memory_space<vmem>>, vector<16xi32>,
    %shift_right_logical3A_68 = arith.constant 7 : i32
    %shift_right_logical3A_69 = vector.broadcast %shift_right_logical3A_68 : i32 to vector<16xi32>
    %shift_right_logical3A_70 = arith.shrui %get3A_67, %shift_right_logical3A_69 : vector<16xi32>
    %and3A_71 = arith.constant 127 : i32
    %and3A_72 = vector.broadcast %and3A_71 : i32 to vector<16xi32>
    %and3A_73 = arith.andi %get3A_67, %and3A_72 : vector<16xi32>
    tpu.vector_store_idx %arg9[%shift_right_logical3A_70, %and3A_73], %broadcast_in_dim3A_5 {add = true} : memref<80x128xf32, #tpu.memory_space<vmem>>[vector<16xi32>, vector<16xi32>], vector<16xf32>,
    %get3A_74 = arith.constant 112 : index
    %get3A_75 = tpu.vector_load %arg6[%get3A_74] {strides = array<i32>} : memref<128xi32, #tpu.memory_space<vmem>>, vector<16xi32>,
    %shift_right_logical3A_76 = arith.constant 7 : i32
    %shift_right_logical3A_77 = vector.broadcast %shift_right_logical3A_76 : i32 to vector<16xi32>
    %shift_right_logical3A_78 = arith.shrui %get3A_75, %shift_right_logical3A_77 : vector<16xi32>
    %and3A_79 = arith.constant 127 : i32
    %and3A_80 = vector.broadcast %and3A_79 : i32 to vector<16xi32>
    %and3A_81 = arith.andi %get3A_75, %and3A_80 : vector<16xi32>
    tpu.vector_store_idx %arg9[%shift_right_logical3A_78, %and3A_81], %broadcast_in_dim3A_5 {add = true} : memref<80x128xf32, #tpu.memory_space<vmem>>[vector<16xi32>, vector<16xi32>], vector<16xf32>,
    %dma_wait3A_82 = arith.constant 0 : i32
    %dma_wait3A_83 = tpu.memref_slice %arg2[%dma_wait3A_82] : memref<327680xi32, #tpu.memory_space<hbm>> -> memref<128xi32, #tpu.memory_space<hbm>>
    %dma_wait3A_84 = arith.constant 0 : i32
    %dma_wait3A_85 = tpu.memref_slice %arg2[%dma_wait3A_84] : memref<327680xi32, #tpu.memory_space<hbm>> -> memref<128xi32, #tpu.memory_space<hbm>>
    tpu.wait_dma2 semaphore(%arg11 : memref<!tpu.dma_semaphore, #tpu.memory_space<semaphore_mem>>) src(%dma_wait3A_85 : memref<128xi32, #tpu.memory_space<hbm>>) dst(%arg7 : memref<128xi32, #tpu.memory_space<vmem>>)
    %get3A_86 = arith.constant 0 : index
    %get3A_87 = tpu.vector_load %arg7[%get3A_86] {strides = array<i32>} : memref<128xi32, #tpu.memory_space<vmem>>, vector<16xi32>,
    %shift_right_logical3A_88 = arith.constant 7 : i32
    %shift_right_logical3A_89 = vector.broadcast %shift_right_logical3A_88 : i32 to vector<16xi32>
    %shift_right_logical3A_90 = arith.shrui %get3A_87, %shift_right_logical3A_89 : vector<16xi32>
    %and3A_91 = arith.constant 127 : i32
    %and3A_92 = vector.broadcast %and3A_91 : i32 to vector<16xi32>
    %and3A_93 = arith.andi %get3A_87, %and3A_92 : vector<16xi32>
    tpu.vector_store_idx %arg9[%shift_right_logical3A_90, %and3A_93], %broadcast_in_dim3A_5 {add = true} : memref<80x128xf32, #tpu.memory_space<vmem>>[vector<16xi32>, vector<16xi32>], vector<16xf32>,
    %get3A_94 = arith.constant 16 : index
    %get3A_95 = tpu.vector_load %arg7[%get3A_94] {strides = array<i32>} : memref<128xi32, #tpu.memory_space<vmem>>, vector<16xi32>,
    %shift_right_logical3A_96 = arith.constant 7 : i32
    %shift_right_logical3A_97 = vector.broadcast %shift_right_logical3A_96 : i32 to vector<16xi32>
    %shift_right_logical3A_98 = arith.shrui %get3A_95, %shift_right_logical3A_97 : vector<16xi32>
    %and3A_99 = arith.constant 127 : i32
    %and3A_100 = vector.broadcast %and3A_99 : i32 to vector<16xi32>
    %and3A_101 = arith.andi %get3A_95, %and3A_100 : vector<16xi32>
    tpu.vector_store_idx %arg9[%shift_right_logical3A_98, %and3A_101], %broadcast_in_dim3A_5 {add = true} : memref<80x128xf32, #tpu.memory_space<vmem>>[vector<16xi32>, vector<16xi32>], vector<16xf32>,
    %get3A_102 = arith.constant 32 : index
    %get3A_103 = tpu.vector_load %arg7[%get3A_102] {strides = array<i32>} : memref<128xi32, #tpu.memory_space<vmem>>, vector<16xi32>,
    %shift_right_logical3A_104 = arith.constant 7 : i32
    %shift_right_logical3A_105 = vector.broadcast %shift_right_logical3A_104 : i32 to vector<16xi32>
    %shift_right_logical3A_106 = arith.shrui %get3A_103, %shift_right_logical3A_105 : vector<16xi32>
    %and3A_107 = arith.constant 127 : i32
    %and3A_108 = vector.broadcast %and3A_107 : i32 to vector<16xi32>
    %and3A_109 = arith.andi %get3A_103, %and3A_108 : vector<16xi32>
    tpu.vector_store_idx %arg9[%shift_right_logical3A_106, %and3A_109], %broadcast_in_dim3A_5 {add = true} : memref<80x128xf32, #tpu.memory_space<vmem>>[vector<16xi32>, vector<16xi32>], vector<16xf32>,
    %get3A_110 = arith.constant 48 : index
    %get3A_111 = tpu.vector_load %arg7[%get3A_110] {strides = array<i32>} : memref<128xi32, #tpu.memory_space<vmem>>, vector<16xi32>,
    %shift_right_logical3A_112 = arith.constant 7 : i32
    %shift_right_logical3A_113 = vector.broadcast %shift_right_logical3A_112 : i32 to vector<16xi32>
    %shift_right_logical3A_114 = arith.shrui %get3A_111, %shift_right_logical3A_113 : vector<16xi32>
    %and3A_115 = arith.constant 127 : i32
    %and3A_116 = vector.broadcast %and3A_115 : i32 to vector<16xi32>
    %and3A_117 = arith.andi %get3A_111, %and3A_116 : vector<16xi32>
    tpu.vector_store_idx %arg9[%shift_right_logical3A_114, %and3A_117], %broadcast_in_dim3A_5 {add = true} : memref<80x128xf32, #tpu.memory_space<vmem>>[vector<16xi32>, vector<16xi32>], vector<16xf32>,
    %get3A_118 = arith.constant 64 : index
    %get3A_119 = tpu.vector_load %arg7[%get3A_118] {strides = array<i32>} : memref<128xi32, #tpu.memory_space<vmem>>, vector<16xi32>,
    %shift_right_logical3A_120 = arith.constant 7 : i32
    %shift_right_logical3A_121 = vector.broadcast %shift_right_logical3A_120 : i32 to vector<16xi32>
    %shift_right_logical3A_122 = arith.shrui %get3A_119, %shift_right_logical3A_121 : vector<16xi32>
    %and3A_123 = arith.constant 127 : i32
    %and3A_124 = vector.broadcast %and3A_123 : i32 to vector<16xi32>
    %and3A_125 = arith.andi %get3A_119, %and3A_124 : vector<16xi32>
    tpu.vector_store_idx %arg9[%shift_right_logical3A_122, %and3A_125], %broadcast_in_dim3A_5 {add = true} : memref<80x128xf32, #tpu.memory_space<vmem>>[vector<16xi32>, vector<16xi32>], vector<16xf32>,
    %get3A_126 = arith.constant 80 : index
    %get3A_127 = tpu.vector_load %arg7[%get3A_126] {strides = array<i32>} : memref<128xi32, #tpu.memory_space<vmem>>, vector<16xi32>,
    %shift_right_logical3A_128 = arith.constant 7 : i32
    %shift_right_logical3A_129 = vector.broadcast %shift_right_logical3A_128 : i32 to vector<16xi32>
    %shift_right_logical3A_130 = arith.shrui %get3A_127, %shift_right_logical3A_129 : vector<16xi32>
    %and3A_131 = arith.constant 127 : i32
    %and3A_132 = vector.broadcast %and3A_131 : i32 to vector<16xi32>
    %and3A_133 = arith.andi %get3A_127, %and3A_132 : vector<16xi32>
    tpu.vector_store_idx %arg9[%shift_right_logical3A_130, %and3A_133], %broadcast_in_dim3A_5 {add = true} : memref<80x128xf32, #tpu.memory_space<vmem>>[vector<16xi32>, vector<16xi32>], vector<16xf32>,
    %get3A_134 = arith.constant 96 : index
    %get3A_135 = tpu.vector_load %arg7[%get3A_134] {strides = array<i32>} : memref<128xi32, #tpu.memory_space<vmem>>, vector<16xi32>,
    %shift_right_logical3A_136 = arith.constant 7 : i32
    %shift_right_logical3A_137 = vector.broadcast %shift_right_logical3A_136 : i32 to vector<16xi32>
    %shift_right_logical3A_138 = arith.shrui %get3A_135, %shift_right_logical3A_137 : vector<16xi32>
    %and3A_139 = arith.constant 127 : i32
    %and3A_140 = vector.broadcast %and3A_139 : i32 to vector<16xi32>
    %and3A_141 = arith.andi %get3A_135, %and3A_140 : vector<16xi32>
    tpu.vector_store_idx %arg9[%shift_right_logical3A_138, %and3A_141], %broadcast_in_dim3A_5 {add = true} : memref<80x128xf32, #tpu.memory_space<vmem>>[vector<16xi32>, vector<16xi32>], vector<16xf32>,
    %get3A_142 = arith.constant 112 : index
    %get3A_143 = tpu.vector_load %arg7[%get3A_142] {strides = array<i32>} : memref<128xi32, #tpu.memory_space<vmem>>, vector<16xi32>,
    %shift_right_logical3A_144 = arith.constant 7 : i32
    %shift_right_logical3A_145 = vector.broadcast %shift_right_logical3A_144 : i32 to vector<16xi32>
    %shift_right_logical3A_146 = arith.shrui %get3A_143, %shift_right_logical3A_145 : vector<16xi32>
    %and3A_147 = arith.constant 127 : i32
    %and3A_148 = vector.broadcast %and3A_147 : i32 to vector<16xi32>
    %and3A_149 = arith.andi %get3A_143, %and3A_148 : vector<16xi32>
    tpu.vector_store_idx %arg9[%shift_right_logical3A_146, %and3A_149], %broadcast_in_dim3A_5 {add = true} : memref<80x128xf32, #tpu.memory_space<vmem>>[vector<16xi32>, vector<16xi32>], vector<16xf32>,
    "tpu.region"() ({
      %run_scoped3A = tpu.sem_alloc : memref<!tpu.dma_semaphore, #tpu.memory_space<semaphore_mem>>
      %dma_start3A_155 = arith.constant 0 : i32
      %dma_start3A_156 = arith.constant 0 : i32
      %dma_start3A_157 = tpu.memref_slice %arg12[%dma_start3A_155, %dma_start3A_156] : memref<80x128xf32, #tpu.memory_space<vmem_shared>> -> memref<80x128xf32, #tpu.memory_space<vmem_shared>>
      tpu.enqueue_indirect_dma source(%arg9 : memref<80x128xf32, #tpu.memory_space<vmem>>) target(%dma_start3A_157 : memref<80x128xf32, #tpu.memory_space<vmem_shared>>) offsets(%arg8 : memref<80xi32, #tpu.memory_space<vmem>>) semaphore(%run_scoped3A : memref<!tpu.dma_semaphore, #tpu.memory_space<semaphore_mem>>) {add = true}
      %dma_wait3A_158 = arith.constant 0 : i32
      %dma_wait3A_159 = arith.constant 0 : i32
      %dma_wait3A_160 = tpu.memref_slice %arg12[%dma_wait3A_158, %dma_wait3A_159] : memref<80x128xf32, #tpu.memory_space<vmem_shared>> -> memref<80x128xf32, #tpu.memory_space<vmem_shared>>
      tpu.wait_indirect_dma semaphore(%run_scoped3A : memref<!tpu.dma_semaphore, #tpu.memory_space<semaphore_mem>>) src(%arg9 : memref<80x128xf32, #tpu.memory_space<vmem>>) dst(%dma_wait3A_160 : memref<80x128xf32, #tpu.memory_space<vmem_shared>>)
      tpu.yield
    }) : () -> ()
    %barrier3A_150 = arith.constant 0 : index
    tpu.barrier barrier_id(%barrier3A_150)
    %lt3A = arith.constant 10 : i32
    %lt3A_151 = arith.cmpi slt, %arg1, %lt3A : i32
    %convert_element_type3A_152 = arith.extui %lt3A_151 : i1 to i32
    %cond3A_153 = arith.constant 0 : i32
    %cond3A_154 = arith.cmpi ne, %convert_element_type3A_152, %cond3A_153 : i32
    scf.if %cond3A_154 {
      %mul3A_155 = arith.constant 8 : i32
      %mul3A_156 = arith.muli %arg1, %mul3A_155 : i32
      %mul3A_157 = arith.constant 80 : i32
      %mul3A_158 = arith.muli %arg0, %mul3A_157 : i32
      %mul3A_159 = arith.constant 8 : i32
      %mul3A_160 = arith.muli %arg1, %mul3A_159 : i32
      %add3A_161 = arith.addi %mul3A_158, %mul3A_160 : i32
      "tpu.region"() ({
        %run_scoped3A = tpu.sem_alloc : memref<!tpu.dma_semaphore, #tpu.memory_space<semaphore_mem>>
        %dma_start3A_162 = arith.constant 0 : i32
        %dma_start3A_163 = tpu.memref_slice %arg5[%add3A_161, %dma_start3A_162] : memref<160x128xf32, #tpu.memory_space<hbm>> -> memref<8x128xf32, #tpu.memory_space<hbm>>
        %dma_start3A_164 = arith.constant 0 : i32
        %dma_start3A_165 = tpu.memref_slice %arg12[%mul3A_156, %dma_start3A_164] : memref<80x128xf32, #tpu.memory_space<vmem_shared>> -> memref<8x128xf32, #tpu.memory_space<vmem_shared>>
        tpu.enqueue_dma source(%dma_start3A_165 : memref<8x128xf32, #tpu.memory_space<vmem_shared>>) target(%dma_start3A_163 : memref<8x128xf32, #tpu.memory_space<hbm>>) target_semaphore(%run_scoped3A : memref<!tpu.dma_semaphore, #tpu.memory_space<semaphore_mem>>)
        %dma_wait3A_166 = arith.constant 0 : i32
        %dma_wait3A_167 = tpu.memref_slice %arg5[%add3A_161, %dma_wait3A_166] : memref<160x128xf32, #tpu.memory_space<hbm>> -> memref<8x128xf32, #tpu.memory_space<hbm>>
        %dma_wait3A_168 = arith.constant 0 : i32
        %dma_wait3A_169 = tpu.memref_slice %arg12[%mul3A_156, %dma_wait3A_168] : memref<80x128xf32, #tpu.memory_space<vmem_shared>> -> memref<8x128xf32, #tpu.memory_space<vmem_shared>>
        tpu.wait_dma2 semaphore(%run_scoped3A : memref<!tpu.dma_semaphore, #tpu.memory_space<semaphore_mem>>) src(%dma_wait3A_169 : memref<8x128xf32, #tpu.memory_space<vmem_shared>>) dst(%dma_wait3A_167 : memref<8x128xf32, #tpu.memory_space<hbm>>)
        tpu.yield
      }) : () -> ()
    } else {
    }
    return
  }
}

#map = affine_map<(d0, d1) -> (0, 0)>
#map1 = affine_map<(d0, d1) -> (0)>
module attributes {stable_mosaic.version = 14 : i64} {
  func.func @k(%arg0: i32, %arg1: i32, %arg2: memref<10000x128xf32, #tpu.memory_space<hbm>>, %arg3: memref<327680xi32, #tpu.memory_space<hbm>>, %arg4: memref<327680xi32, #tpu.memory_space<hbm>>, %arg5: memref<128x128xf32, #tpu.memory_space<hbm>>, %arg6: memref<20224x128xf32, #tpu.memory_space<hbm>>, %arg7: memref<128xi32, #tpu.memory_space<vmem>>, %arg8: memref<128xi32, #tpu.memory_space<vmem>>, %arg9: memref<128xi32, #tpu.memory_space<vmem>>, %arg10: memref<128xi32, #tpu.memory_space<vmem>>, %arg11: memref<128xi32, #tpu.memory_space<vmem>>, %arg12: memref<128xi32, #tpu.memory_space<vmem>>, %arg13: memref<128x128xf32, #tpu.memory_space<vmem>>, %arg14: memref<128x128xf32, #tpu.memory_space<vmem>>, %arg15: memref<128x128xf32, #tpu.memory_space<vmem>>, %arg16: memref<!tpu.dma_semaphore, #tpu.memory_space<semaphore_mem>>, %arg17: memref<!tpu.dma_semaphore, #tpu.memory_space<semaphore_mem>>, %arg18: memref<!tpu.dma_semaphore, #tpu.memory_space<semaphore_mem>>, %arg19: memref<!tpu.dma_semaphore, #tpu.memory_space<semaphore_mem>>, %arg20: memref<10112x128xf32, #tpu.memory_space<vmem_shared>>) attributes {dimension_semantics = [#tpu.dimension_semantics<core_parallel>, #tpu.dimension_semantics<subcore_parallel>], iteration_bounds = array<i64: 2, 16>, scalar_prefetch = 0 : i64, scratch_operands = 14 : i64, tpu.core_type = #tpu.core_type<sc_vector_subcore>, window_params = [{transform_indices = #map}, {transform_indices = #map1}, {transform_indices = #map1}, {transform_indices = #map}, {transform_indices = #map}]} {
    "tpu.region"() ({
      %run_scoped3A = tpu.sem_alloc : memref<!tpu.dma_semaphore, #tpu.memory_space<semaphore_mem>>
      tpu.enqueue_dma source(%arg5 : memref<128x128xf32, #tpu.memory_space<hbm>>) target(%arg15 : memref<128x128xf32, #tpu.memory_space<vmem>>) target_semaphore(%run_scoped3A : memref<!tpu.dma_semaphore, #tpu.memory_space<semaphore_mem>>)
      tpu.wait_dma2 semaphore(%run_scoped3A : memref<!tpu.dma_semaphore, #tpu.memory_space<semaphore_mem>>) src(%arg5 : memref<128x128xf32, #tpu.memory_space<hbm>>) dst(%arg15 : memref<128x128xf32, #tpu.memory_space<vmem>>)
      tpu.yield
    }) : () -> ()
    %mul3A = arith.constant 632 : i32
    %mul3A_0 = arith.muli %arg1, %mul3A : i32
    %add3A = arith.constant 0 : i32
    %add3A_1 = arith.addi %mul3A_0, %add3A : i32
    "tpu.region"() ({
      %run_scoped3A = tpu.sem_alloc : memref<!tpu.dma_semaphore, #tpu.memory_space<semaphore_mem>>
      %dma_start3A_114 = arith.constant 0 : i32
      %dma_start3A_115 = tpu.memref_slice %arg20[%add3A_1, %dma_start3A_114] : memref<10112x128xf32, #tpu.memory_space<vmem_shared>> -> memref<128x128xf32, #tpu.memory_space<vmem_shared>>
      %dma_start3A_116 = arith.constant 0 : i32
      %dma_start3A_117 = tpu.memref_slice %arg20[%add3A_1, %dma_start3A_116] : memref<10112x128xf32, #tpu.memory_space<vmem_shared>> -> memref<128x128xf32, #tpu.memory_space<vmem_shared>>
      tpu.enqueue_dma source(%arg15 : memref<128x128xf32, #tpu.memory_space<vmem>>) target(%dma_start3A_117 : memref<128x128xf32, #tpu.memory_space<vmem_shared>>) target_semaphore(%run_scoped3A : memref<!tpu.dma_semaphore, #tpu.memory_space<semaphore_mem>>)
      %dma_wait3A_118 = arith.constant 0 : i32
      %dma_wait3A_119 = tpu.memref_slice %arg20[%add3A_1, %dma_wait3A_118] : memref<10112x128xf32, #tpu.memory_space<vmem_shared>> -> memref<128x128xf32, #tpu.memory_space<vmem_shared>>
      %dma_wait3A_120 = arith.constant 0 : i32
      %dma_wait3A_121 = tpu.memref_slice %arg20[%add3A_1, %dma_wait3A_120] : memref<10112x128xf32, #tpu.memory_space<vmem_shared>> -> memref<128x128xf32, #tpu.memory_space<vmem_shared>>
      tpu.wait_dma2 semaphore(%run_scoped3A : memref<!tpu.dma_semaphore, #tpu.memory_space<semaphore_mem>>) src(%arg15 : memref<128x128xf32, #tpu.memory_space<vmem>>) dst(%dma_wait3A_121 : memref<128x128xf32, #tpu.memory_space<vmem_shared>>)
      tpu.yield
    }) : () -> ()
    %mul3A_2 = arith.constant 632 : i32
    %mul3A_3 = arith.muli %arg1, %mul3A_2 : i32
    %add3A_4 = arith.constant 128 : i32
    %add3A_5 = arith.addi %mul3A_3, %add3A_4 : i32
    "tpu.region"() ({
      %run_scoped3A = tpu.sem_alloc : memref<!tpu.dma_semaphore, #tpu.memory_space<semaphore_mem>>
      %dma_start3A_114 = arith.constant 0 : i32
      %dma_start3A_115 = tpu.memref_slice %arg20[%add3A_5, %dma_start3A_114] : memref<10112x128xf32, #tpu.memory_space<vmem_shared>> -> memref<128x128xf32, #tpu.memory_space<vmem_shared>>
      %dma_start3A_116 = arith.constant 0 : i32
      %dma_start3A_117 = tpu.memref_slice %arg20[%add3A_5, %dma_start3A_116] : memref<10112x128xf32, #tpu.memory_space<vmem_shared>> -> memref<128x128xf32, #tpu.memory_space<vmem_shared>>
      tpu.enqueue_dma source(%arg15 : memref<128x128xf32, #tpu.memory_space<vmem>>) target(%dma_start3A_117 : memref<128x128xf32, #tpu.memory_space<vmem_shared>>) target_semaphore(%run_scoped3A : memref<!tpu.dma_semaphore, #tpu.memory_space<semaphore_mem>>)
      %dma_wait3A_118 = arith.constant 0 : i32
      %dma_wait3A_119 = tpu.memref_slice %arg20[%add3A_5, %dma_wait3A_118] : memref<10112x128xf32, #tpu.memory_space<vmem_shared>> -> memref<128x128xf32, #tpu.memory_space<vmem_shared>>
      %dma_wait3A_120 = arith.constant 0 : i32
      %dma_wait3A_121 = tpu.memref_slice %arg20[%add3A_5, %dma_wait3A_120] : memref<10112x128xf32, #tpu.memory_space<vmem_shared>> -> memref<128x128xf32, #tpu.memory_space<vmem_shared>>
      tpu.wait_dma2 semaphore(%run_scoped3A : memref<!tpu.dma_semaphore, #tpu.memory_space<semaphore_mem>>) src(%arg15 : memref<128x128xf32, #tpu.memory_space<vmem>>) dst(%dma_wait3A_121 : memref<128x128xf32, #tpu.memory_space<vmem_shared>>)
      tpu.yield
    }) : () -> ()
    %mul3A_6 = arith.constant 632 : i32
    %mul3A_7 = arith.muli %arg1, %mul3A_6 : i32
    %add3A_8 = arith.constant 256 : i32
    %add3A_9 = arith.addi %mul3A_7, %add3A_8 : i32
    "tpu.region"() ({
      %run_scoped3A = tpu.sem_alloc : memref<!tpu.dma_semaphore, #tpu.memory_space<semaphore_mem>>
      %dma_start3A_114 = arith.constant 0 : i32
      %dma_start3A_115 = tpu.memref_slice %arg20[%add3A_9, %dma_start3A_114] : memref<10112x128xf32, #tpu.memory_space<vmem_shared>> -> memref<128x128xf32, #tpu.memory_space<vmem_shared>>
      %dma_start3A_116 = arith.constant 0 : i32
      %dma_start3A_117 = tpu.memref_slice %arg20[%add3A_9, %dma_start3A_116] : memref<10112x128xf32, #tpu.memory_space<vmem_shared>> -> memref<128x128xf32, #tpu.memory_space<vmem_shared>>
      tpu.enqueue_dma source(%arg15 : memref<128x128xf32, #tpu.memory_space<vmem>>) target(%dma_start3A_117 : memref<128x128xf32, #tpu.memory_space<vmem_shared>>) target_semaphore(%run_scoped3A : memref<!tpu.dma_semaphore, #tpu.memory_space<semaphore_mem>>)
      %dma_wait3A_118 = arith.constant 0 : i32
      %dma_wait3A_119 = tpu.memref_slice %arg20[%add3A_9, %dma_wait3A_118] : memref<10112x128xf32, #tpu.memory_space<vmem_shared>> -> memref<128x128xf32, #tpu.memory_space<vmem_shared>>
      %dma_wait3A_120 = arith.constant 0 : i32
      %dma_wait3A_121 = tpu.memref_slice %arg20[%add3A_9, %dma_wait3A_120] : memref<10112x128xf32, #tpu.memory_space<vmem_shared>> -> memref<128x128xf32, #tpu.memory_space<vmem_shared>>
      tpu.wait_dma2 semaphore(%run_scoped3A : memref<!tpu.dma_semaphore, #tpu.memory_space<semaphore_mem>>) src(%arg15 : memref<128x128xf32, #tpu.memory_space<vmem>>) dst(%dma_wait3A_121 : memref<128x128xf32, #tpu.memory_space<vmem_shared>>)
      tpu.yield
    }) : () -> ()
    %mul3A_10 = arith.constant 632 : i32
    %mul3A_11 = arith.muli %arg1, %mul3A_10 : i32
    %add3A_12 = arith.constant 384 : i32
    %add3A_13 = arith.addi %mul3A_11, %add3A_12 : i32
    "tpu.region"() ({
      %run_scoped3A = tpu.sem_alloc : memref<!tpu.dma_semaphore, #tpu.memory_space<semaphore_mem>>
      %dma_start3A_114 = arith.constant 0 : i32
      %dma_start3A_115 = tpu.memref_slice %arg20[%add3A_13, %dma_start3A_114] : memref<10112x128xf32, #tpu.memory_space<vmem_shared>> -> memref<128x128xf32, #tpu.memory_space<vmem_shared>>
      %dma_start3A_116 = arith.constant 0 : i32
      %dma_start3A_117 = tpu.memref_slice %arg20[%add3A_13, %dma_start3A_116] : memref<10112x128xf32, #tpu.memory_space<vmem_shared>> -> memref<128x128xf32, #tpu.memory_space<vmem_shared>>
      tpu.enqueue_dma source(%arg15 : memref<128x128xf32, #tpu.memory_space<vmem>>) target(%dma_start3A_117 : memref<128x128xf32, #tpu.memory_space<vmem_shared>>) target_semaphore(%run_scoped3A : memref<!tpu.dma_semaphore, #tpu.memory_space<semaphore_mem>>)
      %dma_wait3A_118 = arith.constant 0 : i32
      %dma_wait3A_119 = tpu.memref_slice %arg20[%add3A_13, %dma_wait3A_118] : memref<10112x128xf32, #tpu.memory_space<vmem_shared>> -> memref<128x128xf32, #tpu.memory_space<vmem_shared>>
      %dma_wait3A_120 = arith.constant 0 : i32
      %dma_wait3A_121 = tpu.memref_slice %arg20[%add3A_13, %dma_wait3A_120] : memref<10112x128xf32, #tpu.memory_space<vmem_shared>> -> memref<128x128xf32, #tpu.memory_space<vmem_shared>>
      tpu.wait_dma2 semaphore(%run_scoped3A : memref<!tpu.dma_semaphore, #tpu.memory_space<semaphore_mem>>) src(%arg15 : memref<128x128xf32, #tpu.memory_space<vmem>>) dst(%dma_wait3A_121 : memref<128x128xf32, #tpu.memory_space<vmem_shared>>)
      tpu.yield
    }) : () -> ()
    %mul3A_14 = arith.constant 632 : i32
    %mul3A_15 = arith.muli %arg1, %mul3A_14 : i32
    %add3A_16 = arith.constant 512 : i32
    %add3A_17 = arith.addi %mul3A_15, %add3A_16 : i32
    "tpu.region"() ({
      %run_scoped3A = tpu.sem_alloc : memref<!tpu.dma_semaphore, #tpu.memory_space<semaphore_mem>>
      %dma_start3A_114 = arith.constant 0 : i32
      %dma_start3A_115 = arith.constant 0 : i32
      %dma_start3A_116 = tpu.memref_slice %arg15[%dma_start3A_114, %dma_start3A_115] : memref<128x128xf32, #tpu.memory_space<vmem>> -> memref<120x128xf32, #tpu.memory_space<vmem>>
      %dma_start3A_117 = arith.constant 0 : i32
      %dma_start3A_118 = tpu.memref_slice %arg20[%add3A_17, %dma_start3A_117] : memref<10112x128xf32, #tpu.memory_space<vmem_shared>> -> memref<120x128xf32, #tpu.memory_space<vmem_shared>>
      %dma_start3A_119 = arith.constant 0 : i32
      %dma_start3A_120 = tpu.memref_slice %arg20[%add3A_17, %dma_start3A_119] : memref<10112x128xf32, #tpu.memory_space<vmem_shared>> -> memref<120x128xf32, #tpu.memory_space<vmem_shared>>
      %dma_start3A_121 = arith.constant 0 : i32
      %dma_start3A_122 = arith.constant 0 : i32
      %dma_start3A_123 = tpu.memref_slice %arg15[%dma_start3A_121, %dma_start3A_122] : memref<128x128xf32, #tpu.memory_space<vmem>> -> memref<120x128xf32, #tpu.memory_space<vmem>>
      tpu.enqueue_dma source(%dma_start3A_123 : memref<120x128xf32, #tpu.memory_space<vmem>>) target(%dma_start3A_120 : memref<120x128xf32, #tpu.memory_space<vmem_shared>>) target_semaphore(%run_scoped3A : memref<!tpu.dma_semaphore, #tpu.memory_space<semaphore_mem>>)
      %dma_wait3A_124 = arith.constant 0 : i32
      %dma_wait3A_125 = arith.constant 0 : i32
      %dma_wait3A_126 = tpu.memref_slice %arg15[%dma_wait3A_124, %dma_wait3A_125] : memref<128x128xf32, #tpu.memory_space<vmem>> -> memref<120x128xf32, #tpu.memory_space<vmem>>
      %dma_wait3A_127 = arith.constant 0 : i32
      %dma_wait3A_128 = tpu.memref_slice %arg20[%add3A_17, %dma_wait3A_127] : memref<10112x128xf32, #tpu.memory_space<vmem_shared>> -> memref<120x128xf32, #tpu.memory_space<vmem_shared>>
      %dma_wait3A_129 = arith.constant 0 : i32
      %dma_wait3A_130 = tpu.memref_slice %arg20[%add3A_17, %dma_wait3A_129] : memref<10112x128xf32, #tpu.memory_space<vmem_shared>> -> memref<120x128xf32, #tpu.memory_space<vmem_shared>>
      %dma_wait3A_131 = arith.constant 0 : i32
      %dma_wait3A_132 = arith.constant 0 : i32
      %dma_wait3A_133 = tpu.memref_slice %arg15[%dma_wait3A_131, %dma_wait3A_132] : memref<128x128xf32, #tpu.memory_space<vmem>> -> memref<120x128xf32, #tpu.memory_space<vmem>>
      tpu.wait_dma2 semaphore(%run_scoped3A : memref<!tpu.dma_semaphore, #tpu.memory_space<semaphore_mem>>) src(%dma_wait3A_133 : memref<120x128xf32, #tpu.memory_space<vmem>>) dst(%dma_wait3A_130 : memref<120x128xf32, #tpu.memory_space<vmem_shared>>)
      tpu.yield
    }) : () -> ()
    %barrier3A = arith.constant 0 : index
    tpu.barrier barrier_id(%barrier3A)
    %mul3A_18 = arith.constant 16 : i32
    %mul3A_19 = arith.muli %arg0, %mul3A_18 : i32
    %add3A_20 = arith.addi %mul3A_19, %arg1 : i32
    %mul3A_21 = arith.constant 10240 : i32
    %mul3A_22 = arith.muli %add3A_20, %mul3A_21 : i32
    %add3A_23 = arith.constant 0 : i32
    %add3A_24 = arith.addi %mul3A_22, %add3A_23 : i32
    %dma_start3A = tpu.memref_slice %arg3[%add3A_24] : memref<327680xi32, #tpu.memory_space<hbm>> -> memref<128xi32, #tpu.memory_space<hbm>>
    %dma_start3A_25 = tpu.memref_slice %arg3[%add3A_24] : memref<327680xi32, #tpu.memory_space<hbm>> -> memref<128xi32, #tpu.memory_space<hbm>>
    tpu.enqueue_dma source(%dma_start3A_25 : memref<128xi32, #tpu.memory_space<hbm>>) target(%arg7 : memref<128xi32, #tpu.memory_space<vmem>>) target_semaphore(%arg18 : memref<!tpu.dma_semaphore, #tpu.memory_space<semaphore_mem>>)
    %dma_start3A_26 = tpu.memref_slice %arg4[%add3A_24] : memref<327680xi32, #tpu.memory_space<hbm>> -> memref<128xi32, #tpu.memory_space<hbm>>
    %dma_start3A_27 = tpu.memref_slice %arg4[%add3A_24] : memref<327680xi32, #tpu.memory_space<hbm>> -> memref<128xi32, #tpu.memory_space<hbm>>
    tpu.enqueue_dma source(%dma_start3A_27 : memref<128xi32, #tpu.memory_space<hbm>>) target(%arg9 : memref<128xi32, #tpu.memory_space<vmem>>) target_semaphore(%arg18 : memref<!tpu.dma_semaphore, #tpu.memory_space<semaphore_mem>>)
    %add3A_28 = arith.constant 128 : i32
    %add3A_29 = arith.addi %mul3A_22, %add3A_28 : i32
    %dma_start3A_30 = tpu.memref_slice %arg3[%add3A_29] : memref<327680xi32, #tpu.memory_space<hbm>> -> memref<128xi32, #tpu.memory_space<hbm>>
    %dma_start3A_31 = tpu.memref_slice %arg3[%add3A_29] : memref<327680xi32, #tpu.memory_space<hbm>> -> memref<128xi32, #tpu.memory_space<hbm>>
    tpu.enqueue_dma source(%dma_start3A_31 : memref<128xi32, #tpu.memory_space<hbm>>) target(%arg8 : memref<128xi32, #tpu.memory_space<vmem>>) target_semaphore(%arg19 : memref<!tpu.dma_semaphore, #tpu.memory_space<semaphore_mem>>)
    %dma_start3A_32 = tpu.memref_slice %arg4[%add3A_29] : memref<327680xi32, #tpu.memory_space<hbm>> -> memref<128xi32, #tpu.memory_space<hbm>>
    %dma_start3A_33 = tpu.memref_slice %arg4[%add3A_29] : memref<327680xi32, #tpu.memory_space<hbm>> -> memref<128xi32, #tpu.memory_space<hbm>>
    tpu.enqueue_dma source(%dma_start3A_33 : memref<128xi32, #tpu.memory_space<hbm>>) target(%arg10 : memref<128xi32, #tpu.memory_space<vmem>>) target_semaphore(%arg19 : memref<!tpu.dma_semaphore, #tpu.memory_space<semaphore_mem>>)
    %dma_wait3A = arith.constant 0 : i32
    %dma_wait3A_34 = tpu.memref_slice %arg3[%dma_wait3A] : memref<327680xi32, #tpu.memory_space<hbm>> -> memref<128xi32, #tpu.memory_space<hbm>>
    %dma_wait3A_35 = arith.constant 0 : i32
    %dma_wait3A_36 = tpu.memref_slice %arg3[%dma_wait3A_35] : memref<327680xi32, #tpu.memory_space<hbm>> -> memref<128xi32, #tpu.memory_space<hbm>>
    tpu.wait_dma2 semaphore(%arg18 : memref<!tpu.dma_semaphore, #tpu.memory_space<semaphore_mem>>) src(%dma_wait3A_36 : memref<128xi32, #tpu.memory_space<hbm>>) dst(%arg7 : memref<128xi32, #tpu.memory_space<vmem>>)
    %dma_wait3A_37 = arith.constant 0 : i32
    %dma_wait3A_38 = tpu.memref_slice %arg4[%dma_wait3A_37] : memref<327680xi32, #tpu.memory_space<hbm>> -> memref<128xi32, #tpu.memory_space<hbm>>
    %dma_wait3A_39 = arith.constant 0 : i32
    %dma_wait3A_40 = tpu.memref_slice %arg4[%dma_wait3A_39] : memref<327680xi32, #tpu.memory_space<hbm>> -> memref<128xi32, #tpu.memory_space<hbm>>
    tpu.wait_dma2 semaphore(%arg18 : memref<!tpu.dma_semaphore, #tpu.memory_space<semaphore_mem>>) src(%dma_wait3A_40 : memref<128xi32, #tpu.memory_space<hbm>>) dst(%arg9 : memref<128xi32, #tpu.memory_space<vmem>>)
    %dma_start3A_41 = arith.constant 0 : i32
    %dma_start3A_42 = arith.constant 0 : i32
    %dma_start3A_43 = tpu.memref_slice %arg2[%dma_start3A_41, %dma_start3A_42] : memref<10000x128xf32, #tpu.memory_space<hbm>> -> memref<10000x128xf32, #tpu.memory_space<hbm>>
    tpu.enqueue_indirect_dma source(%dma_start3A_43 : memref<10000x128xf32, #tpu.memory_space<hbm>>) target(%arg13 : memref<128x128xf32, #tpu.memory_space<vmem>>) offsets(%arg7 : memref<128xi32, #tpu.memory_space<vmem>>) semaphore(%arg16 : memref<!tpu.dma_semaphore, #tpu.memory_space<semaphore_mem>>)
    %scan3A = arith.constant 0 : i32
    %scan3A_44 = arith.constant 0 : i32
    %scan3A_45 = arith.constant 19 : i32
    %scan3A_46 = arith.addi %scan3A_44, %scan3A_45 : i32
    %scan3A_47 = arith.constant 1 : i32
    scf.for %scan3A_114 = %scan3A_44 to %scan3A_46 step %scan3A_47  : i32 {
      %mul3A_115 = arith.constant 4 : i32
      %mul3A_116 = arith.muli %mul3A_115, %scan3A_114 : i32
      %dma_wait3A_117 = arith.constant 0 : i32
      %dma_wait3A_118 = tpu.memref_slice %arg3[%dma_wait3A_117] : memref<327680xi32, #tpu.memory_space<hbm>> -> memref<128xi32, #tpu.memory_space<hbm>>
      %dma_wait3A_119 = arith.constant 0 : i32
      %dma_wait3A_120 = tpu.memref_slice %arg3[%dma_wait3A_119] : memref<327680xi32, #tpu.memory_space<hbm>> -> memref<128xi32, #tpu.memory_space<hbm>>
      tpu.wait_dma2 semaphore(%arg19 : memref<!tpu.dma_semaphore, #tpu.memory_space<semaphore_mem>>) src(%dma_wait3A_120 : memref<128xi32, #tpu.memory_space<hbm>>) dst(%arg8 : memref<128xi32, #tpu.memory_space<vmem>>)
      %dma_wait3A_121 = arith.constant 0 : i32
      %dma_wait3A_122 = tpu.memref_slice %arg4[%dma_wait3A_121] : memref<327680xi32, #tpu.memory_space<hbm>> -> memref<128xi32, #tpu.memory_space<hbm>>
      %dma_wait3A_123 = arith.constant 0 : i32
      %dma_wait3A_124 = tpu.memref_slice %arg4[%dma_wait3A_123] : memref<327680xi32, #tpu.memory_space<hbm>> -> memref<128xi32, #tpu.memory_space<hbm>>
      tpu.wait_dma2 semaphore(%arg19 : memref<!tpu.dma_semaphore, #tpu.memory_space<semaphore_mem>>) src(%dma_wait3A_124 : memref<128xi32, #tpu.memory_space<hbm>>) dst(%arg10 : memref<128xi32, #tpu.memory_space<vmem>>)
      %dma_start3A_125 = arith.constant 0 : i32
      %dma_start3A_126 = arith.constant 0 : i32
      %dma_start3A_127 = tpu.memref_slice %arg2[%dma_start3A_125, %dma_start3A_126] : memref<10000x128xf32, #tpu.memory_space<hbm>> -> memref<10000x128xf32, #tpu.memory_space<hbm>>
      tpu.enqueue_indirect_dma source(%dma_start3A_127 : memref<10000x128xf32, #tpu.memory_space<hbm>>) target(%arg14 : memref<128x128xf32, #tpu.memory_space<vmem>>) offsets(%arg8 : memref<128xi32, #tpu.memory_space<vmem>>) semaphore(%arg17 : memref<!tpu.dma_semaphore, #tpu.memory_space<semaphore_mem>>)
      %dma_wait3A_128 = arith.constant 0 : i32
      %dma_wait3A_129 = arith.constant 0 : i32
      %dma_wait3A_130 = tpu.memref_slice %arg2[%dma_wait3A_128, %dma_wait3A_129] : memref<10000x128xf32, #tpu.memory_space<hbm>> -> memref<10000x128xf32, #tpu.memory_space<hbm>>
      tpu.wait_indirect_dma semaphore(%arg16 : memref<!tpu.dma_semaphore, #tpu.memory_space<semaphore_mem>>) src(%dma_wait3A_130 : memref<10000x128xf32, #tpu.memory_space<hbm>>) dst(%arg13 : memref<128x128xf32, #tpu.memory_space<vmem>>)
      "tpu.region"() ({
        %run_scoped3A = tpu.sem_alloc : memref<!tpu.dma_semaphore, #tpu.memory_space<semaphore_mem>>
        %dma_start3A_217 = arith.constant 0 : i32
        %dma_start3A_218 = arith.constant 0 : i32
        %dma_start3A_219 = tpu.memref_slice %arg20[%dma_start3A_217, %dma_start3A_218] : memref<10112x128xf32, #tpu.memory_space<vmem_shared>> -> memref<10112x128xf32, #tpu.memory_space<vmem_shared>>
        tpu.enqueue_indirect_dma source(%arg13 : memref<128x128xf32, #tpu.memory_space<vmem>>) target(%dma_start3A_219 : memref<10112x128xf32, #tpu.memory_space<vmem_shared>>) offsets(%arg9 : memref<128xi32, #tpu.memory_space<vmem>>) semaphore(%run_scoped3A : memref<!tpu.dma_semaphore, #tpu.memory_space<semaphore_mem>>) {add = true}
        %dma_wait3A_220 = arith.constant 0 : i32
        %dma_wait3A_221 = arith.constant 0 : i32
        %dma_wait3A_222 = tpu.memref_slice %arg20[%dma_wait3A_220, %dma_wait3A_221] : memref<10112x128xf32, #tpu.memory_space<vmem_shared>> -> memref<10112x128xf32, #tpu.memory_space<vmem_shared>>
        tpu.wait_indirect_dma semaphore(%run_scoped3A : memref<!tpu.dma_semaphore, #tpu.memory_space<semaphore_mem>>) src(%arg13 : memref<128x128xf32, #tpu.memory_space<vmem>>) dst(%dma_wait3A_222 : memref<10112x128xf32, #tpu.memory_space<vmem_shared>>)
        tpu.yield
      }) : () -> ()
      %add3A_131 = arith.constant 0 : i32
      %add3A_132 = arith.addi %mul3A_116, %add3A_131 : i32
      %add3A_133 = arith.constant 2 : i32
      %add3A_134 = arith.addi %add3A_132, %add3A_133 : i32
      %mul3A_135 = arith.constant 128 : i32
      %mul3A_136 = arith.muli %add3A_134, %mul3A_135 : i32
      %add3A_137 = arith.addi %mul3A_22, %mul3A_136 : i32
      %dma_start3A_138 = tpu.memref_slice %arg3[%add3A_137] : memref<327680xi32, #tpu.memory_space<hbm>> -> memref<128xi32, #tpu.memory_space<hbm>>
      %dma_start3A_139 = tpu.memref_slice %arg3[%add3A_137] : memref<327680xi32, #tpu.memory_space<hbm>> -> memref<128xi32, #tpu.memory_space<hbm>>
      tpu.enqueue_dma source(%dma_start3A_139 : memref<128xi32, #tpu.memory_space<hbm>>) target(%arg7 : memref<128xi32, #tpu.memory_space<vmem>>) target_semaphore(%arg18 : memref<!tpu.dma_semaphore, #tpu.memory_space<semaphore_mem>>)
      %dma_start3A_140 = tpu.memref_slice %arg4[%add3A_137] : memref<327680xi32, #tpu.memory_space<hbm>> -> memref<128xi32, #tpu.memory_space<hbm>>
      %dma_start3A_141 = tpu.memref_slice %arg4[%add3A_137] : memref<327680xi32, #tpu.memory_space<hbm>> -> memref<128xi32, #tpu.memory_space<hbm>>
      tpu.enqueue_dma source(%dma_start3A_141 : memref<128xi32, #tpu.memory_space<hbm>>) target(%arg11 : memref<128xi32, #tpu.memory_space<vmem>>) target_semaphore(%arg18 : memref<!tpu.dma_semaphore, #tpu.memory_space<semaphore_mem>>)
      %dma_wait3A_142 = arith.constant 0 : i32
      %dma_wait3A_143 = tpu.memref_slice %arg3[%dma_wait3A_142] : memref<327680xi32, #tpu.memory_space<hbm>> -> memref<128xi32, #tpu.memory_space<hbm>>
      %dma_wait3A_144 = arith.constant 0 : i32
      %dma_wait3A_145 = tpu.memref_slice %arg3[%dma_wait3A_144] : memref<327680xi32, #tpu.memory_space<hbm>> -> memref<128xi32, #tpu.memory_space<hbm>>
      tpu.wait_dma2 semaphore(%arg18 : memref<!tpu.dma_semaphore, #tpu.memory_space<semaphore_mem>>) src(%dma_wait3A_145 : memref<128xi32, #tpu.memory_space<hbm>>) dst(%arg7 : memref<128xi32, #tpu.memory_space<vmem>>)
      %dma_wait3A_146 = arith.constant 0 : i32
      %dma_wait3A_147 = tpu.memref_slice %arg4[%dma_wait3A_146] : memref<327680xi32, #tpu.memory_space<hbm>> -> memref<128xi32, #tpu.memory_space<hbm>>
      %dma_wait3A_148 = arith.constant 0 : i32
      %dma_wait3A_149 = tpu.memref_slice %arg4[%dma_wait3A_148] : memref<327680xi32, #tpu.memory_space<hbm>> -> memref<128xi32, #tpu.memory_space<hbm>>
      tpu.wait_dma2 semaphore(%arg18 : memref<!tpu.dma_semaphore, #tpu.memory_space<semaphore_mem>>) src(%dma_wait3A_149 : memref<128xi32, #tpu.memory_space<hbm>>) dst(%arg11 : memref<128xi32, #tpu.memory_space<vmem>>)
      %dma_start3A_150 = arith.constant 0 : i32
      %dma_start3A_151 = arith.constant 0 : i32
      %dma_start3A_152 = tpu.memref_slice %arg2[%dma_start3A_150, %dma_start3A_151] : memref<10000x128xf32, #tpu.memory_space<hbm>> -> memref<10000x128xf32, #tpu.memory_space<hbm>>
      tpu.enqueue_indirect_dma source(%dma_start3A_152 : memref<10000x128xf32, #tpu.memory_space<hbm>>) target(%arg13 : memref<128x128xf32, #tpu.memory_space<vmem>>) offsets(%arg7 : memref<128xi32, #tpu.memory_space<vmem>>) semaphore(%arg16 : memref<!tpu.dma_semaphore, #tpu.memory_space<semaphore_mem>>)
      %dma_wait3A_153 = arith.constant 0 : i32
      %dma_wait3A_154 = arith.constant 0 : i32
      %dma_wait3A_155 = tpu.memref_slice %arg2[%dma_wait3A_153, %dma_wait3A_154] : memref<10000x128xf32, #tpu.memory_space<hbm>> -> memref<10000x128xf32, #tpu.memory_space<hbm>>
      tpu.wait_indirect_dma semaphore(%arg17 : memref<!tpu.dma_semaphore, #tpu.memory_space<semaphore_mem>>) src(%dma_wait3A_155 : memref<10000x128xf32, #tpu.memory_space<hbm>>) dst(%arg14 : memref<128x128xf32, #tpu.memory_space<vmem>>)
      "tpu.region"() ({
        %run_scoped3A = tpu.sem_alloc : memref<!tpu.dma_semaphore, #tpu.memory_space<semaphore_mem>>
        %dma_start3A_217 = arith.constant 0 : i32
        %dma_start3A_218 = arith.constant 0 : i32
        %dma_start3A_219 = tpu.memref_slice %arg20[%dma_start3A_217, %dma_start3A_218] : memref<10112x128xf32, #tpu.memory_space<vmem_shared>> -> memref<10112x128xf32, #tpu.memory_space<vmem_shared>>
        tpu.enqueue_indirect_dma source(%arg14 : memref<128x128xf32, #tpu.memory_space<vmem>>) target(%dma_start3A_219 : memref<10112x128xf32, #tpu.memory_space<vmem_shared>>) offsets(%arg10 : memref<128xi32, #tpu.memory_space<vmem>>) semaphore(%run_scoped3A : memref<!tpu.dma_semaphore, #tpu.memory_space<semaphore_mem>>) {add = true}
        %dma_wait3A_220 = arith.constant 0 : i32
        %dma_wait3A_221 = arith.constant 0 : i32
        %dma_wait3A_222 = tpu.memref_slice %arg20[%dma_wait3A_220, %dma_wait3A_221] : memref<10112x128xf32, #tpu.memory_space<vmem_shared>> -> memref<10112x128xf32, #tpu.memory_space<vmem_shared>>
        tpu.wait_indirect_dma semaphore(%run_scoped3A : memref<!tpu.dma_semaphore, #tpu.memory_space<semaphore_mem>>) src(%arg14 : memref<128x128xf32, #tpu.memory_space<vmem>>) dst(%dma_wait3A_222 : memref<10112x128xf32, #tpu.memory_space<vmem_shared>>)
        tpu.yield
      }) : () -> ()
      %add3A_156 = arith.constant 1 : i32
      %add3A_157 = arith.addi %mul3A_116, %add3A_156 : i32
      %add3A_158 = arith.constant 2 : i32
      %add3A_159 = arith.addi %add3A_157, %add3A_158 : i32
      %mul3A_160 = arith.constant 128 : i32
      %mul3A_161 = arith.muli %add3A_159, %mul3A_160 : i32
      %add3A_162 = arith.addi %mul3A_22, %mul3A_161 : i32
      %dma_start3A_163 = tpu.memref_slice %arg3[%add3A_162] : memref<327680xi32, #tpu.memory_space<hbm>> -> memref<128xi32, #tpu.memory_space<hbm>>
      %dma_start3A_164 = tpu.memref_slice %arg3[%add3A_162] : memref<327680xi32, #tpu.memory_space<hbm>> -> memref<128xi32, #tpu.memory_space<hbm>>
      tpu.enqueue_dma source(%dma_start3A_164 : memref<128xi32, #tpu.memory_space<hbm>>) target(%arg8 : memref<128xi32, #tpu.memory_space<vmem>>) target_semaphore(%arg19 : memref<!tpu.dma_semaphore, #tpu.memory_space<semaphore_mem>>)
      %dma_start3A_165 = tpu.memref_slice %arg4[%add3A_162] : memref<327680xi32, #tpu.memory_space<hbm>> -> memref<128xi32, #tpu.memory_space<hbm>>
      %dma_start3A_166 = tpu.memref_slice %arg4[%add3A_162] : memref<327680xi32, #tpu.memory_space<hbm>> -> memref<128xi32, #tpu.memory_space<hbm>>
      tpu.enqueue_dma source(%dma_start3A_166 : memref<128xi32, #tpu.memory_space<hbm>>) target(%arg12 : memref<128xi32, #tpu.memory_space<vmem>>) target_semaphore(%arg19 : memref<!tpu.dma_semaphore, #tpu.memory_space<semaphore_mem>>)
      %dma_wait3A_167 = arith.constant 0 : i32
      %dma_wait3A_168 = tpu.memref_slice %arg3[%dma_wait3A_167] : memref<327680xi32, #tpu.memory_space<hbm>> -> memref<128xi32, #tpu.memory_space<hbm>>
      %dma_wait3A_169 = arith.constant 0 : i32
      %dma_wait3A_170 = tpu.memref_slice %arg3[%dma_wait3A_169] : memref<327680xi32, #tpu.memory_space<hbm>> -> memref<128xi32, #tpu.memory_space<hbm>>
      tpu.wait_dma2 semaphore(%arg19 : memref<!tpu.dma_semaphore, #tpu.memory_space<semaphore_mem>>) src(%dma_wait3A_170 : memref<128xi32, #tpu.memory_space<hbm>>) dst(%arg8 : memref<128xi32, #tpu.memory_space<vmem>>)
      %dma_wait3A_171 = arith.constant 0 : i32
      %dma_wait3A_172 = tpu.memref_slice %arg4[%dma_wait3A_171] : memref<327680xi32, #tpu.memory_space<hbm>> -> memref<128xi32, #tpu.memory_space<hbm>>
      %dma_wait3A_173 = arith.constant 0 : i32
      %dma_wait3A_174 = tpu.memref_slice %arg4[%dma_wait3A_173] : memref<327680xi32, #tpu.memory_space<hbm>> -> memref<128xi32, #tpu.memory_space<hbm>>
      tpu.wait_dma2 semaphore(%arg19 : memref<!tpu.dma_semaphore, #tpu.memory_space<semaphore_mem>>) src(%dma_wait3A_174 : memref<128xi32, #tpu.memory_space<hbm>>) dst(%arg12 : memref<128xi32, #tpu.memory_space<vmem>>)
      %dma_start3A_175 = arith.constant 0 : i32
      %dma_start3A_176 = arith.constant 0 : i32
      %dma_start3A_177 = tpu.memref_slice %arg2[%dma_start3A_175, %dma_start3A_176] : memref<10000x128xf32, #tpu.memory_space<hbm>> -> memref<10000x128xf32, #tpu.memory_space<hbm>>
      tpu.enqueue_indirect_dma source(%dma_start3A_177 : memref<10000x128xf32, #tpu.memory_space<hbm>>) target(%arg14 : memref<128x128xf32, #tpu.memory_space<vmem>>) offsets(%arg8 : memref<128xi32, #tpu.memory_space<vmem>>) semaphore(%arg17 : memref<!tpu.dma_semaphore, #tpu.memory_space<semaphore_mem>>)
      %dma_wait3A_178 = arith.constant 0 : i32
      %dma_wait3A_179 = arith.constant 0 : i32
      %dma_wait3A_180 = tpu.memref_slice %arg2[%dma_wait3A_178, %dma_wait3A_179] : memref<10000x128xf32, #tpu.memory_space<hbm>> -> memref<10000x128xf32, #tpu.memory_space<hbm>>
      tpu.wait_indirect_dma semaphore(%arg16 : memref<!tpu.dma_semaphore, #tpu.memory_space<semaphore_mem>>) src(%dma_wait3A_180 : memref<10000x128xf32, #tpu.memory_space<hbm>>) dst(%arg13 : memref<128x128xf32, #tpu.memory_space<vmem>>)
      "tpu.region"() ({
        %run_scoped3A = tpu.sem_alloc : memref<!tpu.dma_semaphore, #tpu.memory_space<semaphore_mem>>
        %dma_start3A_217 = arith.constant 0 : i32
        %dma_start3A_218 = arith.constant 0 : i32
        %dma_start3A_219 = tpu.memref_slice %arg20[%dma_start3A_217, %dma_start3A_218] : memref<10112x128xf32, #tpu.memory_space<vmem_shared>> -> memref<10112x128xf32, #tpu.memory_space<vmem_shared>>
        tpu.enqueue_indirect_dma source(%arg13 : memref<128x128xf32, #tpu.memory_space<vmem>>) target(%dma_start3A_219 : memref<10112x128xf32, #tpu.memory_space<vmem_shared>>) offsets(%arg11 : memref<128xi32, #tpu.memory_space<vmem>>) semaphore(%run_scoped3A : memref<!tpu.dma_semaphore, #tpu.memory_space<semaphore_mem>>) {add = true}
        %dma_wait3A_220 = arith.constant 0 : i32
        %dma_wait3A_221 = arith.constant 0 : i32
        %dma_wait3A_222 = tpu.memref_slice %arg20[%dma_wait3A_220, %dma_wait3A_221] : memref<10112x128xf32, #tpu.memory_space<vmem_shared>> -> memref<10112x128xf32, #tpu.memory_space<vmem_shared>>
        tpu.wait_indirect_dma semaphore(%run_scoped3A : memref<!tpu.dma_semaphore, #tpu.memory_space<semaphore_mem>>) src(%arg13 : memref<128x128xf32, #tpu.memory_space<vmem>>) dst(%dma_wait3A_222 : memref<10112x128xf32, #tpu.memory_space<vmem_shared>>)
        tpu.yield
      }) : () -> ()
      %add3A_181 = arith.constant 2 : i32
      %add3A_182 = arith.addi %mul3A_116, %add3A_181 : i32
      %add3A_183 = arith.constant 2 : i32
      %add3A_184 = arith.addi %add3A_182, %add3A_183 : i32
      %mul3A_185 = arith.constant 128 : i32
      %mul3A_186 = arith.muli %add3A_184, %mul3A_185 : i32
      %add3A_187 = arith.addi %mul3A_22, %mul3A_186 : i32
      %dma_start3A_188 = tpu.memref_slice %arg3[%add3A_187] : memref<327680xi32, #tpu.memory_space<hbm>> -> memref<128xi32, #tpu.memory_space<hbm>>
      %dma_start3A_189 = tpu.memref_slice %arg3[%add3A_187] : memref<327680xi32, #tpu.memory_space<hbm>> -> memref<128xi32, #tpu.memory_space<hbm>>
      tpu.enqueue_dma source(%dma_start3A_189 : memref<128xi32, #tpu.memory_space<hbm>>) target(%arg7 : memref<128xi32, #tpu.memory_space<vmem>>) target_semaphore(%arg18 : memref<!tpu.dma_semaphore, #tpu.memory_space<semaphore_mem>>)
      %dma_start3A_190 = tpu.memref_slice %arg4[%add3A_187] : memref<327680xi32, #tpu.memory_space<hbm>> -> memref<128xi32, #tpu.memory_space<hbm>>
      %dma_start3A_191 = tpu.memref_slice %arg4[%add3A_187] : memref<327680xi32, #tpu.memory_space<hbm>> -> memref<128xi32, #tpu.memory_space<hbm>>
      tpu.enqueue_dma source(%dma_start3A_191 : memref<128xi32, #tpu.memory_space<hbm>>) target(%arg9 : memref<128xi32, #tpu.memory_space<vmem>>) target_semaphore(%arg18 : memref<!tpu.dma_semaphore, #tpu.memory_space<semaphore_mem>>)
      %dma_wait3A_192 = arith.constant 0 : i32
      %dma_wait3A_193 = tpu.memref_slice %arg3[%dma_wait3A_192] : memref<327680xi32, #tpu.memory_space<hbm>> -> memref<128xi32, #tpu.memory_space<hbm>>
      %dma_wait3A_194 = arith.constant 0 : i32
      %dma_wait3A_195 = tpu.memref_slice %arg3[%dma_wait3A_194] : memref<327680xi32, #tpu.memory_space<hbm>> -> memref<128xi32, #tpu.memory_space<hbm>>
      tpu.wait_dma2 semaphore(%arg18 : memref<!tpu.dma_semaphore, #tpu.memory_space<semaphore_mem>>) src(%dma_wait3A_195 : memref<128xi32, #tpu.memory_space<hbm>>) dst(%arg7 : memref<128xi32, #tpu.memory_space<vmem>>)
      %dma_wait3A_196 = arith.constant 0 : i32
      %dma_wait3A_197 = tpu.memref_slice %arg4[%dma_wait3A_196] : memref<327680xi32, #tpu.memory_space<hbm>> -> memref<128xi32, #tpu.memory_space<hbm>>
      %dma_wait3A_198 = arith.constant 0 : i32
      %dma_wait3A_199 = tpu.memref_slice %arg4[%dma_wait3A_198] : memref<327680xi32, #tpu.memory_space<hbm>> -> memref<128xi32, #tpu.memory_space<hbm>>
      tpu.wait_dma2 semaphore(%arg18 : memref<!tpu.dma_semaphore, #tpu.memory_space<semaphore_mem>>) src(%dma_wait3A_199 : memref<128xi32, #tpu.memory_space<hbm>>) dst(%arg9 : memref<128xi32, #tpu.memory_space<vmem>>)
      %dma_start3A_200 = arith.constant 0 : i32
      %dma_start3A_201 = arith.constant 0 : i32
      %dma_start3A_202 = tpu.memref_slice %arg2[%dma_start3A_200, %dma_start3A_201] : memref<10000x128xf32, #tpu.memory_space<hbm>> -> memref<10000x128xf32, #tpu.memory_space<hbm>>
      tpu.enqueue_indirect_dma source(%dma_start3A_202 : memref<10000x128xf32, #tpu.memory_space<hbm>>) target(%arg13 : memref<128x128xf32, #tpu.memory_space<vmem>>) offsets(%arg7 : memref<128xi32, #tpu.memory_space<vmem>>) semaphore(%arg16 : memref<!tpu.dma_semaphore, #tpu.memory_space<semaphore_mem>>)
      %dma_wait3A_203 = arith.constant 0 : i32
      %dma_wait3A_204 = arith.constant 0 : i32
      %dma_wait3A_205 = tpu.memref_slice %arg2[%dma_wait3A_203, %dma_wait3A_204] : memref<10000x128xf32, #tpu.memory_space<hbm>> -> memref<10000x128xf32, #tpu.memory_space<hbm>>
      tpu.wait_indirect_dma semaphore(%arg17 : memref<!tpu.dma_semaphore, #tpu.memory_space<semaphore_mem>>) src(%dma_wait3A_205 : memref<10000x128xf32, #tpu.memory_space<hbm>>) dst(%arg14 : memref<128x128xf32, #tpu.memory_space<vmem>>)
      "tpu.region"() ({
        %run_scoped3A = tpu.sem_alloc : memref<!tpu.dma_semaphore, #tpu.memory_space<semaphore_mem>>
        %dma_start3A_217 = arith.constant 0 : i32
        %dma_start3A_218 = arith.constant 0 : i32
        %dma_start3A_219 = tpu.memref_slice %arg20[%dma_start3A_217, %dma_start3A_218] : memref<10112x128xf32, #tpu.memory_space<vmem_shared>> -> memref<10112x128xf32, #tpu.memory_space<vmem_shared>>
        tpu.enqueue_indirect_dma source(%arg14 : memref<128x128xf32, #tpu.memory_space<vmem>>) target(%dma_start3A_219 : memref<10112x128xf32, #tpu.memory_space<vmem_shared>>) offsets(%arg12 : memref<128xi32, #tpu.memory_space<vmem>>) semaphore(%run_scoped3A : memref<!tpu.dma_semaphore, #tpu.memory_space<semaphore_mem>>) {add = true}
        %dma_wait3A_220 = arith.constant 0 : i32
        %dma_wait3A_221 = arith.constant 0 : i32
        %dma_wait3A_222 = tpu.memref_slice %arg20[%dma_wait3A_220, %dma_wait3A_221] : memref<10112x128xf32, #tpu.memory_space<vmem_shared>> -> memref<10112x128xf32, #tpu.memory_space<vmem_shared>>
        tpu.wait_indirect_dma semaphore(%run_scoped3A : memref<!tpu.dma_semaphore, #tpu.memory_space<semaphore_mem>>) src(%arg14 : memref<128x128xf32, #tpu.memory_space<vmem>>) dst(%dma_wait3A_222 : memref<10112x128xf32, #tpu.memory_space<vmem_shared>>)
        tpu.yield
      }) : () -> ()
      %add3A_206 = arith.constant 3 : i32
      %add3A_207 = arith.addi %mul3A_116, %add3A_206 : i32
      %add3A_208 = arith.constant 2 : i32
      %add3A_209 = arith.addi %add3A_207, %add3A_208 : i32
      %mul3A_210 = arith.constant 128 : i32
      %mul3A_211 = arith.muli %add3A_209, %mul3A_210 : i32
      %add3A_212 = arith.addi %mul3A_22, %mul3A_211 : i32
      %dma_start3A_213 = tpu.memref_slice %arg3[%add3A_212] : memref<327680xi32, #tpu.memory_space<hbm>> -> memref<128xi32, #tpu.memory_space<hbm>>
      %dma_start3A_214 = tpu.memref_slice %arg3[%add3A_212] : memref<327680xi32, #tpu.memory_space<hbm>> -> memref<128xi32, #tpu.memory_space<hbm>>
      tpu.enqueue_dma source(%dma_start3A_214 : memref<128xi32, #tpu.memory_space<hbm>>) target(%arg8 : memref<128xi32, #tpu.memory_space<vmem>>) target_semaphore(%arg19 : memref<!tpu.dma_semaphore, #tpu.memory_space<semaphore_mem>>)
      %dma_start3A_215 = tpu.memref_slice %arg4[%add3A_212] : memref<327680xi32, #tpu.memory_space<hbm>> -> memref<128xi32, #tpu.memory_space<hbm>>
      %dma_start3A_216 = tpu.memref_slice %arg4[%add3A_212] : memref<327680xi32, #tpu.memory_space<hbm>> -> memref<128xi32, #tpu.memory_space<hbm>>
      tpu.enqueue_dma source(%dma_start3A_216 : memref<128xi32, #tpu.memory_space<hbm>>) target(%arg10 : memref<128xi32, #tpu.memory_space<vmem>>) target_semaphore(%arg19 : memref<!tpu.dma_semaphore, #tpu.memory_space<semaphore_mem>>)
    }
    %scan3A_48 = arith.constant 19 : i32
    %dma_wait3A_49 = arith.constant 0 : i32
    %dma_wait3A_50 = tpu.memref_slice %arg3[%dma_wait3A_49] : memref<327680xi32, #tpu.memory_space<hbm>> -> memref<128xi32, #tpu.memory_space<hbm>>
    %dma_wait3A_51 = arith.constant 0 : i32
    %dma_wait3A_52 = tpu.memref_slice %arg3[%dma_wait3A_51] : memref<327680xi32, #tpu.memory_space<hbm>> -> memref<128xi32, #tpu.memory_space<hbm>>
    tpu.wait_dma2 semaphore(%arg19 : memref<!tpu.dma_semaphore, #tpu.memory_space<semaphore_mem>>) src(%dma_wait3A_52 : memref<128xi32, #tpu.memory_space<hbm>>) dst(%arg8 : memref<128xi32, #tpu.memory_space<vmem>>)
    %dma_wait3A_53 = arith.constant 0 : i32
    %dma_wait3A_54 = tpu.memref_slice %arg4[%dma_wait3A_53] : memref<327680xi32, #tpu.memory_space<hbm>> -> memref<128xi32, #tpu.memory_space<hbm>>
    %dma_wait3A_55 = arith.constant 0 : i32
    %dma_wait3A_56 = tpu.memref_slice %arg4[%dma_wait3A_55] : memref<327680xi32, #tpu.memory_space<hbm>> -> memref<128xi32, #tpu.memory_space<hbm>>
    tpu.wait_dma2 semaphore(%arg19 : memref<!tpu.dma_semaphore, #tpu.memory_space<semaphore_mem>>) src(%dma_wait3A_56 : memref<128xi32, #tpu.memory_space<hbm>>) dst(%arg10 : memref<128xi32, #tpu.memory_space<vmem>>)
    %dma_start3A_57 = arith.constant 0 : i32
    %dma_start3A_58 = arith.constant 0 : i32
    %dma_start3A_59 = tpu.memref_slice %arg2[%dma_start3A_57, %dma_start3A_58] : memref<10000x128xf32, #tpu.memory_space<hbm>> -> memref<10000x128xf32, #tpu.memory_space<hbm>>
    tpu.enqueue_indirect_dma source(%dma_start3A_59 : memref<10000x128xf32, #tpu.memory_space<hbm>>) target(%arg14 : memref<128x128xf32, #tpu.memory_space<vmem>>) offsets(%arg8 : memref<128xi32, #tpu.memory_space<vmem>>) semaphore(%arg17 : memref<!tpu.dma_semaphore, #tpu.memory_space<semaphore_mem>>)
    %dma_wait3A_60 = arith.constant 0 : i32
    %dma_wait3A_61 = arith.constant 0 : i32
    %dma_wait3A_62 = tpu.memref_slice %arg2[%dma_wait3A_60, %dma_wait3A_61] : memref<10000x128xf32, #tpu.memory_space<hbm>> -> memref<10000x128xf32, #tpu.memory_space<hbm>>
    tpu.wait_indirect_dma semaphore(%arg16 : memref<!tpu.dma_semaphore, #tpu.memory_space<semaphore_mem>>) src(%dma_wait3A_62 : memref<10000x128xf32, #tpu.memory_space<hbm>>) dst(%arg13 : memref<128x128xf32, #tpu.memory_space<vmem>>)
    "tpu.region"() ({
      %run_scoped3A = tpu.sem_alloc : memref<!tpu.dma_semaphore, #tpu.memory_space<semaphore_mem>>
      %dma_start3A_114 = arith.constant 0 : i32
      %dma_start3A_115 = arith.constant 0 : i32
      %dma_start3A_116 = tpu.memref_slice %arg20[%dma_start3A_114, %dma_start3A_115] : memref<10112x128xf32, #tpu.memory_space<vmem_shared>> -> memref<10112x128xf32, #tpu.memory_space<vmem_shared>>
      tpu.enqueue_indirect_dma source(%arg13 : memref<128x128xf32, #tpu.memory_space<vmem>>) target(%dma_start3A_116 : memref<10112x128xf32, #tpu.memory_space<vmem_shared>>) offsets(%arg9 : memref<128xi32, #tpu.memory_space<vmem>>) semaphore(%run_scoped3A : memref<!tpu.dma_semaphore, #tpu.memory_space<semaphore_mem>>) {add = true}
      %dma_wait3A_117 = arith.constant 0 : i32
      %dma_wait3A_118 = arith.constant 0 : i32
      %dma_wait3A_119 = tpu.memref_slice %arg20[%dma_wait3A_117, %dma_wait3A_118] : memref<10112x128xf32, #tpu.memory_space<vmem_shared>> -> memref<10112x128xf32, #tpu.memory_space<vmem_shared>>
      tpu.wait_indirect_dma semaphore(%run_scoped3A : memref<!tpu.dma_semaphore, #tpu.memory_space<semaphore_mem>>) src(%arg13 : memref<128x128xf32, #tpu.memory_space<vmem>>) dst(%dma_wait3A_119 : memref<10112x128xf32, #tpu.memory_space<vmem_shared>>)
      tpu.yield
    }) : () -> ()
    %add3A_63 = arith.constant 9984 : i32
    %add3A_64 = arith.addi %mul3A_22, %add3A_63 : i32
    %dma_start3A_65 = tpu.memref_slice %arg3[%add3A_64] : memref<327680xi32, #tpu.memory_space<hbm>> -> memref<128xi32, #tpu.memory_space<hbm>>
    %dma_start3A_66 = tpu.memref_slice %arg3[%add3A_64] : memref<327680xi32, #tpu.memory_space<hbm>> -> memref<128xi32, #tpu.memory_space<hbm>>
    tpu.enqueue_dma source(%dma_start3A_66 : memref<128xi32, #tpu.memory_space<hbm>>) target(%arg7 : memref<128xi32, #tpu.memory_space<vmem>>) target_semaphore(%arg18 : memref<!tpu.dma_semaphore, #tpu.memory_space<semaphore_mem>>)
    %dma_start3A_67 = tpu.memref_slice %arg4[%add3A_64] : memref<327680xi32, #tpu.memory_space<hbm>> -> memref<128xi32, #tpu.memory_space<hbm>>
    %dma_start3A_68 = tpu.memref_slice %arg4[%add3A_64] : memref<327680xi32, #tpu.memory_space<hbm>> -> memref<128xi32, #tpu.memory_space<hbm>>
    tpu.enqueue_dma source(%dma_start3A_68 : memref<128xi32, #tpu.memory_space<hbm>>) target(%arg11 : memref<128xi32, #tpu.memory_space<vmem>>) target_semaphore(%arg18 : memref<!tpu.dma_semaphore, #tpu.memory_space<semaphore_mem>>)
    %dma_wait3A_69 = arith.constant 0 : i32
    %dma_wait3A_70 = tpu.memref_slice %arg3[%dma_wait3A_69] : memref<327680xi32, #tpu.memory_space<hbm>> -> memref<128xi32, #tpu.memory_space<hbm>>
    %dma_wait3A_71 = arith.constant 0 : i32
    %dma_wait3A_72 = tpu.memref_slice %arg3[%dma_wait3A_71] : memref<327680xi32, #tpu.memory_space<hbm>> -> memref<128xi32, #tpu.memory_space<hbm>>
    tpu.wait_dma2 semaphore(%arg18 : memref<!tpu.dma_semaphore, #tpu.memory_space<semaphore_mem>>) src(%dma_wait3A_72 : memref<128xi32, #tpu.memory_space<hbm>>) dst(%arg7 : memref<128xi32, #tpu.memory_space<vmem>>)
    %dma_wait3A_73 = arith.constant 0 : i32
    %dma_wait3A_74 = tpu.memref_slice %arg4[%dma_wait3A_73] : memref<327680xi32, #tpu.memory_space<hbm>> -> memref<128xi32, #tpu.memory_space<hbm>>
    %dma_wait3A_75 = arith.constant 0 : i32
    %dma_wait3A_76 = tpu.memref_slice %arg4[%dma_wait3A_75] : memref<327680xi32, #tpu.memory_space<hbm>> -> memref<128xi32, #tpu.memory_space<hbm>>
    tpu.wait_dma2 semaphore(%arg18 : memref<!tpu.dma_semaphore, #tpu.memory_space<semaphore_mem>>) src(%dma_wait3A_76 : memref<128xi32, #tpu.memory_space<hbm>>) dst(%arg11 : memref<128xi32, #tpu.memory_space<vmem>>)
    %dma_start3A_77 = arith.constant 0 : i32
    %dma_start3A_78 = arith.constant 0 : i32
    %dma_start3A_79 = tpu.memref_slice %arg2[%dma_start3A_77, %dma_start3A_78] : memref<10000x128xf32, #tpu.memory_space<hbm>> -> memref<10000x128xf32, #tpu.memory_space<hbm>>
    tpu.enqueue_indirect_dma source(%dma_start3A_79 : memref<10000x128xf32, #tpu.memory_space<hbm>>) target(%arg13 : memref<128x128xf32, #tpu.memory_space<vmem>>) offsets(%arg7 : memref<128xi32, #tpu.memory_space<vmem>>) semaphore(%arg16 : memref<!tpu.dma_semaphore, #tpu.memory_space<semaphore_mem>>)
    %dma_wait3A_80 = arith.constant 0 : i32
    %dma_wait3A_81 = arith.constant 0 : i32
    %dma_wait3A_82 = tpu.memref_slice %arg2[%dma_wait3A_80, %dma_wait3A_81] : memref<10000x128xf32, #tpu.memory_space<hbm>> -> memref<10000x128xf32, #tpu.memory_space<hbm>>
    tpu.wait_indirect_dma semaphore(%arg17 : memref<!tpu.dma_semaphore, #tpu.memory_space<semaphore_mem>>) src(%dma_wait3A_82 : memref<10000x128xf32, #tpu.memory_space<hbm>>) dst(%arg14 : memref<128x128xf32, #tpu.memory_space<vmem>>)
    "tpu.region"() ({
      %run_scoped3A = tpu.sem_alloc : memref<!tpu.dma_semaphore, #tpu.memory_space<semaphore_mem>>
      %dma_start3A_114 = arith.constant 0 : i32
      %dma_start3A_115 = arith.constant 0 : i32
      %dma_start3A_116 = tpu.memref_slice %arg20[%dma_start3A_114, %dma_start3A_115] : memref<10112x128xf32, #tpu.memory_space<vmem_shared>> -> memref<10112x128xf32, #tpu.memory_space<vmem_shared>>
      tpu.enqueue_indirect_dma source(%arg14 : memref<128x128xf32, #tpu.memory_space<vmem>>) target(%dma_start3A_116 : memref<10112x128xf32, #tpu.memory_space<vmem_shared>>) offsets(%arg10 : memref<128xi32, #tpu.memory_space<vmem>>) semaphore(%run_scoped3A : memref<!tpu.dma_semaphore, #tpu.memory_space<semaphore_mem>>) {add = true}
      %dma_wait3A_117 = arith.constant 0 : i32
      %dma_wait3A_118 = arith.constant 0 : i32
      %dma_wait3A_119 = tpu.memref_slice %arg20[%dma_wait3A_117, %dma_wait3A_118] : memref<10112x128xf32, #tpu.memory_space<vmem_shared>> -> memref<10112x128xf32, #tpu.memory_space<vmem_shared>>
      tpu.wait_indirect_dma semaphore(%run_scoped3A : memref<!tpu.dma_semaphore, #tpu.memory_space<semaphore_mem>>) src(%arg14 : memref<128x128xf32, #tpu.memory_space<vmem>>) dst(%dma_wait3A_119 : memref<10112x128xf32, #tpu.memory_space<vmem_shared>>)
      tpu.yield
    }) : () -> ()
    %add3A_83 = arith.constant 10112 : i32
    %add3A_84 = arith.addi %mul3A_22, %add3A_83 : i32
    %dma_start3A_85 = tpu.memref_slice %arg3[%add3A_84] : memref<327680xi32, #tpu.memory_space<hbm>> -> memref<128xi32, #tpu.memory_space<hbm>>
    %dma_start3A_86 = tpu.memref_slice %arg3[%add3A_84] : memref<327680xi32, #tpu.memory_space<hbm>> -> memref<128xi32, #tpu.memory_space<hbm>>
    tpu.enqueue_dma source(%dma_start3A_86 : memref<128xi32, #tpu.memory_space<hbm>>) target(%arg8 : memref<128xi32, #tpu.memory_space<vmem>>) target_semaphore(%arg19 : memref<!tpu.dma_semaphore, #tpu.memory_space<semaphore_mem>>)
    %dma_start3A_87 = tpu.memref_slice %arg4[%add3A_84] : memref<327680xi32, #tpu.memory_space<hbm>> -> memref<128xi32, #tpu.memory_space<hbm>>
    %dma_start3A_88 = tpu.memref_slice %arg4[%add3A_84] : memref<327680xi32, #tpu.memory_space<hbm>> -> memref<128xi32, #tpu.memory_space<hbm>>
    tpu.enqueue_dma source(%dma_start3A_88 : memref<128xi32, #tpu.memory_space<hbm>>) target(%arg12 : memref<128xi32, #tpu.memory_space<vmem>>) target_semaphore(%arg19 : memref<!tpu.dma_semaphore, #tpu.memory_space<semaphore_mem>>)
    %dma_wait3A_89 = arith.constant 0 : i32
    %dma_wait3A_90 = tpu.memref_slice %arg3[%dma_wait3A_89] : memref<327680xi32, #tpu.memory_space<hbm>> -> memref<128xi32, #tpu.memory_space<hbm>>
    %dma_wait3A_91 = arith.constant 0 : i32
    %dma_wait3A_92 = tpu.memref_slice %arg3[%dma_wait3A_91] : memref<327680xi32, #tpu.memory_space<hbm>> -> memref<128xi32, #tpu.memory_space<hbm>>
    tpu.wait_dma2 semaphore(%arg19 : memref<!tpu.dma_semaphore, #tpu.memory_space<semaphore_mem>>) src(%dma_wait3A_92 : memref<128xi32, #tpu.memory_space<hbm>>) dst(%arg8 : memref<128xi32, #tpu.memory_space<vmem>>)
    %dma_wait3A_93 = arith.constant 0 : i32
    %dma_wait3A_94 = tpu.memref_slice %arg4[%dma_wait3A_93] : memref<327680xi32, #tpu.memory_space<hbm>> -> memref<128xi32, #tpu.memory_space<hbm>>
    %dma_wait3A_95 = arith.constant 0 : i32
    %dma_wait3A_96 = tpu.memref_slice %arg4[%dma_wait3A_95] : memref<327680xi32, #tpu.memory_space<hbm>> -> memref<128xi32, #tpu.memory_space<hbm>>
    tpu.wait_dma2 semaphore(%arg19 : memref<!tpu.dma_semaphore, #tpu.memory_space<semaphore_mem>>) src(%dma_wait3A_96 : memref<128xi32, #tpu.memory_space<hbm>>) dst(%arg12 : memref<128xi32, #tpu.memory_space<vmem>>)
    %dma_start3A_97 = arith.constant 0 : i32
    %dma_start3A_98 = arith.constant 0 : i32
    %dma_start3A_99 = tpu.memref_slice %arg2[%dma_start3A_97, %dma_start3A_98] : memref<10000x128xf32, #tpu.memory_space<hbm>> -> memref<10000x128xf32, #tpu.memory_space<hbm>>
    tpu.enqueue_indirect_dma source(%dma_start3A_99 : memref<10000x128xf32, #tpu.memory_space<hbm>>) target(%arg14 : memref<128x128xf32, #tpu.memory_space<vmem>>) offsets(%arg8 : memref<128xi32, #tpu.memory_space<vmem>>) semaphore(%arg17 : memref<!tpu.dma_semaphore, #tpu.memory_space<semaphore_mem>>)
    %dma_wait3A_100 = arith.constant 0 : i32
    %dma_wait3A_101 = arith.constant 0 : i32
    %dma_wait3A_102 = tpu.memref_slice %arg2[%dma_wait3A_100, %dma_wait3A_101] : memref<10000x128xf32, #tpu.memory_space<hbm>> -> memref<10000x128xf32, #tpu.memory_space<hbm>>
    tpu.wait_indirect_dma semaphore(%arg16 : memref<!tpu.dma_semaphore, #tpu.memory_space<semaphore_mem>>) src(%dma_wait3A_102 : memref<10000x128xf32, #tpu.memory_space<hbm>>) dst(%arg13 : memref<128x128xf32, #tpu.memory_space<vmem>>)
    "tpu.region"() ({
      %run_scoped3A = tpu.sem_alloc : memref<!tpu.dma_semaphore, #tpu.memory_space<semaphore_mem>>
      %dma_start3A_114 = arith.constant 0 : i32
      %dma_start3A_115 = arith.constant 0 : i32
      %dma_start3A_116 = tpu.memref_slice %arg20[%dma_start3A_114, %dma_start3A_115] : memref<10112x128xf32, #tpu.memory_space<vmem_shared>> -> memref<10112x128xf32, #tpu.memory_space<vmem_shared>>
      tpu.enqueue_indirect_dma source(%arg13 : memref<128x128xf32, #tpu.memory_space<vmem>>) target(%dma_start3A_116 : memref<10112x128xf32, #tpu.memory_space<vmem_shared>>) offsets(%arg11 : memref<128xi32, #tpu.memory_space<vmem>>) semaphore(%run_scoped3A : memref<!tpu.dma_semaphore, #tpu.memory_space<semaphore_mem>>) {add = true}
      %dma_wait3A_117 = arith.constant 0 : i32
      %dma_wait3A_118 = arith.constant 0 : i32
      %dma_wait3A_119 = tpu.memref_slice %arg20[%dma_wait3A_117, %dma_wait3A_118] : memref<10112x128xf32, #tpu.memory_space<vmem_shared>> -> memref<10112x128xf32, #tpu.memory_space<vmem_shared>>
      tpu.wait_indirect_dma semaphore(%run_scoped3A : memref<!tpu.dma_semaphore, #tpu.memory_space<semaphore_mem>>) src(%arg13 : memref<128x128xf32, #tpu.memory_space<vmem>>) dst(%dma_wait3A_119 : memref<10112x128xf32, #tpu.memory_space<vmem_shared>>)
      tpu.yield
    }) : () -> ()
    %dma_wait3A_103 = arith.constant 0 : i32
    %dma_wait3A_104 = arith.constant 0 : i32
    %dma_wait3A_105 = tpu.memref_slice %arg2[%dma_wait3A_103, %dma_wait3A_104] : memref<10000x128xf32, #tpu.memory_space<hbm>> -> memref<10000x128xf32, #tpu.memory_space<hbm>>
    tpu.wait_indirect_dma semaphore(%arg17 : memref<!tpu.dma_semaphore, #tpu.memory_space<semaphore_mem>>) src(%dma_wait3A_105 : memref<10000x128xf32, #tpu.memory_space<hbm>>) dst(%arg14 : memref<128x128xf32, #tpu.memory_space<vmem>>)
    "tpu.region"() ({
      %run_scoped3A = tpu.sem_alloc : memref<!tpu.dma_semaphore, #tpu.memory_space<semaphore_mem>>
      %dma_start3A_114 = arith.constant 0 : i32
      %dma_start3A_115 = arith.constant 0 : i32
      %dma_start3A_116 = tpu.memref_slice %arg20[%dma_start3A_114, %dma_start3A_115] : memref<10112x128xf32, #tpu.memory_space<vmem_shared>> -> memref<10112x128xf32, #tpu.memory_space<vmem_shared>>
      tpu.enqueue_indirect_dma source(%arg14 : memref<128x128xf32, #tpu.memory_space<vmem>>) target(%dma_start3A_116 : memref<10112x128xf32, #tpu.memory_space<vmem_shared>>) offsets(%arg12 : memref<128xi32, #tpu.memory_space<vmem>>) semaphore(%run_scoped3A : memref<!tpu.dma_semaphore, #tpu.memory_space<semaphore_mem>>) {add = true}
      %dma_wait3A_117 = arith.constant 0 : i32
      %dma_wait3A_118 = arith.constant 0 : i32
      %dma_wait3A_119 = tpu.memref_slice %arg20[%dma_wait3A_117, %dma_wait3A_118] : memref<10112x128xf32, #tpu.memory_space<vmem_shared>> -> memref<10112x128xf32, #tpu.memory_space<vmem_shared>>
      tpu.wait_indirect_dma semaphore(%run_scoped3A : memref<!tpu.dma_semaphore, #tpu.memory_space<semaphore_mem>>) src(%arg14 : memref<128x128xf32, #tpu.memory_space<vmem>>) dst(%dma_wait3A_119 : memref<10112x128xf32, #tpu.memory_space<vmem_shared>>)
      tpu.yield
    }) : () -> ()
    %barrier3A_106 = arith.constant 0 : index
    tpu.barrier barrier_id(%barrier3A_106)
    %mul3A_107 = arith.constant 632 : i32
    %mul3A_108 = arith.muli %arg1, %mul3A_107 : i32
    %mul3A_109 = arith.constant 10112 : i32
    %mul3A_110 = arith.muli %arg0, %mul3A_109 : i32
    %mul3A_111 = arith.constant 632 : i32
    %mul3A_112 = arith.muli %arg1, %mul3A_111 : i32
    %add3A_113 = arith.addi %mul3A_110, %mul3A_112 : i32
    "tpu.region"() ({
      %run_scoped3A = tpu.sem_alloc : memref<!tpu.dma_semaphore, #tpu.memory_space<semaphore_mem>>
      %dma_start3A_114 = arith.constant 0 : i32
      %dma_start3A_115 = tpu.memref_slice %arg6[%add3A_113, %dma_start3A_114] : memref<20224x128xf32, #tpu.memory_space<hbm>> -> memref<632x128xf32, #tpu.memory_space<hbm>>
      %dma_start3A_116 = arith.constant 0 : i32
      %dma_start3A_117 = tpu.memref_slice %arg20[%mul3A_108, %dma_start3A_116] : memref<10112x128xf32, #tpu.memory_space<vmem_shared>> -> memref<632x128xf32, #tpu.memory_space<vmem_shared>>
      tpu.enqueue_dma source(%dma_start3A_117 : memref<632x128xf32, #tpu.memory_space<vmem_shared>>) target(%dma_start3A_115 : memref<632x128xf32, #tpu.memory_space<hbm>>) target_semaphore(%run_scoped3A : memref<!tpu.dma_semaphore, #tpu.memory_space<semaphore_mem>>)
      %dma_wait3A_118 = arith.constant 0 : i32
      %dma_wait3A_119 = tpu.memref_slice %arg6[%add3A_113, %dma_wait3A_118] : memref<20224x128xf32, #tpu.memory_space<hbm>> -> memref<632x128xf32, #tpu.memory_space<hbm>>
      %dma_wait3A_120 = arith.constant 0 : i32
      %dma_wait3A_121 = tpu.memref_slice %arg20[%mul3A_108, %dma_wait3A_120] : memref<10112x128xf32, #tpu.memory_space<vmem_shared>> -> memref<632x128xf32, #tpu.memory_space<vmem_shared>>
      tpu.wait_dma2 semaphore(%run_scoped3A : memref<!tpu.dma_semaphore, #tpu.memory_space<semaphore_mem>>) src(%dma_wait3A_121 : memref<632x128xf32, #tpu.memory_space<vmem_shared>>) dst(%dma_wait3A_119 : memref<632x128xf32, #tpu.memory_space<hbm>>)
      tpu.yield
    }) : () -> ()
    return
  }
}

#map = affine_map<(d0, d1) -> (0, 0)>
#map1 = affine_map<(d0, d1) -> (0)>
module attributes {stable_mosaic.version = 14 : i64} {
  func.func @k(%arg0: i32, %arg1: i32, %arg2: memref<10000x128xf32, #tpu.memory_space<hbm>>, %arg3: memref<327680xi32, #tpu.memory_space<hbm>>, %arg4: memref<327680xi32, #tpu.memory_space<hbm>>, %arg5: memref<128x128xf32, #tpu.memory_space<hbm>>, %arg6: memref<20224x128xf32, #tpu.memory_space<hbm>>, %arg7: memref<128xi32, #tpu.memory_space<vmem>>, %arg8: memref<128xi32, #tpu.memory_space<vmem>>, %arg9: memref<128xi32, #tpu.memory_space<vmem>>, %arg10: memref<128xi32, #tpu.memory_space<vmem>>, %arg11: memref<128xi32, #tpu.memory_space<vmem>>, %arg12: memref<128xi32, #tpu.memory_space<vmem>>, %arg13: memref<128x128xf32, #tpu.memory_space<vmem>>, %arg14: memref<128x128xf32, #tpu.memory_space<vmem>>, %arg15: memref<128x128xf32, #tpu.memory_space<vmem>>, %arg16: memref<!tpu.dma_semaphore, #tpu.memory_space<semaphore_mem>>, %arg17: memref<!tpu.dma_semaphore, #tpu.memory_space<semaphore_mem>>, %arg18: memref<!tpu.dma_semaphore, #tpu.memory_space<semaphore_mem>>, %arg19: memref<!tpu.dma_semaphore, #tpu.memory_space<semaphore_mem>>, %arg20: memref<10112x128xf32, #tpu.memory_space<vmem_shared>>) attributes {dimension_semantics = [#tpu.dimension_semantics<core_parallel>, #tpu.dimension_semantics<subcore_parallel>], iteration_bounds = array<i64: 2, 16>, scalar_prefetch = 0 : i64, scratch_operands = 14 : i64, tpu.core_type = #tpu.core_type<sc_vector_subcore>, window_params = [{transform_indices = #map}, {transform_indices = #map1}, {transform_indices = #map1}, {transform_indices = #map}, {transform_indices = #map}]} {
    "tpu.region"() ({
      %run_scoped3A = tpu.sem_alloc : memref<!tpu.dma_semaphore, #tpu.memory_space<semaphore_mem>>
      tpu.enqueue_dma source(%arg5 : memref<128x128xf32, #tpu.memory_space<hbm>>) target(%arg15 : memref<128x128xf32, #tpu.memory_space<vmem>>) target_semaphore(%run_scoped3A : memref<!tpu.dma_semaphore, #tpu.memory_space<semaphore_mem>>)
      tpu.wait_dma2 semaphore(%run_scoped3A : memref<!tpu.dma_semaphore, #tpu.memory_space<semaphore_mem>>) src(%arg5 : memref<128x128xf32, #tpu.memory_space<hbm>>) dst(%arg15 : memref<128x128xf32, #tpu.memory_space<vmem>>)
      tpu.yield
    }) : () -> ()
    %mul3A = arith.constant 632 : i32
    %mul3A_0 = arith.muli %arg1, %mul3A : i32
    %add3A = arith.constant 0 : i32
    %add3A_1 = arith.addi %mul3A_0, %add3A : i32
    "tpu.region"() ({
      %run_scoped3A = tpu.sem_alloc : memref<!tpu.dma_semaphore, #tpu.memory_space<semaphore_mem>>
      %dma_start3A_114 = arith.constant 0 : i32
      %dma_start3A_115 = tpu.memref_slice %arg20[%add3A_1, %dma_start3A_114] : memref<10112x128xf32, #tpu.memory_space<vmem_shared>> -> memref<128x128xf32, #tpu.memory_space<vmem_shared>>
      %dma_start3A_116 = arith.constant 0 : i32
      %dma_start3A_117 = tpu.memref_slice %arg20[%add3A_1, %dma_start3A_116] : memref<10112x128xf32, #tpu.memory_space<vmem_shared>> -> memref<128x128xf32, #tpu.memory_space<vmem_shared>>
      tpu.enqueue_dma source(%arg15 : memref<128x128xf32, #tpu.memory_space<vmem>>) target(%dma_start3A_117 : memref<128x128xf32, #tpu.memory_space<vmem_shared>>) target_semaphore(%run_scoped3A : memref<!tpu.dma_semaphore, #tpu.memory_space<semaphore_mem>>)
      %dma_wait3A_118 = arith.constant 0 : i32
      %dma_wait3A_119 = tpu.memref_slice %arg20[%add3A_1, %dma_wait3A_118] : memref<10112x128xf32, #tpu.memory_space<vmem_shared>> -> memref<128x128xf32, #tpu.memory_space<vmem_shared>>
      %dma_wait3A_120 = arith.constant 0 : i32
      %dma_wait3A_121 = tpu.memref_slice %arg20[%add3A_1, %dma_wait3A_120] : memref<10112x128xf32, #tpu.memory_space<vmem_shared>> -> memref<128x128xf32, #tpu.memory_space<vmem_shared>>
      tpu.wait_dma2 semaphore(%run_scoped3A : memref<!tpu.dma_semaphore, #tpu.memory_space<semaphore_mem>>) src(%arg15 : memref<128x128xf32, #tpu.memory_space<vmem>>) dst(%dma_wait3A_121 : memref<128x128xf32, #tpu.memory_space<vmem_shared>>)
      tpu.yield
    }) : () -> ()
    %mul3A_2 = arith.constant 632 : i32
    %mul3A_3 = arith.muli %arg1, %mul3A_2 : i32
    %add3A_4 = arith.constant 128 : i32
    %add3A_5 = arith.addi %mul3A_3, %add3A_4 : i32
    "tpu.region"() ({
      %run_scoped3A = tpu.sem_alloc : memref<!tpu.dma_semaphore, #tpu.memory_space<semaphore_mem>>
      %dma_start3A_114 = arith.constant 0 : i32
      %dma_start3A_115 = tpu.memref_slice %arg20[%add3A_5, %dma_start3A_114] : memref<10112x128xf32, #tpu.memory_space<vmem_shared>> -> memref<128x128xf32, #tpu.memory_space<vmem_shared>>
      %dma_start3A_116 = arith.constant 0 : i32
      %dma_start3A_117 = tpu.memref_slice %arg20[%add3A_5, %dma_start3A_116] : memref<10112x128xf32, #tpu.memory_space<vmem_shared>> -> memref<128x128xf32, #tpu.memory_space<vmem_shared>>
      tpu.enqueue_dma source(%arg15 : memref<128x128xf32, #tpu.memory_space<vmem>>) target(%dma_start3A_117 : memref<128x128xf32, #tpu.memory_space<vmem_shared>>) target_semaphore(%run_scoped3A : memref<!tpu.dma_semaphore, #tpu.memory_space<semaphore_mem>>)
      %dma_wait3A_118 = arith.constant 0 : i32
      %dma_wait3A_119 = tpu.memref_slice %arg20[%add3A_5, %dma_wait3A_118] : memref<10112x128xf32, #tpu.memory_space<vmem_shared>> -> memref<128x128xf32, #tpu.memory_space<vmem_shared>>
      %dma_wait3A_120 = arith.constant 0 : i32
      %dma_wait3A_121 = tpu.memref_slice %arg20[%add3A_5, %dma_wait3A_120] : memref<10112x128xf32, #tpu.memory_space<vmem_shared>> -> memref<128x128xf32, #tpu.memory_space<vmem_shared>>
      tpu.wait_dma2 semaphore(%run_scoped3A : memref<!tpu.dma_semaphore, #tpu.memory_space<semaphore_mem>>) src(%arg15 : memref<128x128xf32, #tpu.memory_space<vmem>>) dst(%dma_wait3A_121 : memref<128x128xf32, #tpu.memory_space<vmem_shared>>)
      tpu.yield
    }) : () -> ()
    %mul3A_6 = arith.constant 632 : i32
    %mul3A_7 = arith.muli %arg1, %mul3A_6 : i32
    %add3A_8 = arith.constant 256 : i32
    %add3A_9 = arith.addi %mul3A_7, %add3A_8 : i32
    "tpu.region"() ({
      %run_scoped3A = tpu.sem_alloc : memref<!tpu.dma_semaphore, #tpu.memory_space<semaphore_mem>>
      %dma_start3A_114 = arith.constant 0 : i32
      %dma_start3A_115 = tpu.memref_slice %arg20[%add3A_9, %dma_start3A_114] : memref<10112x128xf32, #tpu.memory_space<vmem_shared>> -> memref<128x128xf32, #tpu.memory_space<vmem_shared>>
      %dma_start3A_116 = arith.constant 0 : i32
      %dma_start3A_117 = tpu.memref_slice %arg20[%add3A_9, %dma_start3A_116] : memref<10112x128xf32, #tpu.memory_space<vmem_shared>> -> memref<128x128xf32, #tpu.memory_space<vmem_shared>>
      tpu.enqueue_dma source(%arg15 : memref<128x128xf32, #tpu.memory_space<vmem>>) target(%dma_start3A_117 : memref<128x128xf32, #tpu.memory_space<vmem_shared>>) target_semaphore(%run_scoped3A : memref<!tpu.dma_semaphore, #tpu.memory_space<semaphore_mem>>)
      %dma_wait3A_118 = arith.constant 0 : i32
      %dma_wait3A_119 = tpu.memref_slice %arg20[%add3A_9, %dma_wait3A_118] : memref<10112x128xf32, #tpu.memory_space<vmem_shared>> -> memref<128x128xf32, #tpu.memory_space<vmem_shared>>
      %dma_wait3A_120 = arith.constant 0 : i32
      %dma_wait3A_121 = tpu.memref_slice %arg20[%add3A_9, %dma_wait3A_120] : memref<10112x128xf32, #tpu.memory_space<vmem_shared>> -> memref<128x128xf32, #tpu.memory_space<vmem_shared>>
      tpu.wait_dma2 semaphore(%run_scoped3A : memref<!tpu.dma_semaphore, #tpu.memory_space<semaphore_mem>>) src(%arg15 : memref<128x128xf32, #tpu.memory_space<vmem>>) dst(%dma_wait3A_121 : memref<128x128xf32, #tpu.memory_space<vmem_shared>>)
      tpu.yield
    }) : () -> ()
    %mul3A_10 = arith.constant 632 : i32
    %mul3A_11 = arith.muli %arg1, %mul3A_10 : i32
    %add3A_12 = arith.constant 384 : i32
    %add3A_13 = arith.addi %mul3A_11, %add3A_12 : i32
    "tpu.region"() ({
      %run_scoped3A = tpu.sem_alloc : memref<!tpu.dma_semaphore, #tpu.memory_space<semaphore_mem>>
      %dma_start3A_114 = arith.constant 0 : i32
      %dma_start3A_115 = tpu.memref_slice %arg20[%add3A_13, %dma_start3A_114] : memref<10112x128xf32, #tpu.memory_space<vmem_shared>> -> memref<128x128xf32, #tpu.memory_space<vmem_shared>>
      %dma_start3A_116 = arith.constant 0 : i32
      %dma_start3A_117 = tpu.memref_slice %arg20[%add3A_13, %dma_start3A_116] : memref<10112x128xf32, #tpu.memory_space<vmem_shared>> -> memref<128x128xf32, #tpu.memory_space<vmem_shared>>
      tpu.enqueue_dma source(%arg15 : memref<128x128xf32, #tpu.memory_space<vmem>>) target(%dma_start3A_117 : memref<128x128xf32, #tpu.memory_space<vmem_shared>>) target_semaphore(%run_scoped3A : memref<!tpu.dma_semaphore, #tpu.memory_space<semaphore_mem>>)
      %dma_wait3A_118 = arith.constant 0 : i32
      %dma_wait3A_119 = tpu.memref_slice %arg20[%add3A_13, %dma_wait3A_118] : memref<10112x128xf32, #tpu.memory_space<vmem_shared>> -> memref<128x128xf32, #tpu.memory_space<vmem_shared>>
      %dma_wait3A_120 = arith.constant 0 : i32
      %dma_wait3A_121 = tpu.memref_slice %arg20[%add3A_13, %dma_wait3A_120] : memref<10112x128xf32, #tpu.memory_space<vmem_shared>> -> memref<128x128xf32, #tpu.memory_space<vmem_shared>>
      tpu.wait_dma2 semaphore(%run_scoped3A : memref<!tpu.dma_semaphore, #tpu.memory_space<semaphore_mem>>) src(%arg15 : memref<128x128xf32, #tpu.memory_space<vmem>>) dst(%dma_wait3A_121 : memref<128x128xf32, #tpu.memory_space<vmem_shared>>)
      tpu.yield
    }) : () -> ()
    %mul3A_14 = arith.constant 632 : i32
    %mul3A_15 = arith.muli %arg1, %mul3A_14 : i32
    %add3A_16 = arith.constant 512 : i32
    %add3A_17 = arith.addi %mul3A_15, %add3A_16 : i32
    "tpu.region"() ({
      %run_scoped3A = tpu.sem_alloc : memref<!tpu.dma_semaphore, #tpu.memory_space<semaphore_mem>>
      %dma_start3A_114 = arith.constant 0 : i32
      %dma_start3A_115 = arith.constant 0 : i32
      %dma_start3A_116 = tpu.memref_slice %arg15[%dma_start3A_114, %dma_start3A_115] : memref<128x128xf32, #tpu.memory_space<vmem>> -> memref<120x128xf32, #tpu.memory_space<vmem>>
      %dma_start3A_117 = arith.constant 0 : i32
      %dma_start3A_118 = tpu.memref_slice %arg20[%add3A_17, %dma_start3A_117] : memref<10112x128xf32, #tpu.memory_space<vmem_shared>> -> memref<120x128xf32, #tpu.memory_space<vmem_shared>>
      %dma_start3A_119 = arith.constant 0 : i32
      %dma_start3A_120 = tpu.memref_slice %arg20[%add3A_17, %dma_start3A_119] : memref<10112x128xf32, #tpu.memory_space<vmem_shared>> -> memref<120x128xf32, #tpu.memory_space<vmem_shared>>
      %dma_start3A_121 = arith.constant 0 : i32
      %dma_start3A_122 = arith.constant 0 : i32
      %dma_start3A_123 = tpu.memref_slice %arg15[%dma_start3A_121, %dma_start3A_122] : memref<128x128xf32, #tpu.memory_space<vmem>> -> memref<120x128xf32, #tpu.memory_space<vmem>>
      tpu.enqueue_dma source(%dma_start3A_123 : memref<120x128xf32, #tpu.memory_space<vmem>>) target(%dma_start3A_120 : memref<120x128xf32, #tpu.memory_space<vmem_shared>>) target_semaphore(%run_scoped3A : memref<!tpu.dma_semaphore, #tpu.memory_space<semaphore_mem>>)
      %dma_wait3A_124 = arith.constant 0 : i32
      %dma_wait3A_125 = arith.constant 0 : i32
      %dma_wait3A_126 = tpu.memref_slice %arg15[%dma_wait3A_124, %dma_wait3A_125] : memref<128x128xf32, #tpu.memory_space<vmem>> -> memref<120x128xf32, #tpu.memory_space<vmem>>
      %dma_wait3A_127 = arith.constant 0 : i32
      %dma_wait3A_128 = tpu.memref_slice %arg20[%add3A_17, %dma_wait3A_127] : memref<10112x128xf32, #tpu.memory_space<vmem_shared>> -> memref<120x128xf32, #tpu.memory_space<vmem_shared>>
      %dma_wait3A_129 = arith.constant 0 : i32
      %dma_wait3A_130 = tpu.memref_slice %arg20[%add3A_17, %dma_wait3A_129] : memref<10112x128xf32, #tpu.memory_space<vmem_shared>> -> memref<120x128xf32, #tpu.memory_space<vmem_shared>>
      %dma_wait3A_131 = arith.constant 0 : i32
      %dma_wait3A_132 = arith.constant 0 : i32
      %dma_wait3A_133 = tpu.memref_slice %arg15[%dma_wait3A_131, %dma_wait3A_132] : memref<128x128xf32, #tpu.memory_space<vmem>> -> memref<120x128xf32, #tpu.memory_space<vmem>>
      tpu.wait_dma2 semaphore(%run_scoped3A : memref<!tpu.dma_semaphore, #tpu.memory_space<semaphore_mem>>) src(%dma_wait3A_133 : memref<120x128xf32, #tpu.memory_space<vmem>>) dst(%dma_wait3A_130 : memref<120x128xf32, #tpu.memory_space<vmem_shared>>)
      tpu.yield
    }) : () -> ()
    %barrier3A = arith.constant 0 : index
    tpu.barrier barrier_id(%barrier3A)
    %mul3A_18 = arith.constant 16 : i32
    %mul3A_19 = arith.muli %arg0, %mul3A_18 : i32
    %add3A_20 = arith.addi %mul3A_19, %arg1 : i32
    %mul3A_21 = arith.constant 10240 : i32
    %mul3A_22 = arith.muli %add3A_20, %mul3A_21 : i32
    %add3A_23 = arith.constant 0 : i32
    %add3A_24 = arith.addi %mul3A_22, %add3A_23 : i32
    %dma_start3A = tpu.memref_slice %arg3[%add3A_24] : memref<327680xi32, #tpu.memory_space<hbm>> -> memref<128xi32, #tpu.memory_space<hbm>>
    %dma_start3A_25 = tpu.memref_slice %arg3[%add3A_24] : memref<327680xi32, #tpu.memory_space<hbm>> -> memref<128xi32, #tpu.memory_space<hbm>>
    tpu.enqueue_dma source(%dma_start3A_25 : memref<128xi32, #tpu.memory_space<hbm>>) target(%arg7 : memref<128xi32, #tpu.memory_space<vmem>>) target_semaphore(%arg18 : memref<!tpu.dma_semaphore, #tpu.memory_space<semaphore_mem>>)
    %dma_start3A_26 = tpu.memref_slice %arg4[%add3A_24] : memref<327680xi32, #tpu.memory_space<hbm>> -> memref<128xi32, #tpu.memory_space<hbm>>
    %dma_start3A_27 = tpu.memref_slice %arg4[%add3A_24] : memref<327680xi32, #tpu.memory_space<hbm>> -> memref<128xi32, #tpu.memory_space<hbm>>
    tpu.enqueue_dma source(%dma_start3A_27 : memref<128xi32, #tpu.memory_space<hbm>>) target(%arg9 : memref<128xi32, #tpu.memory_space<vmem>>) target_semaphore(%arg18 : memref<!tpu.dma_semaphore, #tpu.memory_space<semaphore_mem>>)
    %add3A_28 = arith.constant 128 : i32
    %add3A_29 = arith.addi %mul3A_22, %add3A_28 : i32
    %dma_start3A_30 = tpu.memref_slice %arg3[%add3A_29] : memref<327680xi32, #tpu.memory_space<hbm>> -> memref<128xi32, #tpu.memory_space<hbm>>
    %dma_start3A_31 = tpu.memref_slice %arg3[%add3A_29] : memref<327680xi32, #tpu.memory_space<hbm>> -> memref<128xi32, #tpu.memory_space<hbm>>
    tpu.enqueue_dma source(%dma_start3A_31 : memref<128xi32, #tpu.memory_space<hbm>>) target(%arg8 : memref<128xi32, #tpu.memory_space<vmem>>) target_semaphore(%arg19 : memref<!tpu.dma_semaphore, #tpu.memory_space<semaphore_mem>>)
    %dma_start3A_32 = tpu.memref_slice %arg4[%add3A_29] : memref<327680xi32, #tpu.memory_space<hbm>> -> memref<128xi32, #tpu.memory_space<hbm>>
    %dma_start3A_33 = tpu.memref_slice %arg4[%add3A_29] : memref<327680xi32, #tpu.memory_space<hbm>> -> memref<128xi32, #tpu.memory_space<hbm>>
    tpu.enqueue_dma source(%dma_start3A_33 : memref<128xi32, #tpu.memory_space<hbm>>) target(%arg10 : memref<128xi32, #tpu.memory_space<vmem>>) target_semaphore(%arg19 : memref<!tpu.dma_semaphore, #tpu.memory_space<semaphore_mem>>)
    %dma_wait3A = arith.constant 0 : i32
    %dma_wait3A_34 = tpu.memref_slice %arg3[%dma_wait3A] : memref<327680xi32, #tpu.memory_space<hbm>> -> memref<128xi32, #tpu.memory_space<hbm>>
    %dma_wait3A_35 = arith.constant 0 : i32
    %dma_wait3A_36 = tpu.memref_slice %arg3[%dma_wait3A_35] : memref<327680xi32, #tpu.memory_space<hbm>> -> memref<128xi32, #tpu.memory_space<hbm>>
    tpu.wait_dma2 semaphore(%arg18 : memref<!tpu.dma_semaphore, #tpu.memory_space<semaphore_mem>>) src(%dma_wait3A_36 : memref<128xi32, #tpu.memory_space<hbm>>) dst(%arg7 : memref<128xi32, #tpu.memory_space<vmem>>)
    %dma_wait3A_37 = arith.constant 0 : i32
    %dma_wait3A_38 = tpu.memref_slice %arg4[%dma_wait3A_37] : memref<327680xi32, #tpu.memory_space<hbm>> -> memref<128xi32, #tpu.memory_space<hbm>>
    %dma_wait3A_39 = arith.constant 0 : i32
    %dma_wait3A_40 = tpu.memref_slice %arg4[%dma_wait3A_39] : memref<327680xi32, #tpu.memory_space<hbm>> -> memref<128xi32, #tpu.memory_space<hbm>>
    tpu.wait_dma2 semaphore(%arg18 : memref<!tpu.dma_semaphore, #tpu.memory_space<semaphore_mem>>) src(%dma_wait3A_40 : memref<128xi32, #tpu.memory_space<hbm>>) dst(%arg9 : memref<128xi32, #tpu.memory_space<vmem>>)
    %dma_start3A_41 = arith.constant 0 : i32
    %dma_start3A_42 = arith.constant 0 : i32
    %dma_start3A_43 = tpu.memref_slice %arg2[%dma_start3A_41, %dma_start3A_42] : memref<10000x128xf32, #tpu.memory_space<hbm>> -> memref<10000x128xf32, #tpu.memory_space<hbm>>
    tpu.enqueue_indirect_dma source(%dma_start3A_43 : memref<10000x128xf32, #tpu.memory_space<hbm>>) target(%arg13 : memref<128x128xf32, #tpu.memory_space<vmem>>) offsets(%arg7 : memref<128xi32, #tpu.memory_space<vmem>>) semaphore(%arg16 : memref<!tpu.dma_semaphore, #tpu.memory_space<semaphore_mem>>)
    %scan3A = arith.constant 0 : i32
    %scan3A_44 = arith.constant 0 : i32
    %scan3A_45 = arith.constant 19 : i32
    %scan3A_46 = arith.addi %scan3A_44, %scan3A_45 : i32
    %scan3A_47 = arith.constant 1 : i32
    scf.for %scan3A_114 = %scan3A_44 to %scan3A_46 step %scan3A_47  : i32 {
      %mul3A_115 = arith.constant 4 : i32
      %mul3A_116 = arith.muli %mul3A_115, %scan3A_114 : i32
      %dma_wait3A_117 = arith.constant 0 : i32
      %dma_wait3A_118 = tpu.memref_slice %arg3[%dma_wait3A_117] : memref<327680xi32, #tpu.memory_space<hbm>> -> memref<128xi32, #tpu.memory_space<hbm>>
      %dma_wait3A_119 = arith.constant 0 : i32
      %dma_wait3A_120 = tpu.memref_slice %arg3[%dma_wait3A_119] : memref<327680xi32, #tpu.memory_space<hbm>> -> memref<128xi32, #tpu.memory_space<hbm>>
      tpu.wait_dma2 semaphore(%arg19 : memref<!tpu.dma_semaphore, #tpu.memory_space<semaphore_mem>>) src(%dma_wait3A_120 : memref<128xi32, #tpu.memory_space<hbm>>) dst(%arg8 : memref<128xi32, #tpu.memory_space<vmem>>)
      %dma_wait3A_121 = arith.constant 0 : i32
      %dma_wait3A_122 = tpu.memref_slice %arg4[%dma_wait3A_121] : memref<327680xi32, #tpu.memory_space<hbm>> -> memref<128xi32, #tpu.memory_space<hbm>>
      %dma_wait3A_123 = arith.constant 0 : i32
      %dma_wait3A_124 = tpu.memref_slice %arg4[%dma_wait3A_123] : memref<327680xi32, #tpu.memory_space<hbm>> -> memref<128xi32, #tpu.memory_space<hbm>>
      tpu.wait_dma2 semaphore(%arg19 : memref<!tpu.dma_semaphore, #tpu.memory_space<semaphore_mem>>) src(%dma_wait3A_124 : memref<128xi32, #tpu.memory_space<hbm>>) dst(%arg10 : memref<128xi32, #tpu.memory_space<vmem>>)
      %dma_start3A_125 = arith.constant 0 : i32
      %dma_start3A_126 = arith.constant 0 : i32
      %dma_start3A_127 = tpu.memref_slice %arg2[%dma_start3A_125, %dma_start3A_126] : memref<10000x128xf32, #tpu.memory_space<hbm>> -> memref<10000x128xf32, #tpu.memory_space<hbm>>
      tpu.enqueue_indirect_dma source(%dma_start3A_127 : memref<10000x128xf32, #tpu.memory_space<hbm>>) target(%arg14 : memref<128x128xf32, #tpu.memory_space<vmem>>) offsets(%arg8 : memref<128xi32, #tpu.memory_space<vmem>>) semaphore(%arg17 : memref<!tpu.dma_semaphore, #tpu.memory_space<semaphore_mem>>)
      %dma_wait3A_128 = arith.constant 0 : i32
      %dma_wait3A_129 = arith.constant 0 : i32
      %dma_wait3A_130 = tpu.memref_slice %arg2[%dma_wait3A_128, %dma_wait3A_129] : memref<10000x128xf32, #tpu.memory_space<hbm>> -> memref<10000x128xf32, #tpu.memory_space<hbm>>
      tpu.wait_indirect_dma semaphore(%arg16 : memref<!tpu.dma_semaphore, #tpu.memory_space<semaphore_mem>>) src(%dma_wait3A_130 : memref<10000x128xf32, #tpu.memory_space<hbm>>) dst(%arg13 : memref<128x128xf32, #tpu.memory_space<vmem>>)
      "tpu.region"() ({
        %run_scoped3A = tpu.sem_alloc : memref<!tpu.dma_semaphore, #tpu.memory_space<semaphore_mem>>
        %dma_start3A_217 = arith.constant 0 : i32
        %dma_start3A_218 = arith.constant 0 : i32
        %dma_start3A_219 = tpu.memref_slice %arg20[%dma_start3A_217, %dma_start3A_218] : memref<10112x128xf32, #tpu.memory_space<vmem_shared>> -> memref<10112x128xf32, #tpu.memory_space<vmem_shared>>
        tpu.enqueue_indirect_dma source(%arg13 : memref<128x128xf32, #tpu.memory_space<vmem>>) target(%dma_start3A_219 : memref<10112x128xf32, #tpu.memory_space<vmem_shared>>) offsets(%arg9 : memref<128xi32, #tpu.memory_space<vmem>>) semaphore(%run_scoped3A : memref<!tpu.dma_semaphore, #tpu.memory_space<semaphore_mem>>) {add = true}
        %dma_wait3A_220 = arith.constant 0 : i32
        %dma_wait3A_221 = arith.constant 0 : i32
        %dma_wait3A_222 = tpu.memref_slice %arg20[%dma_wait3A_220, %dma_wait3A_221] : memref<10112x128xf32, #tpu.memory_space<vmem_shared>> -> memref<10112x128xf32, #tpu.memory_space<vmem_shared>>
        tpu.wait_indirect_dma semaphore(%run_scoped3A : memref<!tpu.dma_semaphore, #tpu.memory_space<semaphore_mem>>) src(%arg13 : memref<128x128xf32, #tpu.memory_space<vmem>>) dst(%dma_wait3A_222 : memref<10112x128xf32, #tpu.memory_space<vmem_shared>>)
        tpu.yield
      }) : () -> ()
      %add3A_131 = arith.constant 0 : i32
      %add3A_132 = arith.addi %mul3A_116, %add3A_131 : i32
      %add3A_133 = arith.constant 2 : i32
      %add3A_134 = arith.addi %add3A_132, %add3A_133 : i32
      %mul3A_135 = arith.constant 128 : i32
      %mul3A_136 = arith.muli %add3A_134, %mul3A_135 : i32
      %add3A_137 = arith.addi %mul3A_22, %mul3A_136 : i32
      %dma_start3A_138 = tpu.memref_slice %arg3[%add3A_137] : memref<327680xi32, #tpu.memory_space<hbm>> -> memref<128xi32, #tpu.memory_space<hbm>>
      %dma_start3A_139 = tpu.memref_slice %arg3[%add3A_137] : memref<327680xi32, #tpu.memory_space<hbm>> -> memref<128xi32, #tpu.memory_space<hbm>>
      tpu.enqueue_dma source(%dma_start3A_139 : memref<128xi32, #tpu.memory_space<hbm>>) target(%arg7 : memref<128xi32, #tpu.memory_space<vmem>>) target_semaphore(%arg18 : memref<!tpu.dma_semaphore, #tpu.memory_space<semaphore_mem>>)
      %dma_start3A_140 = tpu.memref_slice %arg4[%add3A_137] : memref<327680xi32, #tpu.memory_space<hbm>> -> memref<128xi32, #tpu.memory_space<hbm>>
      %dma_start3A_141 = tpu.memref_slice %arg4[%add3A_137] : memref<327680xi32, #tpu.memory_space<hbm>> -> memref<128xi32, #tpu.memory_space<hbm>>
      tpu.enqueue_dma source(%dma_start3A_141 : memref<128xi32, #tpu.memory_space<hbm>>) target(%arg11 : memref<128xi32, #tpu.memory_space<vmem>>) target_semaphore(%arg18 : memref<!tpu.dma_semaphore, #tpu.memory_space<semaphore_mem>>)
      %dma_wait3A_142 = arith.constant 0 : i32
      %dma_wait3A_143 = tpu.memref_slice %arg3[%dma_wait3A_142] : memref<327680xi32, #tpu.memory_space<hbm>> -> memref<128xi32, #tpu.memory_space<hbm>>
      %dma_wait3A_144 = arith.constant 0 : i32
      %dma_wait3A_145 = tpu.memref_slice %arg3[%dma_wait3A_144] : memref<327680xi32, #tpu.memory_space<hbm>> -> memref<128xi32, #tpu.memory_space<hbm>>
      tpu.wait_dma2 semaphore(%arg18 : memref<!tpu.dma_semaphore, #tpu.memory_space<semaphore_mem>>) src(%dma_wait3A_145 : memref<128xi32, #tpu.memory_space<hbm>>) dst(%arg7 : memref<128xi32, #tpu.memory_space<vmem>>)
      %dma_wait3A_146 = arith.constant 0 : i32
      %dma_wait3A_147 = tpu.memref_slice %arg4[%dma_wait3A_146] : memref<327680xi32, #tpu.memory_space<hbm>> -> memref<128xi32, #tpu.memory_space<hbm>>
      %dma_wait3A_148 = arith.constant 0 : i32
      %dma_wait3A_149 = tpu.memref_slice %arg4[%dma_wait3A_148] : memref<327680xi32, #tpu.memory_space<hbm>> -> memref<128xi32, #tpu.memory_space<hbm>>
      tpu.wait_dma2 semaphore(%arg18 : memref<!tpu.dma_semaphore, #tpu.memory_space<semaphore_mem>>) src(%dma_wait3A_149 : memref<128xi32, #tpu.memory_space<hbm>>) dst(%arg11 : memref<128xi32, #tpu.memory_space<vmem>>)
      %dma_start3A_150 = arith.constant 0 : i32
      %dma_start3A_151 = arith.constant 0 : i32
      %dma_start3A_152 = tpu.memref_slice %arg2[%dma_start3A_150, %dma_start3A_151] : memref<10000x128xf32, #tpu.memory_space<hbm>> -> memref<10000x128xf32, #tpu.memory_space<hbm>>
      tpu.enqueue_indirect_dma source(%dma_start3A_152 : memref<10000x128xf32, #tpu.memory_space<hbm>>) target(%arg13 : memref<128x128xf32, #tpu.memory_space<vmem>>) offsets(%arg7 : memref<128xi32, #tpu.memory_space<vmem>>) semaphore(%arg16 : memref<!tpu.dma_semaphore, #tpu.memory_space<semaphore_mem>>)
      %dma_wait3A_153 = arith.constant 0 : i32
      %dma_wait3A_154 = arith.constant 0 : i32
      %dma_wait3A_155 = tpu.memref_slice %arg2[%dma_wait3A_153, %dma_wait3A_154] : memref<10000x128xf32, #tpu.memory_space<hbm>> -> memref<10000x128xf32, #tpu.memory_space<hbm>>
      tpu.wait_indirect_dma semaphore(%arg17 : memref<!tpu.dma_semaphore, #tpu.memory_space<semaphore_mem>>) src(%dma_wait3A_155 : memref<10000x128xf32, #tpu.memory_space<hbm>>) dst(%arg14 : memref<128x128xf32, #tpu.memory_space<vmem>>)
      "tpu.region"() ({
        %run_scoped3A = tpu.sem_alloc : memref<!tpu.dma_semaphore, #tpu.memory_space<semaphore_mem>>
        %dma_start3A_217 = arith.constant 0 : i32
        %dma_start3A_218 = arith.constant 0 : i32
        %dma_start3A_219 = tpu.memref_slice %arg20[%dma_start3A_217, %dma_start3A_218] : memref<10112x128xf32, #tpu.memory_space<vmem_shared>> -> memref<10112x128xf32, #tpu.memory_space<vmem_shared>>
        tpu.enqueue_indirect_dma source(%arg14 : memref<128x128xf32, #tpu.memory_space<vmem>>) target(%dma_start3A_219 : memref<10112x128xf32, #tpu.memory_space<vmem_shared>>) offsets(%arg10 : memref<128xi32, #tpu.memory_space<vmem>>) semaphore(%run_scoped3A : memref<!tpu.dma_semaphore, #tpu.memory_space<semaphore_mem>>) {add = true}
        %dma_wait3A_220 = arith.constant 0 : i32
        %dma_wait3A_221 = arith.constant 0 : i32
        %dma_wait3A_222 = tpu.memref_slice %arg20[%dma_wait3A_220, %dma_wait3A_221] : memref<10112x128xf32, #tpu.memory_space<vmem_shared>> -> memref<10112x128xf32, #tpu.memory_space<vmem_shared>>
        tpu.wait_indirect_dma semaphore(%run_scoped3A : memref<!tpu.dma_semaphore, #tpu.memory_space<semaphore_mem>>) src(%arg14 : memref<128x128xf32, #tpu.memory_space<vmem>>) dst(%dma_wait3A_222 : memref<10112x128xf32, #tpu.memory_space<vmem_shared>>)
        tpu.yield
      }) : () -> ()
      %add3A_156 = arith.constant 1 : i32
      %add3A_157 = arith.addi %mul3A_116, %add3A_156 : i32
      %add3A_158 = arith.constant 2 : i32
      %add3A_159 = arith.addi %add3A_157, %add3A_158 : i32
      %mul3A_160 = arith.constant 128 : i32
      %mul3A_161 = arith.muli %add3A_159, %mul3A_160 : i32
      %add3A_162 = arith.addi %mul3A_22, %mul3A_161 : i32
      %dma_start3A_163 = tpu.memref_slice %arg3[%add3A_162] : memref<327680xi32, #tpu.memory_space<hbm>> -> memref<128xi32, #tpu.memory_space<hbm>>
      %dma_start3A_164 = tpu.memref_slice %arg3[%add3A_162] : memref<327680xi32, #tpu.memory_space<hbm>> -> memref<128xi32, #tpu.memory_space<hbm>>
      tpu.enqueue_dma source(%dma_start3A_164 : memref<128xi32, #tpu.memory_space<hbm>>) target(%arg8 : memref<128xi32, #tpu.memory_space<vmem>>) target_semaphore(%arg19 : memref<!tpu.dma_semaphore, #tpu.memory_space<semaphore_mem>>)
      %dma_start3A_165 = tpu.memref_slice %arg4[%add3A_162] : memref<327680xi32, #tpu.memory_space<hbm>> -> memref<128xi32, #tpu.memory_space<hbm>>
      %dma_start3A_166 = tpu.memref_slice %arg4[%add3A_162] : memref<327680xi32, #tpu.memory_space<hbm>> -> memref<128xi32, #tpu.memory_space<hbm>>
      tpu.enqueue_dma source(%dma_start3A_166 : memref<128xi32, #tpu.memory_space<hbm>>) target(%arg12 : memref<128xi32, #tpu.memory_space<vmem>>) target_semaphore(%arg19 : memref<!tpu.dma_semaphore, #tpu.memory_space<semaphore_mem>>)
      %dma_wait3A_167 = arith.constant 0 : i32
      %dma_wait3A_168 = tpu.memref_slice %arg3[%dma_wait3A_167] : memref<327680xi32, #tpu.memory_space<hbm>> -> memref<128xi32, #tpu.memory_space<hbm>>
      %dma_wait3A_169 = arith.constant 0 : i32
      %dma_wait3A_170 = tpu.memref_slice %arg3[%dma_wait3A_169] : memref<327680xi32, #tpu.memory_space<hbm>> -> memref<128xi32, #tpu.memory_space<hbm>>
      tpu.wait_dma2 semaphore(%arg19 : memref<!tpu.dma_semaphore, #tpu.memory_space<semaphore_mem>>) src(%dma_wait3A_170 : memref<128xi32, #tpu.memory_space<hbm>>) dst(%arg8 : memref<128xi32, #tpu.memory_space<vmem>>)
      %dma_wait3A_171 = arith.constant 0 : i32
      %dma_wait3A_172 = tpu.memref_slice %arg4[%dma_wait3A_171] : memref<327680xi32, #tpu.memory_space<hbm>> -> memref<128xi32, #tpu.memory_space<hbm>>
      %dma_wait3A_173 = arith.constant 0 : i32
      %dma_wait3A_174 = tpu.memref_slice %arg4[%dma_wait3A_173] : memref<327680xi32, #tpu.memory_space<hbm>> -> memref<128xi32, #tpu.memory_space<hbm>>
      tpu.wait_dma2 semaphore(%arg19 : memref<!tpu.dma_semaphore, #tpu.memory_space<semaphore_mem>>) src(%dma_wait3A_174 : memref<128xi32, #tpu.memory_space<hbm>>) dst(%arg12 : memref<128xi32, #tpu.memory_space<vmem>>)
      %dma_start3A_175 = arith.constant 0 : i32
      %dma_start3A_176 = arith.constant 0 : i32
      %dma_start3A_177 = tpu.memref_slice %arg2[%dma_start3A_175, %dma_start3A_176] : memref<10000x128xf32, #tpu.memory_space<hbm>> -> memref<10000x128xf32, #tpu.memory_space<hbm>>
      tpu.enqueue_indirect_dma source(%dma_start3A_177 : memref<10000x128xf32, #tpu.memory_space<hbm>>) target(%arg14 : memref<128x128xf32, #tpu.memory_space<vmem>>) offsets(%arg8 : memref<128xi32, #tpu.memory_space<vmem>>) semaphore(%arg17 : memref<!tpu.dma_semaphore, #tpu.memory_space<semaphore_mem>>)
      %dma_wait3A_178 = arith.constant 0 : i32
      %dma_wait3A_179 = arith.constant 0 : i32
      %dma_wait3A_180 = tpu.memref_slice %arg2[%dma_wait3A_178, %dma_wait3A_179] : memref<10000x128xf32, #tpu.memory_space<hbm>> -> memref<10000x128xf32, #tpu.memory_space<hbm>>
      tpu.wait_indirect_dma semaphore(%arg16 : memref<!tpu.dma_semaphore, #tpu.memory_space<semaphore_mem>>) src(%dma_wait3A_180 : memref<10000x128xf32, #tpu.memory_space<hbm>>) dst(%arg13 : memref<128x128xf32, #tpu.memory_space<vmem>>)
      "tpu.region"() ({
        %run_scoped3A = tpu.sem_alloc : memref<!tpu.dma_semaphore, #tpu.memory_space<semaphore_mem>>
        %dma_start3A_217 = arith.constant 0 : i32
        %dma_start3A_218 = arith.constant 0 : i32
        %dma_start3A_219 = tpu.memref_slice %arg20[%dma_start3A_217, %dma_start3A_218] : memref<10112x128xf32, #tpu.memory_space<vmem_shared>> -> memref<10112x128xf32, #tpu.memory_space<vmem_shared>>
        tpu.enqueue_indirect_dma source(%arg13 : memref<128x128xf32, #tpu.memory_space<vmem>>) target(%dma_start3A_219 : memref<10112x128xf32, #tpu.memory_space<vmem_shared>>) offsets(%arg11 : memref<128xi32, #tpu.memory_space<vmem>>) semaphore(%run_scoped3A : memref<!tpu.dma_semaphore, #tpu.memory_space<semaphore_mem>>) {add = true}
        %dma_wait3A_220 = arith.constant 0 : i32
        %dma_wait3A_221 = arith.constant 0 : i32
        %dma_wait3A_222 = tpu.memref_slice %arg20[%dma_wait3A_220, %dma_wait3A_221] : memref<10112x128xf32, #tpu.memory_space<vmem_shared>> -> memref<10112x128xf32, #tpu.memory_space<vmem_shared>>
        tpu.wait_indirect_dma semaphore(%run_scoped3A : memref<!tpu.dma_semaphore, #tpu.memory_space<semaphore_mem>>) src(%arg13 : memref<128x128xf32, #tpu.memory_space<vmem>>) dst(%dma_wait3A_222 : memref<10112x128xf32, #tpu.memory_space<vmem_shared>>)
        tpu.yield
      }) : () -> ()
      %add3A_181 = arith.constant 2 : i32
      %add3A_182 = arith.addi %mul3A_116, %add3A_181 : i32
      %add3A_183 = arith.constant 2 : i32
      %add3A_184 = arith.addi %add3A_182, %add3A_183 : i32
      %mul3A_185 = arith.constant 128 : i32
      %mul3A_186 = arith.muli %add3A_184, %mul3A_185 : i32
      %add3A_187 = arith.addi %mul3A_22, %mul3A_186 : i32
      %dma_start3A_188 = tpu.memref_slice %arg3[%add3A_187] : memref<327680xi32, #tpu.memory_space<hbm>> -> memref<128xi32, #tpu.memory_space<hbm>>
      %dma_start3A_189 = tpu.memref_slice %arg3[%add3A_187] : memref<327680xi32, #tpu.memory_space<hbm>> -> memref<128xi32, #tpu.memory_space<hbm>>
      tpu.enqueue_dma source(%dma_start3A_189 : memref<128xi32, #tpu.memory_space<hbm>>) target(%arg7 : memref<128xi32, #tpu.memory_space<vmem>>) target_semaphore(%arg18 : memref<!tpu.dma_semaphore, #tpu.memory_space<semaphore_mem>>)
      %dma_start3A_190 = tpu.memref_slice %arg4[%add3A_187] : memref<327680xi32, #tpu.memory_space<hbm>> -> memref<128xi32, #tpu.memory_space<hbm>>
      %dma_start3A_191 = tpu.memref_slice %arg4[%add3A_187] : memref<327680xi32, #tpu.memory_space<hbm>> -> memref<128xi32, #tpu.memory_space<hbm>>
      tpu.enqueue_dma source(%dma_start3A_191 : memref<128xi32, #tpu.memory_space<hbm>>) target(%arg9 : memref<128xi32, #tpu.memory_space<vmem>>) target_semaphore(%arg18 : memref<!tpu.dma_semaphore, #tpu.memory_space<semaphore_mem>>)
      %dma_wait3A_192 = arith.constant 0 : i32
      %dma_wait3A_193 = tpu.memref_slice %arg3[%dma_wait3A_192] : memref<327680xi32, #tpu.memory_space<hbm>> -> memref<128xi32, #tpu.memory_space<hbm>>
      %dma_wait3A_194 = arith.constant 0 : i32
      %dma_wait3A_195 = tpu.memref_slice %arg3[%dma_wait3A_194] : memref<327680xi32, #tpu.memory_space<hbm>> -> memref<128xi32, #tpu.memory_space<hbm>>
      tpu.wait_dma2 semaphore(%arg18 : memref<!tpu.dma_semaphore, #tpu.memory_space<semaphore_mem>>) src(%dma_wait3A_195 : memref<128xi32, #tpu.memory_space<hbm>>) dst(%arg7 : memref<128xi32, #tpu.memory_space<vmem>>)
      %dma_wait3A_196 = arith.constant 0 : i32
      %dma_wait3A_197 = tpu.memref_slice %arg4[%dma_wait3A_196] : memref<327680xi32, #tpu.memory_space<hbm>> -> memref<128xi32, #tpu.memory_space<hbm>>
      %dma_wait3A_198 = arith.constant 0 : i32
      %dma_wait3A_199 = tpu.memref_slice %arg4[%dma_wait3A_198] : memref<327680xi32, #tpu.memory_space<hbm>> -> memref<128xi32, #tpu.memory_space<hbm>>
      tpu.wait_dma2 semaphore(%arg18 : memref<!tpu.dma_semaphore, #tpu.memory_space<semaphore_mem>>) src(%dma_wait3A_199 : memref<128xi32, #tpu.memory_space<hbm>>) dst(%arg9 : memref<128xi32, #tpu.memory_space<vmem>>)
      %dma_start3A_200 = arith.constant 0 : i32
      %dma_start3A_201 = arith.constant 0 : i32
      %dma_start3A_202 = tpu.memref_slice %arg2[%dma_start3A_200, %dma_start3A_201] : memref<10000x128xf32, #tpu.memory_space<hbm>> -> memref<10000x128xf32, #tpu.memory_space<hbm>>
      tpu.enqueue_indirect_dma source(%dma_start3A_202 : memref<10000x128xf32, #tpu.memory_space<hbm>>) target(%arg13 : memref<128x128xf32, #tpu.memory_space<vmem>>) offsets(%arg7 : memref<128xi32, #tpu.memory_space<vmem>>) semaphore(%arg16 : memref<!tpu.dma_semaphore, #tpu.memory_space<semaphore_mem>>)
      %dma_wait3A_203 = arith.constant 0 : i32
      %dma_wait3A_204 = arith.constant 0 : i32
      %dma_wait3A_205 = tpu.memref_slice %arg2[%dma_wait3A_203, %dma_wait3A_204] : memref<10000x128xf32, #tpu.memory_space<hbm>> -> memref<10000x128xf32, #tpu.memory_space<hbm>>
      tpu.wait_indirect_dma semaphore(%arg17 : memref<!tpu.dma_semaphore, #tpu.memory_space<semaphore_mem>>) src(%dma_wait3A_205 : memref<10000x128xf32, #tpu.memory_space<hbm>>) dst(%arg14 : memref<128x128xf32, #tpu.memory_space<vmem>>)
      "tpu.region"() ({
        %run_scoped3A = tpu.sem_alloc : memref<!tpu.dma_semaphore, #tpu.memory_space<semaphore_mem>>
        %dma_start3A_217 = arith.constant 0 : i32
        %dma_start3A_218 = arith.constant 0 : i32
        %dma_start3A_219 = tpu.memref_slice %arg20[%dma_start3A_217, %dma_start3A_218] : memref<10112x128xf32, #tpu.memory_space<vmem_shared>> -> memref<10112x128xf32, #tpu.memory_space<vmem_shared>>
        tpu.enqueue_indirect_dma source(%arg14 : memref<128x128xf32, #tpu.memory_space<vmem>>) target(%dma_start3A_219 : memref<10112x128xf32, #tpu.memory_space<vmem_shared>>) offsets(%arg12 : memref<128xi32, #tpu.memory_space<vmem>>) semaphore(%run_scoped3A : memref<!tpu.dma_semaphore, #tpu.memory_space<semaphore_mem>>) {add = true}
        %dma_wait3A_220 = arith.constant 0 : i32
        %dma_wait3A_221 = arith.constant 0 : i32
        %dma_wait3A_222 = tpu.memref_slice %arg20[%dma_wait3A_220, %dma_wait3A_221] : memref<10112x128xf32, #tpu.memory_space<vmem_shared>> -> memref<10112x128xf32, #tpu.memory_space<vmem_shared>>
        tpu.wait_indirect_dma semaphore(%run_scoped3A : memref<!tpu.dma_semaphore, #tpu.memory_space<semaphore_mem>>) src(%arg14 : memref<128x128xf32, #tpu.memory_space<vmem>>) dst(%dma_wait3A_222 : memref<10112x128xf32, #tpu.memory_space<vmem_shared>>)
        tpu.yield
      }) : () -> ()
      %add3A_206 = arith.constant 3 : i32
      %add3A_207 = arith.addi %mul3A_116, %add3A_206 : i32
      %add3A_208 = arith.constant 2 : i32
      %add3A_209 = arith.addi %add3A_207, %add3A_208 : i32
      %mul3A_210 = arith.constant 128 : i32
      %mul3A_211 = arith.muli %add3A_209, %mul3A_210 : i32
      %add3A_212 = arith.addi %mul3A_22, %mul3A_211 : i32
      %dma_start3A_213 = tpu.memref_slice %arg3[%add3A_212] : memref<327680xi32, #tpu.memory_space<hbm>> -> memref<128xi32, #tpu.memory_space<hbm>>
      %dma_start3A_214 = tpu.memref_slice %arg3[%add3A_212] : memref<327680xi32, #tpu.memory_space<hbm>> -> memref<128xi32, #tpu.memory_space<hbm>>
      tpu.enqueue_dma source(%dma_start3A_214 : memref<128xi32, #tpu.memory_space<hbm>>) target(%arg8 : memref<128xi32, #tpu.memory_space<vmem>>) target_semaphore(%arg19 : memref<!tpu.dma_semaphore, #tpu.memory_space<semaphore_mem>>)
      %dma_start3A_215 = tpu.memref_slice %arg4[%add3A_212] : memref<327680xi32, #tpu.memory_space<hbm>> -> memref<128xi32, #tpu.memory_space<hbm>>
      %dma_start3A_216 = tpu.memref_slice %arg4[%add3A_212] : memref<327680xi32, #tpu.memory_space<hbm>> -> memref<128xi32, #tpu.memory_space<hbm>>
      tpu.enqueue_dma source(%dma_start3A_216 : memref<128xi32, #tpu.memory_space<hbm>>) target(%arg10 : memref<128xi32, #tpu.memory_space<vmem>>) target_semaphore(%arg19 : memref<!tpu.dma_semaphore, #tpu.memory_space<semaphore_mem>>)
    }
    %scan3A_48 = arith.constant 19 : i32
    %dma_wait3A_49 = arith.constant 0 : i32
    %dma_wait3A_50 = tpu.memref_slice %arg3[%dma_wait3A_49] : memref<327680xi32, #tpu.memory_space<hbm>> -> memref<128xi32, #tpu.memory_space<hbm>>
    %dma_wait3A_51 = arith.constant 0 : i32
    %dma_wait3A_52 = tpu.memref_slice %arg3[%dma_wait3A_51] : memref<327680xi32, #tpu.memory_space<hbm>> -> memref<128xi32, #tpu.memory_space<hbm>>
    tpu.wait_dma2 semaphore(%arg19 : memref<!tpu.dma_semaphore, #tpu.memory_space<semaphore_mem>>) src(%dma_wait3A_52 : memref<128xi32, #tpu.memory_space<hbm>>) dst(%arg8 : memref<128xi32, #tpu.memory_space<vmem>>)
    %dma_wait3A_53 = arith.constant 0 : i32
    %dma_wait3A_54 = tpu.memref_slice %arg4[%dma_wait3A_53] : memref<327680xi32, #tpu.memory_space<hbm>> -> memref<128xi32, #tpu.memory_space<hbm>>
    %dma_wait3A_55 = arith.constant 0 : i32
    %dma_wait3A_56 = tpu.memref_slice %arg4[%dma_wait3A_55] : memref<327680xi32, #tpu.memory_space<hbm>> -> memref<128xi32, #tpu.memory_space<hbm>>
    tpu.wait_dma2 semaphore(%arg19 : memref<!tpu.dma_semaphore, #tpu.memory_space<semaphore_mem>>) src(%dma_wait3A_56 : memref<128xi32, #tpu.memory_space<hbm>>) dst(%arg10 : memref<128xi32, #tpu.memory_space<vmem>>)
    %dma_start3A_57 = arith.constant 0 : i32
    %dma_start3A_58 = arith.constant 0 : i32
    %dma_start3A_59 = tpu.memref_slice %arg2[%dma_start3A_57, %dma_start3A_58] : memref<10000x128xf32, #tpu.memory_space<hbm>> -> memref<10000x128xf32, #tpu.memory_space<hbm>>
    tpu.enqueue_indirect_dma source(%dma_start3A_59 : memref<10000x128xf32, #tpu.memory_space<hbm>>) target(%arg14 : memref<128x128xf32, #tpu.memory_space<vmem>>) offsets(%arg8 : memref<128xi32, #tpu.memory_space<vmem>>) semaphore(%arg17 : memref<!tpu.dma_semaphore, #tpu.memory_space<semaphore_mem>>)
    %dma_wait3A_60 = arith.constant 0 : i32
    %dma_wait3A_61 = arith.constant 0 : i32
    %dma_wait3A_62 = tpu.memref_slice %arg2[%dma_wait3A_60, %dma_wait3A_61] : memref<10000x128xf32, #tpu.memory_space<hbm>> -> memref<10000x128xf32, #tpu.memory_space<hbm>>
    tpu.wait_indirect_dma semaphore(%arg16 : memref<!tpu.dma_semaphore, #tpu.memory_space<semaphore_mem>>) src(%dma_wait3A_62 : memref<10000x128xf32, #tpu.memory_space<hbm>>) dst(%arg13 : memref<128x128xf32, #tpu.memory_space<vmem>>)
    "tpu.region"() ({
      %run_scoped3A = tpu.sem_alloc : memref<!tpu.dma_semaphore, #tpu.memory_space<semaphore_mem>>
      %dma_start3A_114 = arith.constant 0 : i32
      %dma_start3A_115 = arith.constant 0 : i32
      %dma_start3A_116 = tpu.memref_slice %arg20[%dma_start3A_114, %dma_start3A_115] : memref<10112x128xf32, #tpu.memory_space<vmem_shared>> -> memref<10112x128xf32, #tpu.memory_space<vmem_shared>>
      tpu.enqueue_indirect_dma source(%arg13 : memref<128x128xf32, #tpu.memory_space<vmem>>) target(%dma_start3A_116 : memref<10112x128xf32, #tpu.memory_space<vmem_shared>>) offsets(%arg9 : memref<128xi32, #tpu.memory_space<vmem>>) semaphore(%run_scoped3A : memref<!tpu.dma_semaphore, #tpu.memory_space<semaphore_mem>>) {add = true}
      %dma_wait3A_117 = arith.constant 0 : i32
      %dma_wait3A_118 = arith.constant 0 : i32
      %dma_wait3A_119 = tpu.memref_slice %arg20[%dma_wait3A_117, %dma_wait3A_118] : memref<10112x128xf32, #tpu.memory_space<vmem_shared>> -> memref<10112x128xf32, #tpu.memory_space<vmem_shared>>
      tpu.wait_indirect_dma semaphore(%run_scoped3A : memref<!tpu.dma_semaphore, #tpu.memory_space<semaphore_mem>>) src(%arg13 : memref<128x128xf32, #tpu.memory_space<vmem>>) dst(%dma_wait3A_119 : memref<10112x128xf32, #tpu.memory_space<vmem_shared>>)
      tpu.yield
    }) : () -> ()
    %add3A_63 = arith.constant 9984 : i32
    %add3A_64 = arith.addi %mul3A_22, %add3A_63 : i32
    %dma_start3A_65 = tpu.memref_slice %arg3[%add3A_64] : memref<327680xi32, #tpu.memory_space<hbm>> -> memref<128xi32, #tpu.memory_space<hbm>>
    %dma_start3A_66 = tpu.memref_slice %arg3[%add3A_64] : memref<327680xi32, #tpu.memory_space<hbm>> -> memref<128xi32, #tpu.memory_space<hbm>>
    tpu.enqueue_dma source(%dma_start3A_66 : memref<128xi32, #tpu.memory_space<hbm>>) target(%arg7 : memref<128xi32, #tpu.memory_space<vmem>>) target_semaphore(%arg18 : memref<!tpu.dma_semaphore, #tpu.memory_space<semaphore_mem>>)
    %dma_start3A_67 = tpu.memref_slice %arg4[%add3A_64] : memref<327680xi32, #tpu.memory_space<hbm>> -> memref<128xi32, #tpu.memory_space<hbm>>
    %dma_start3A_68 = tpu.memref_slice %arg4[%add3A_64] : memref<327680xi32, #tpu.memory_space<hbm>> -> memref<128xi32, #tpu.memory_space<hbm>>
    tpu.enqueue_dma source(%dma_start3A_68 : memref<128xi32, #tpu.memory_space<hbm>>) target(%arg11 : memref<128xi32, #tpu.memory_space<vmem>>) target_semaphore(%arg18 : memref<!tpu.dma_semaphore, #tpu.memory_space<semaphore_mem>>)
    %dma_wait3A_69 = arith.constant 0 : i32
    %dma_wait3A_70 = tpu.memref_slice %arg3[%dma_wait3A_69] : memref<327680xi32, #tpu.memory_space<hbm>> -> memref<128xi32, #tpu.memory_space<hbm>>
    %dma_wait3A_71 = arith.constant 0 : i32
    %dma_wait3A_72 = tpu.memref_slice %arg3[%dma_wait3A_71] : memref<327680xi32, #tpu.memory_space<hbm>> -> memref<128xi32, #tpu.memory_space<hbm>>
    tpu.wait_dma2 semaphore(%arg18 : memref<!tpu.dma_semaphore, #tpu.memory_space<semaphore_mem>>) src(%dma_wait3A_72 : memref<128xi32, #tpu.memory_space<hbm>>) dst(%arg7 : memref<128xi32, #tpu.memory_space<vmem>>)
    %dma_wait3A_73 = arith.constant 0 : i32
    %dma_wait3A_74 = tpu.memref_slice %arg4[%dma_wait3A_73] : memref<327680xi32, #tpu.memory_space<hbm>> -> memref<128xi32, #tpu.memory_space<hbm>>
    %dma_wait3A_75 = arith.constant 0 : i32
    %dma_wait3A_76 = tpu.memref_slice %arg4[%dma_wait3A_75] : memref<327680xi32, #tpu.memory_space<hbm>> -> memref<128xi32, #tpu.memory_space<hbm>>
    tpu.wait_dma2 semaphore(%arg18 : memref<!tpu.dma_semaphore, #tpu.memory_space<semaphore_mem>>) src(%dma_wait3A_76 : memref<128xi32, #tpu.memory_space<hbm>>) dst(%arg11 : memref<128xi32, #tpu.memory_space<vmem>>)
    %dma_start3A_77 = arith.constant 0 : i32
    %dma_start3A_78 = arith.constant 0 : i32
    %dma_start3A_79 = tpu.memref_slice %arg2[%dma_start3A_77, %dma_start3A_78] : memref<10000x128xf32, #tpu.memory_space<hbm>> -> memref<10000x128xf32, #tpu.memory_space<hbm>>
    tpu.enqueue_indirect_dma source(%dma_start3A_79 : memref<10000x128xf32, #tpu.memory_space<hbm>>) target(%arg13 : memref<128x128xf32, #tpu.memory_space<vmem>>) offsets(%arg7 : memref<128xi32, #tpu.memory_space<vmem>>) semaphore(%arg16 : memref<!tpu.dma_semaphore, #tpu.memory_space<semaphore_mem>>)
    %dma_wait3A_80 = arith.constant 0 : i32
    %dma_wait3A_81 = arith.constant 0 : i32
    %dma_wait3A_82 = tpu.memref_slice %arg2[%dma_wait3A_80, %dma_wait3A_81] : memref<10000x128xf32, #tpu.memory_space<hbm>> -> memref<10000x128xf32, #tpu.memory_space<hbm>>
    tpu.wait_indirect_dma semaphore(%arg17 : memref<!tpu.dma_semaphore, #tpu.memory_space<semaphore_mem>>) src(%dma_wait3A_82 : memref<10000x128xf32, #tpu.memory_space<hbm>>) dst(%arg14 : memref<128x128xf32, #tpu.memory_space<vmem>>)
    "tpu.region"() ({
      %run_scoped3A = tpu.sem_alloc : memref<!tpu.dma_semaphore, #tpu.memory_space<semaphore_mem>>
      %dma_start3A_114 = arith.constant 0 : i32
      %dma_start3A_115 = arith.constant 0 : i32
      %dma_start3A_116 = tpu.memref_slice %arg20[%dma_start3A_114, %dma_start3A_115] : memref<10112x128xf32, #tpu.memory_space<vmem_shared>> -> memref<10112x128xf32, #tpu.memory_space<vmem_shared>>
      tpu.enqueue_indirect_dma source(%arg14 : memref<128x128xf32, #tpu.memory_space<vmem>>) target(%dma_start3A_116 : memref<10112x128xf32, #tpu.memory_space<vmem_shared>>) offsets(%arg10 : memref<128xi32, #tpu.memory_space<vmem>>) semaphore(%run_scoped3A : memref<!tpu.dma_semaphore, #tpu.memory_space<semaphore_mem>>) {add = true}
      %dma_wait3A_117 = arith.constant 0 : i32
      %dma_wait3A_118 = arith.constant 0 : i32
      %dma_wait3A_119 = tpu.memref_slice %arg20[%dma_wait3A_117, %dma_wait3A_118] : memref<10112x128xf32, #tpu.memory_space<vmem_shared>> -> memref<10112x128xf32, #tpu.memory_space<vmem_shared>>
      tpu.wait_indirect_dma semaphore(%run_scoped3A : memref<!tpu.dma_semaphore, #tpu.memory_space<semaphore_mem>>) src(%arg14 : memref<128x128xf32, #tpu.memory_space<vmem>>) dst(%dma_wait3A_119 : memref<10112x128xf32, #tpu.memory_space<vmem_shared>>)
      tpu.yield
    }) : () -> ()
    %add3A_83 = arith.constant 10112 : i32
    %add3A_84 = arith.addi %mul3A_22, %add3A_83 : i32
    %dma_start3A_85 = tpu.memref_slice %arg3[%add3A_84] : memref<327680xi32, #tpu.memory_space<hbm>> -> memref<128xi32, #tpu.memory_space<hbm>>
    %dma_start3A_86 = tpu.memref_slice %arg3[%add3A_84] : memref<327680xi32, #tpu.memory_space<hbm>> -> memref<128xi32, #tpu.memory_space<hbm>>
    tpu.enqueue_dma source(%dma_start3A_86 : memref<128xi32, #tpu.memory_space<hbm>>) target(%arg8 : memref<128xi32, #tpu.memory_space<vmem>>) target_semaphore(%arg19 : memref<!tpu.dma_semaphore, #tpu.memory_space<semaphore_mem>>)
    %dma_start3A_87 = tpu.memref_slice %arg4[%add3A_84] : memref<327680xi32, #tpu.memory_space<hbm>> -> memref<128xi32, #tpu.memory_space<hbm>>
    %dma_start3A_88 = tpu.memref_slice %arg4[%add3A_84] : memref<327680xi32, #tpu.memory_space<hbm>> -> memref<128xi32, #tpu.memory_space<hbm>>
    tpu.enqueue_dma source(%dma_start3A_88 : memref<128xi32, #tpu.memory_space<hbm>>) target(%arg12 : memref<128xi32, #tpu.memory_space<vmem>>) target_semaphore(%arg19 : memref<!tpu.dma_semaphore, #tpu.memory_space<semaphore_mem>>)
    %dma_wait3A_89 = arith.constant 0 : i32
    %dma_wait3A_90 = tpu.memref_slice %arg3[%dma_wait3A_89] : memref<327680xi32, #tpu.memory_space<hbm>> -> memref<128xi32, #tpu.memory_space<hbm>>
    %dma_wait3A_91 = arith.constant 0 : i32
    %dma_wait3A_92 = tpu.memref_slice %arg3[%dma_wait3A_91] : memref<327680xi32, #tpu.memory_space<hbm>> -> memref<128xi32, #tpu.memory_space<hbm>>
    tpu.wait_dma2 semaphore(%arg19 : memref<!tpu.dma_semaphore, #tpu.memory_space<semaphore_mem>>) src(%dma_wait3A_92 : memref<128xi32, #tpu.memory_space<hbm>>) dst(%arg8 : memref<128xi32, #tpu.memory_space<vmem>>)
    %dma_wait3A_93 = arith.constant 0 : i32
    %dma_wait3A_94 = tpu.memref_slice %arg4[%dma_wait3A_93] : memref<327680xi32, #tpu.memory_space<hbm>> -> memref<128xi32, #tpu.memory_space<hbm>>
    %dma_wait3A_95 = arith.constant 0 : i32
    %dma_wait3A_96 = tpu.memref_slice %arg4[%dma_wait3A_95] : memref<327680xi32, #tpu.memory_space<hbm>> -> memref<128xi32, #tpu.memory_space<hbm>>
    tpu.wait_dma2 semaphore(%arg19 : memref<!tpu.dma_semaphore, #tpu.memory_space<semaphore_mem>>) src(%dma_wait3A_96 : memref<128xi32, #tpu.memory_space<hbm>>) dst(%arg12 : memref<128xi32, #tpu.memory_space<vmem>>)
    %dma_start3A_97 = arith.constant 0 : i32
    %dma_start3A_98 = arith.constant 0 : i32
    %dma_start3A_99 = tpu.memref_slice %arg2[%dma_start3A_97, %dma_start3A_98] : memref<10000x128xf32, #tpu.memory_space<hbm>> -> memref<10000x128xf32, #tpu.memory_space<hbm>>
    tpu.enqueue_indirect_dma source(%dma_start3A_99 : memref<10000x128xf32, #tpu.memory_space<hbm>>) target(%arg14 : memref<128x128xf32, #tpu.memory_space<vmem>>) offsets(%arg8 : memref<128xi32, #tpu.memory_space<vmem>>) semaphore(%arg17 : memref<!tpu.dma_semaphore, #tpu.memory_space<semaphore_mem>>)
    %dma_wait3A_100 = arith.constant 0 : i32
    %dma_wait3A_101 = arith.constant 0 : i32
    %dma_wait3A_102 = tpu.memref_slice %arg2[%dma_wait3A_100, %dma_wait3A_101] : memref<10000x128xf32, #tpu.memory_space<hbm>> -> memref<10000x128xf32, #tpu.memory_space<hbm>>
    tpu.wait_indirect_dma semaphore(%arg16 : memref<!tpu.dma_semaphore, #tpu.memory_space<semaphore_mem>>) src(%dma_wait3A_102 : memref<10000x128xf32, #tpu.memory_space<hbm>>) dst(%arg13 : memref<128x128xf32, #tpu.memory_space<vmem>>)
    "tpu.region"() ({
      %run_scoped3A = tpu.sem_alloc : memref<!tpu.dma_semaphore, #tpu.memory_space<semaphore_mem>>
      %dma_start3A_114 = arith.constant 0 : i32
      %dma_start3A_115 = arith.constant 0 : i32
      %dma_start3A_116 = tpu.memref_slice %arg20[%dma_start3A_114, %dma_start3A_115] : memref<10112x128xf32, #tpu.memory_space<vmem_shared>> -> memref<10112x128xf32, #tpu.memory_space<vmem_shared>>
      tpu.enqueue_indirect_dma source(%arg13 : memref<128x128xf32, #tpu.memory_space<vmem>>) target(%dma_start3A_116 : memref<10112x128xf32, #tpu.memory_space<vmem_shared>>) offsets(%arg11 : memref<128xi32, #tpu.memory_space<vmem>>) semaphore(%run_scoped3A : memref<!tpu.dma_semaphore, #tpu.memory_space<semaphore_mem>>) {add = true}
      %dma_wait3A_117 = arith.constant 0 : i32
      %dma_wait3A_118 = arith.constant 0 : i32
      %dma_wait3A_119 = tpu.memref_slice %arg20[%dma_wait3A_117, %dma_wait3A_118] : memref<10112x128xf32, #tpu.memory_space<vmem_shared>> -> memref<10112x128xf32, #tpu.memory_space<vmem_shared>>
      tpu.wait_indirect_dma semaphore(%run_scoped3A : memref<!tpu.dma_semaphore, #tpu.memory_space<semaphore_mem>>) src(%arg13 : memref<128x128xf32, #tpu.memory_space<vmem>>) dst(%dma_wait3A_119 : memref<10112x128xf32, #tpu.memory_space<vmem_shared>>)
      tpu.yield
    }) : () -> ()
    %dma_wait3A_103 = arith.constant 0 : i32
    %dma_wait3A_104 = arith.constant 0 : i32
    %dma_wait3A_105 = tpu.memref_slice %arg2[%dma_wait3A_103, %dma_wait3A_104] : memref<10000x128xf32, #tpu.memory_space<hbm>> -> memref<10000x128xf32, #tpu.memory_space<hbm>>
    tpu.wait_indirect_dma semaphore(%arg17 : memref<!tpu.dma_semaphore, #tpu.memory_space<semaphore_mem>>) src(%dma_wait3A_105 : memref<10000x128xf32, #tpu.memory_space<hbm>>) dst(%arg14 : memref<128x128xf32, #tpu.memory_space<vmem>>)
    "tpu.region"() ({
      %run_scoped3A = tpu.sem_alloc : memref<!tpu.dma_semaphore, #tpu.memory_space<semaphore_mem>>
      %dma_start3A_114 = arith.constant 0 : i32
      %dma_start3A_115 = arith.constant 0 : i32
      %dma_start3A_116 = tpu.memref_slice %arg20[%dma_start3A_114, %dma_start3A_115] : memref<10112x128xf32, #tpu.memory_space<vmem_shared>> -> memref<10112x128xf32, #tpu.memory_space<vmem_shared>>
      tpu.enqueue_indirect_dma source(%arg14 : memref<128x128xf32, #tpu.memory_space<vmem>>) target(%dma_start3A_116 : memref<10112x128xf32, #tpu.memory_space<vmem_shared>>) offsets(%arg12 : memref<128xi32, #tpu.memory_space<vmem>>) semaphore(%run_scoped3A : memref<!tpu.dma_semaphore, #tpu.memory_space<semaphore_mem>>) {add = true}
      %dma_wait3A_117 = arith.constant 0 : i32
      %dma_wait3A_118 = arith.constant 0 : i32
      %dma_wait3A_119 = tpu.memref_slice %arg20[%dma_wait3A_117, %dma_wait3A_118] : memref<10112x128xf32, #tpu.memory_space<vmem_shared>> -> memref<10112x128xf32, #tpu.memory_space<vmem_shared>>
      tpu.wait_indirect_dma semaphore(%run_scoped3A : memref<!tpu.dma_semaphore, #tpu.memory_space<semaphore_mem>>) src(%arg14 : memref<128x128xf32, #tpu.memory_space<vmem>>) dst(%dma_wait3A_119 : memref<10112x128xf32, #tpu.memory_space<vmem_shared>>)
      tpu.yield
    }) : () -> ()
    %barrier3A_106 = arith.constant 0 : index
    tpu.barrier barrier_id(%barrier3A_106)
    %mul3A_107 = arith.constant 632 : i32
    %mul3A_108 = arith.muli %arg1, %mul3A_107 : i32
    %mul3A_109 = arith.constant 10112 : i32
    %mul3A_110 = arith.muli %arg0, %mul3A_109 : i32
    %mul3A_111 = arith.constant 632 : i32
    %mul3A_112 = arith.muli %arg1, %mul3A_111 : i32
    %add3A_113 = arith.addi %mul3A_110, %mul3A_112 : i32
    "tpu.region"() ({
      %run_scoped3A = tpu.sem_alloc : memref<!tpu.dma_semaphore, #tpu.memory_space<semaphore_mem>>
      %dma_start3A_114 = arith.constant 0 : i32
      %dma_start3A_115 = tpu.memref_slice %arg6[%add3A_113, %dma_start3A_114] : memref<20224x128xf32, #tpu.memory_space<hbm>> -> memref<632x128xf32, #tpu.memory_space<hbm>>
      %dma_start3A_116 = arith.constant 0 : i32
      %dma_start3A_117 = tpu.memref_slice %arg20[%mul3A_108, %dma_start3A_116] : memref<10112x128xf32, #tpu.memory_space<vmem_shared>> -> memref<632x128xf32, #tpu.memory_space<vmem_shared>>
      tpu.enqueue_dma source(%dma_start3A_117 : memref<632x128xf32, #tpu.memory_space<vmem_shared>>) target(%dma_start3A_115 : memref<632x128xf32, #tpu.memory_space<hbm>>) target_semaphore(%run_scoped3A : memref<!tpu.dma_semaphore, #tpu.memory_space<semaphore_mem>>)
      %dma_wait3A_118 = arith.constant 0 : i32
      %dma_wait3A_119 = tpu.memref_slice %arg6[%add3A_113, %dma_wait3A_118] : memref<20224x128xf32, #tpu.memory_space<hbm>> -> memref<632x128xf32, #tpu.memory_space<hbm>>
      %dma_wait3A_120 = arith.constant 0 : i32
      %dma_wait3A_121 = tpu.memref_slice %arg20[%mul3A_108, %dma_wait3A_120] : memref<10112x128xf32, #tpu.memory_space<vmem_shared>> -> memref<632x128xf32, #tpu.memory_space<vmem_shared>>
      tpu.wait_dma2 semaphore(%run_scoped3A : memref<!tpu.dma_semaphore, #tpu.memory_space<semaphore_mem>>) src(%dma_wait3A_121 : memref<632x128xf32, #tpu.memory_space<vmem_shared>>) dst(%dma_wait3A_119 : memref<632x128xf32, #tpu.memory_space<hbm>>)
      tpu.yield
    }) : () -> ()
    return
  }
}

module attributes {stable_mosaic.version = 14 : i64} {
  func.func @body(%arg0: i32, %arg1: memref<1000x1xi32, #tpu.memory_space<vmem>>, %arg2: memref<128x128xf32, #tpu.memory_space<vmem>>, %arg3: memref<128x128xf32, #tpu.memory_space<vmem>>, %arg4: memref<1000x2xf32, #tpu.memory_space<vmem>>, %arg5: memref<1000x128xf32, #tpu.memory_space<vmem>>) attributes {dimension_semantics = [#tpu.dimension_semantics<arbitrary>], iteration_bounds = array<i64: 10>, scalar_prefetch = 0 : i64, scratch_operands = 0 : i64, tpu.core_type = #tpu.core_type<tc>, window_params = [{transform_indices = @transform_0, window_bounds = array<i64: 1000, 1>}, {pipeline_mode = #tpu.pipeline_mode<synchronous>, transform_indices = @transform_1, window_bounds = array<i64: 128, 128>}, {pipeline_mode = #tpu.pipeline_mode<synchronous>, transform_indices = @transform_2, window_bounds = array<i64: 128, 128>}, {transform_indices = @transform_3, window_bounds = array<i64: 1000, 2>}, {transform_indices = @transform_4, window_bounds = array<i64: 1000, 128>}]} {
    %get3A = arith.constant 0 : index
    %get3A_0 = arith.constant 0 : index
    %get3A_1 = vector.load %arg2[%get3A, %get3A_0] : memref<128x128xf32, #tpu.memory_space<vmem>>, vector<128x128xf32>
    %get3A_2 = arith.constant 0 : index
    %get3A_3 = arith.constant 0 : index
    %get3A_4 = vector.load %arg3[%get3A_2, %get3A_3] : memref<128x128xf32, #tpu.memory_space<vmem>>, vector<128x128xf32>
    %dot_general3A = arith.constant dense<0.000000e+00> : vector<128x128xf32>
    %dot_general3A_5 = tpu.matmul %get3A_1, %get3A_4, %dot_general3A {dimension_numbers = #tpu.dot_dimension_numbers<[1], [0], [0], [1], [0, 0, 1, 1], [], []>, transpose_lhs_hint = false} : vector<128x128xf32>, vector<128x128xf32>, vector<128x128xf32> -> vector<128x128xf32>
    %get3A_6 = arith.constant 0 : index
    %get3A_7 = arith.constant 0 : index
    %get3A_8 = vector.load %arg4[%get3A_6, %get3A_7] : memref<1000x2xf32, #tpu.memory_space<vmem>>, vector<1000x2xf32>
    %slice3A = vector.extract_strided_slice %get3A_8 {offsets = [0, 0], sizes = [1000, 1], strides = [1, 1]} : vector<1000x2xf32> to vector<1000x1xf32>
    %slice3A_9 = vector.extract_strided_slice %get3A_8 {offsets = [0, 1], sizes = [1000, 1], strides = [1, 1]} : vector<1000x2xf32> to vector<1000x1xf32>
    %add3A = arith.addf %slice3A, %slice3A_9 : vector<1000x1xf32>
    %add3A_10 = arith.constant 1.000000e+00 : f32
    %add3A_11 = vector.broadcast %add3A_10 : f32 to vector<1000x1xf32>
    %add3A_12 = arith.addf %add3A, %add3A_11 : vector<1000x1xf32>
    %rsqrt3A = math.rsqrt %add3A_12 : vector<1000x1xf32>
    %get3A_13 = arith.constant 0 : index
    %get3A_14 = arith.constant 0 : index
    %get3A_15 = vector.load %arg1[%get3A_13, %get3A_14] : memref<1000x1xi32, #tpu.memory_space<vmem>>, vector<1000x1xi32>
    %iota3A = tpu.iota {dimensions = array<i32: 1>} : vector<1000x128xi32>
    %eq3A = vector.broadcast %get3A_15 : vector<1000x1xi32> to vector<1000x128xi32>
    %eq3A_16 = arith.cmpi eq, %eq3A, %iota3A : vector<1000x128xi32>
    %convert_element_type3A = arith.extui %eq3A_16 : vector<1000x128xi1> to vector<1000x128xi32>
    %convert_element_type3A_17 = arith.sitofp %convert_element_type3A : vector<1000x128xi32> to vector<1000x128xf32>
    %dot_general3A_18 = arith.constant dense<0.000000e+00> : vector<1000x128xf32>
    %dot_general3A_19 = tpu.matmul %convert_element_type3A_17, %dot_general3A_5, %dot_general3A_18 {dimension_numbers = #tpu.dot_dimension_numbers<[1], [0], [0], [1], [0, 0, 1, 1], [], []>, transpose_lhs_hint = false} : vector<1000x128xf32>, vector<128x128xf32>, vector<1000x128xf32> -> vector<1000x128xf32>
    %mul3A = vector.broadcast %rsqrt3A : vector<1000x1xf32> to vector<1000x128xf32>
    %mul3A_20 = arith.mulf %dot_general3A_19, %mul3A : vector<1000x128xf32>
    %swap3A = arith.constant 0 : index
    %swap3A_21 = arith.constant 0 : index
    %swap3A_22 = vector.load %arg5[%swap3A, %swap3A_21] : memref<1000x128xf32, #tpu.memory_space<vmem>>, vector<1000x128xf32>
    tpu.vector_store %arg5[%swap3A, %swap3A_21], %mul3A_20 {strides = array<i32>} : memref<1000x128xf32, #tpu.memory_space<vmem>>, vector<1000x128xf32>,
    return
  }
  func.func @transform_0(%arg0: i32) -> (i32, i32) {
    %c0_i32 = arith.constant 0 : i32
    %c0_i32_0 = arith.constant 0 : i32
    return %arg0, %c0_i32 : i32, i32
  }
  func.func @transform_1(%arg0: i32) -> (i32, i32) {
    %c0_i32 = arith.constant 0 : i32
    %c0_i32_0 = arith.constant 0 : i32
    %c0_i32_1 = arith.constant 0 : i32
    return %c0_i32, %c0_i32_0 : i32, i32
  }
  func.func @transform_2(%arg0: i32) -> (i32, i32) {
    %c0_i32 = arith.constant 0 : i32
    %c0_i32_0 = arith.constant 0 : i32
    %c0_i32_1 = arith.constant 0 : i32
    return %c0_i32, %c0_i32_0 : i32, i32
  }
  func.func @transform_3(%arg0: i32) -> (i32, i32) {
    %c0_i32 = arith.constant 0 : i32
    %c0_i32_0 = arith.constant 0 : i32
    return %arg0, %c0_i32 : i32, i32
  }
  func.func @transform_4(%arg0: i32) -> (i32, i32) {
    %c0_i32 = arith.constant 0 : i32
    %c0_i32_0 = arith.constant 0 : i32
    return %arg0, %c0_i32 : i32, i32
  }
}

module attributes {stable_mosaic.version = 14 : i64} {
  func.func @body(%arg0: i32, %arg1: memref<2x1000x128xf32, #tpu.memory_space<vmem>>, %arg2: memref<1000x128xf32, #tpu.memory_space<vmem>>, %arg3: memref<1000x2xf32, #tpu.memory_space<vmem>>, %arg4: memref<1x128xf32, #tpu.memory_space<vmem>>, %arg5: memref<1000x128xf32, #tpu.memory_space<vmem>>) attributes {dimension_semantics = [#tpu.dimension_semantics<arbitrary>], iteration_bounds = array<i64: 10>, scalar_prefetch = 0 : i64, scratch_operands = 0 : i64, tpu.core_type = #tpu.core_type<tc>, window_params = [{transform_indices = @transform_0, window_bounds = array<i64: 2, 1000, 128>}, {transform_indices = @transform_1, window_bounds = array<i64: 1000, 128>}, {transform_indices = @transform_2, window_bounds = array<i64: 1000, 2>}, {pipeline_mode = #tpu.pipeline_mode<synchronous>, transform_indices = @transform_3, window_bounds = array<i64: 1, 128>}, {transform_indices = @transform_4, window_bounds = array<i64: 1000, 128>}]} {
    %get3A = arith.constant 0 : index
    %get3A_0 = arith.constant 0 : index
    %get3A_1 = vector.load %arg3[%get3A, %get3A_0] : memref<1000x2xf32, #tpu.memory_space<vmem>>, vector<1000x2xf32>
    %slice3A = vector.extract_strided_slice %get3A_1 {offsets = [0, 0], sizes = [1000, 1], strides = [1, 1]} : vector<1000x2xf32> to vector<1000x1xf32>
    %slice3A_2 = vector.extract_strided_slice %get3A_1 {offsets = [0, 1], sizes = [1000, 1], strides = [1, 1]} : vector<1000x2xf32> to vector<1000x1xf32>
    %add3A = arith.addf %slice3A, %slice3A_2 : vector<1000x1xf32>
    %add3A_3 = arith.constant 1.000000e+00 : f32
    %add3A_4 = vector.broadcast %add3A_3 : f32 to vector<1000x1xf32>
    %add3A_5 = arith.addf %add3A, %add3A_4 : vector<1000x1xf32>
    %rsqrt3A = math.rsqrt %add3A_5 : vector<1000x1xf32>
    %get3A_6 = arith.constant 0 : index
    %get3A_7 = arith.constant 0 : index
    %get3A_8 = arith.constant 0 : index
    %get3A_9 = vector.load %arg1[%get3A_6, %get3A_7, %get3A_8] : memref<2x1000x128xf32, #tpu.memory_space<vmem>>, vector<1x1000x128xf32>
    %get3A_10 = vector.shape_cast %get3A_9 : vector<1x1000x128xf32> to vector<1000x128xf32>
    %get3A_11 = arith.constant 1 : index
    %get3A_12 = arith.constant 0 : index
    %get3A_13 = arith.constant 0 : index
    %get3A_14 = vector.load %arg1[%get3A_11, %get3A_12, %get3A_13] : memref<2x1000x128xf32, #tpu.memory_space<vmem>>, vector<1x1000x128xf32>
    %get3A_15 = vector.shape_cast %get3A_14 : vector<1x1000x128xf32> to vector<1000x128xf32>
    %add3A_16 = arith.addf %get3A_10, %get3A_15 : vector<1000x128xf32>
    %get3A_17 = arith.constant 0 : index
    %get3A_18 = arith.constant 0 : index
    %get3A_19 = vector.load %arg2[%get3A_17, %get3A_18] : memref<1000x128xf32, #tpu.memory_space<vmem>>, vector<1000x128xf32>
    %add3A_20 = arith.addf %add3A_16, %get3A_19 : vector<1000x128xf32>
    %mul3A = vector.broadcast %rsqrt3A : vector<1000x1xf32> to vector<1000x128xf32>
    %mul3A_21 = arith.mulf %add3A_20, %mul3A : vector<1000x128xf32>
    %get3A_22 = arith.constant 0 : index
    %get3A_23 = arith.constant 0 : index
    %get3A_24 = vector.load %arg4[%get3A_22, %get3A_23] : memref<1x128xf32, #tpu.memory_space<vmem>>, vector<1x128xf32>
    %add3A_25 = vector.broadcast %get3A_24 : vector<1x128xf32> to vector<1000x128xf32>
    %add3A_26 = arith.addf %mul3A_21, %add3A_25 : vector<1000x128xf32>
    %swap3A = arith.constant 0 : index
    %swap3A_27 = arith.constant 0 : index
    %swap3A_28 = vector.load %arg5[%swap3A, %swap3A_27] : memref<1000x128xf32, #tpu.memory_space<vmem>>, vector<1000x128xf32>
    tpu.vector_store %arg5[%swap3A, %swap3A_27], %add3A_26 {strides = array<i32>} : memref<1000x128xf32, #tpu.memory_space<vmem>>, vector<1000x128xf32>,
    return
  }
  func.func @transform_0(%arg0: i32) -> (i32, i32, i32) {
    %c0_i32 = arith.constant 0 : i32
    %c0_i32_0 = arith.constant 0 : i32
    %c0_i32_1 = arith.constant 0 : i32
    return %c0_i32, %arg0, %c0_i32_0 : i32, i32, i32
  }
  func.func @transform_1(%arg0: i32) -> (i32, i32) {
    %c0_i32 = arith.constant 0 : i32
    %c0_i32_0 = arith.constant 0 : i32
    return %arg0, %c0_i32 : i32, i32
  }
  func.func @transform_2(%arg0: i32) -> (i32, i32) {
    %c0_i32 = arith.constant 0 : i32
    %c0_i32_0 = arith.constant 0 : i32
    return %arg0, %c0_i32 : i32, i32
  }
  func.func @transform_3(%arg0: i32) -> (i32, i32) {
    %c0_i32 = arith.constant 0 : i32
    %c0_i32_0 = arith.constant 0 : i32
    %c0_i32_1 = arith.constant 0 : i32
    return %c0_i32, %c0_i32_0 : i32, i32
  }
  func.func @transform_4(%arg0: i32) -> (i32, i32) {
    %c0_i32 = arith.constant 0 : i32
    %c0_i32_0 = arith.constant 0 : i32
    return %arg0, %c0_i32 : i32, i32
  }
}

module attributes {stable_mosaic.version = 14 : i64} {
  func.func @body(%arg0: i32, %arg1: memref<2x1000x128xf32, #tpu.memory_space<vmem>>, %arg2: memref<1000x128xf32, #tpu.memory_space<vmem>>, %arg3: memref<1000x2xf32, #tpu.memory_space<vmem>>, %arg4: memref<1x128xf32, #tpu.memory_space<vmem>>, %arg5: memref<128x128xf32, #tpu.memory_space<vmem>>, %arg6: memref<1000x128xf32, #tpu.memory_space<vmem>>) attributes {dimension_semantics = [#tpu.dimension_semantics<arbitrary>], iteration_bounds = array<i64: 10>, scalar_prefetch = 0 : i64, scratch_operands = 0 : i64, tpu.core_type = #tpu.core_type<tc>, window_params = [{transform_indices = @transform_0, window_bounds = array<i64: 2, 1000, 128>}, {transform_indices = @transform_1, window_bounds = array<i64: 1000, 128>}, {transform_indices = @transform_2, window_bounds = array<i64: 1000, 2>}, {pipeline_mode = #tpu.pipeline_mode<synchronous>, transform_indices = @transform_3, window_bounds = array<i64: 1, 128>}, {pipeline_mode = #tpu.pipeline_mode<synchronous>, transform_indices = @transform_4, window_bounds = array<i64: 128, 128>}, {transform_indices = @transform_5, window_bounds = array<i64: 1000, 128>}]} {
    %get3A = arith.constant 0 : index
    %get3A_0 = arith.constant 0 : index
    %get3A_1 = vector.load %arg3[%get3A, %get3A_0] : memref<1000x2xf32, #tpu.memory_space<vmem>>, vector<1000x2xf32>
    %slice3A = vector.extract_strided_slice %get3A_1 {offsets = [0, 0], sizes = [1000, 1], strides = [1, 1]} : vector<1000x2xf32> to vector<1000x1xf32>
    %slice3A_2 = vector.extract_strided_slice %get3A_1 {offsets = [0, 1], sizes = [1000, 1], strides = [1, 1]} : vector<1000x2xf32> to vector<1000x1xf32>
    %add3A = arith.addf %slice3A, %slice3A_2 : vector<1000x1xf32>
    %add3A_3 = arith.constant 1.000000e+00 : f32
    %add3A_4 = vector.broadcast %add3A_3 : f32 to vector<1000x1xf32>
    %add3A_5 = arith.addf %add3A, %add3A_4 : vector<1000x1xf32>
    %rsqrt3A = math.rsqrt %add3A_5 : vector<1000x1xf32>
    %get3A_6 = arith.constant 0 : index
    %get3A_7 = arith.constant 0 : index
    %get3A_8 = arith.constant 0 : index
    %get3A_9 = vector.load %arg1[%get3A_6, %get3A_7, %get3A_8] : memref<2x1000x128xf32, #tpu.memory_space<vmem>>, vector<1x1000x128xf32>
    %get3A_10 = vector.shape_cast %get3A_9 : vector<1x1000x128xf32> to vector<1000x128xf32>
    %get3A_11 = arith.constant 1 : index
    %get3A_12 = arith.constant 0 : index
    %get3A_13 = arith.constant 0 : index
    %get3A_14 = vector.load %arg1[%get3A_11, %get3A_12, %get3A_13] : memref<2x1000x128xf32, #tpu.memory_space<vmem>>, vector<1x1000x128xf32>
    %get3A_15 = vector.shape_cast %get3A_14 : vector<1x1000x128xf32> to vector<1000x128xf32>
    %add3A_16 = arith.addf %get3A_10, %get3A_15 : vector<1000x128xf32>
    %get3A_17 = arith.constant 0 : index
    %get3A_18 = arith.constant 0 : index
    %get3A_19 = vector.load %arg2[%get3A_17, %get3A_18] : memref<1000x128xf32, #tpu.memory_space<vmem>>, vector<1000x128xf32>
    %add3A_20 = arith.addf %add3A_16, %get3A_19 : vector<1000x128xf32>
    %mul3A = vector.broadcast %rsqrt3A : vector<1000x1xf32> to vector<1000x128xf32>
    %mul3A_21 = arith.mulf %add3A_20, %mul3A : vector<1000x128xf32>
    %get3A_22 = arith.constant 0 : index
    %get3A_23 = arith.constant 0 : index
    %get3A_24 = vector.load %arg4[%get3A_22, %get3A_23] : memref<1x128xf32, #tpu.memory_space<vmem>>, vector<1x128xf32>
    %add3A_25 = vector.broadcast %get3A_24 : vector<1x128xf32> to vector<1000x128xf32>
    %add3A_26 = arith.addf %mul3A_21, %add3A_25 : vector<1000x128xf32>
    %max3A = arith.constant 0.000000e+00 : f32
    %max3A_27 = vector.broadcast %max3A : f32 to vector<1000x128xf32>
    %max3A_28 = arith.maximumf %add3A_26, %max3A_27 : vector<1000x128xf32>
    %get3A_29 = arith.constant 0 : index
    %get3A_30 = arith.constant 0 : index
    %get3A_31 = vector.load %arg5[%get3A_29, %get3A_30] : memref<128x128xf32, #tpu.memory_space<vmem>>, vector<128x128xf32>
    %dot_general3A = arith.constant dense<0.000000e+00> : vector<1000x128xf32>
    %dot_general3A_32 = tpu.matmul %max3A_28, %get3A_31, %dot_general3A {dimension_numbers = #tpu.dot_dimension_numbers<[1], [0], [0], [1], [0, 0, 1, 1], [], []>, transpose_lhs_hint = false} : vector<1000x128xf32>, vector<128x128xf32>, vector<1000x128xf32> -> vector<1000x128xf32>
    %mul3A_33 = vector.broadcast %rsqrt3A : vector<1000x1xf32> to vector<1000x128xf32>
    %mul3A_34 = arith.mulf %dot_general3A_32, %mul3A_33 : vector<1000x128xf32>
    %swap3A = arith.constant 0 : index
    %swap3A_35 = arith.constant 0 : index
    %swap3A_36 = vector.load %arg6[%swap3A, %swap3A_35] : memref<1000x128xf32, #tpu.memory_space<vmem>>, vector<1000x128xf32>
    tpu.vector_store %arg6[%swap3A, %swap3A_35], %mul3A_34 {strides = array<i32>} : memref<1000x128xf32, #tpu.memory_space<vmem>>, vector<1000x128xf32>,
    return
  }
  func.func @transform_0(%arg0: i32) -> (i32, i32, i32) {
    %c0_i32 = arith.constant 0 : i32
    %c0_i32_0 = arith.constant 0 : i32
    %c0_i32_1 = arith.constant 0 : i32
    return %c0_i32, %arg0, %c0_i32_0 : i32, i32, i32
  }
  func.func @transform_1(%arg0: i32) -> (i32, i32) {
    %c0_i32 = arith.constant 0 : i32
    %c0_i32_0 = arith.constant 0 : i32
    return %arg0, %c0_i32 : i32, i32
  }
  func.func @transform_2(%arg0: i32) -> (i32, i32) {
    %c0_i32 = arith.constant 0 : i32
    %c0_i32_0 = arith.constant 0 : i32
    return %arg0, %c0_i32 : i32, i32
  }
  func.func @transform_3(%arg0: i32) -> (i32, i32) {
    %c0_i32 = arith.constant 0 : i32
    %c0_i32_0 = arith.constant 0 : i32
    %c0_i32_1 = arith.constant 0 : i32
    return %c0_i32, %c0_i32_0 : i32, i32
  }
  func.func @transform_4(%arg0: i32) -> (i32, i32) {
    %c0_i32 = arith.constant 0 : i32
    %c0_i32_0 = arith.constant 0 : i32
    %c0_i32_1 = arith.constant 0 : i32
    return %c0_i32, %c0_i32_0 : i32, i32
  }
  func.func @transform_5(%arg0: i32) -> (i32, i32) {
    %c0_i32 = arith.constant 0 : i32
    %c0_i32_0 = arith.constant 0 : i32
    return %arg0, %c0_i32 : i32, i32
  }
}

</mosaic_0001>

<sc_bundles>
// kernel: kernel.11.cloned.1.call-start
scs
__scs_entry_jumppad:
0x0: {  	(pc) =	sbr.rel $0x88, $3  }
0x1: {  	(tag) =	ssettag $0x0;
	lr =	simm.s32 $0x1  }
0x2: {  	[smem:$0x3F9A] =	sst lr;
	_ =	strace $0xD0000000  }
0x3: {  	_ = 	snop  }
0x4: {  	_ = 	snop  }
0x5: {  	_ = 	snop  }
0x6: {  	_ = 	snop  }
0x7: {  	_ = 	snop  }
__scs_overlays_trampoline_lowered:
0x8: {  	[smem:$0x3FA9] =	sst s0  }
0x9: {  	[smem:$0x3FAA] =	sst s1  }
0xa: {  	[smem:$0x3FAB] =	sst s2  }
0xb: {  	[smem:$0x3FAC] =	sst s3  }
0xc: {  	[smem:$0x3FAD] =	sst s4  }
0xd: {  	[smem:$0x3FAE] =	sst s5  }
0xe: {  	[smem:$0x3FAF] =	sst s6  }
0xf: {  	[smem:$0x3FB0] =	sst s7  }
0x10: {  	[smem:$0x3FB1] =	sst s8  }
0x11: {  	[smem:$0x3FB2] =	sst s9;
	s0 =	simm.s32 @!p0 $0x0  }
0x12: {  	s1 =	sld [smem:$0x3F98];
	s0 =	simm.s32 @p0 $0x1  }
0x13: {  	[smem:$0x3FB3] =	sst s0;
	s0 =	simm.s32 @!p1 $0x0  }
0x14: {  	s2 =	sld [smem:$0x3F97];
	s0 =	simm.s32 @p1 $0x1  }
0x15: {  	[smem:$0x3FB4] =	sst s0;
	s0 =	simm.s32 @!p2 $0x0  }
0x16: {  	s3 =	sld [smem:$0x3FDB];
	s0 =	simm.s32 @p2 $0x1  }
0x17: {  	s4 =	simm.s32 $0x1BF5;
	[smem:$0x3FB6] =	sst s0  }
0x18: {  	s0 =	sld [smem:$0x3F99];
	_ =	swait.ge [sflag:s4], $0x0  }
0x19: {  	s7 =	sld [smem:$0x3F9A]  }
0x1a: {  	s8 =	sadd.s32 $0xFFFFE003, lr  }
0x1b: {  	s9 =	sadd.s32 $0xFFFFFEF7, lr;
	s5 =	simm.s32 $0xFFFFFFFF;
	p2 =	slt.u32 s8, $0xFFFFF086  }
0x1c: {  	p1 =	slt.u32 s9, $0xF7A;
	s5 =	simm.s32 @!p2 $0x0  }
0x1d: {  	s5 =	simm.s32 @p1 $0x1;
	p0 =	seq.s32 s7, s2  }
0x1e: {  	s7 =	smul.u32 @!p0 $0xF7A, s2;
	p2 =	seq.s32 @!p0 s5, $0x0  }
0x1f: {  	s9 =	smul.u32 $0xF7A, s1;
	s8 =	simm.s32 @!p0 $0x1BF5;
	p2 =	por !p2, p0  }
0x20: {  	[sflag:s8] =	ssyncset.s32 @!p0 $0xFFFFF086;
	s6 =	sadd.s32 @!p0 s3, s7;
	s7 =	simm.s32 @!p0 $0x108  }
0x21: {  	s3 =	sadd.s32 s3, s9;
	s6 =	sadd.s32 @!p0 $0x88, s6;
	s7 =	simm.s32 @p2 $0x1082  }
0x22: {  	[simem:s7], [sflag:s8] =	dma.local @!p0 [hbm:s6], $0xF7A  }
0x23: {  	s9 =	sor.u32 $0xD0000000, s2;
	s6 =	simm.s32 $0x108;
	_ =	swait.ge @!p0 [sflag:s8], $0x0  }
0x24: {  	s3 =	sadd.s32 $0x88, s3;
	s6 =	simm.s32 @!p1 $0x1082;
	[sflag:s4] =	ssyncset.s32 $0xFFFFF086  }
0x25: {  	[simem:s6], [sflag:s4] =	dma.local [hbm:s3], $0xF7A  }
0x26: {  	[smem:$0x3F9A] =	sst s1;
	(tag) =	ssettag s2;
	_ =	strace s9  }
0x27: {  	s1 =	sld [smem:$0x3FAA]  }
0x28: {  	s2 =	sld [smem:$0x3FAB]  }
0x29: {  	s4 =	sld [smem:$0x3FAD]  }
0x2a: {  	p0 =	seq.s32 s5, $0x0;
	s5 =	sld [smem:$0x3FAE]  }
0x2b: {  	s6 =	sld [smem:$0x3FAF]  }
0x2c: {  	s7 =	sld [smem:$0x3FB0]  }
0x2d: {  	s3 =	simm.s32 $0x108;
	s8 =	sld [smem:$0x3FB1]  }
0x2e: {  	s3 =	simm.s32 @!p0 $0x1082;
	s9 =	sld [smem:$0x3FB2]  }
0x2f: {  	lr =	sadd.s32 s0, s3;
	s0 =	sld [smem:$0x3FA9]  }
0x30: {  	s3 =	sld [smem:$0x3FAC]  }
0x31: {  	[smem:$0x3FB5] =	sst s10  }
0x32: {  	s10 =	sld [smem:$0x3FB3];
	_ =	sdelay $0x3  }
0x33: {  	p0 =	seq.s32 s10, $0x1;
	s10 =	sld [smem:$0x3FB5];
	_ =	sdelay $0x3  }
0x34: {  	[smem:$0x3FB5] =	sst s10  }
0x35: {  	s10 =	sld [smem:$0x3FB4];
	_ =	sdelay $0x3  }
0x36: {  	p1 =	seq.s32 s10, $0x1;
	s10 =	sld [smem:$0x3FB5];
	_ =	sdelay $0x3  }
0x37: {  	[smem:$0x3FB5] =	sst s10  }
0x38: {  	s10 =	sld [smem:$0x3FB6]  }
0x39: {  	_ = 	snop;
	(pc) =	sbr.ind lr, $3  }
0x3a: {  	_ = 	snop  }
0x3b: {  	_ = 	snop  }
0x3c: {  	p2 =	seq.s32 s10, $0x1;
	s10 =	sld [smem:$0x3FB5]  }
0x3d: {  	_ =	shalt  }
0x3e: {  	_ =	shalt  }
0x3f: {  	_ =	shalt  }
0x40: {  	_ =	shalt  }
0x41: {  	_ =	shalt  }
0x42: {  	_ =	shalt  }
0x43: {  	_ =	shalt  }
0x44: {  	_ =	shalt  }
0x45: {  	_ =	shalt  }
0x46: {  	_ =	shalt  }
0x47: {  	_ =	shalt  }
0x48: {  	_ =	shalt  }
0x49: {  	_ =	shalt  }
0x4a: {  	_ =	shalt  }
0x4b: {  	_ =	shalt  }
0x4c: {  	_ =	shalt  }
0x4d: {  	_ =	shalt  }
0x4e: {  	_ =	shalt  }
0x4f: {  	_ =	shalt  }
0x50: {  	_ =	shalt  }
0x51: {  	_ =	shalt  }
0x52: {  	_ =	shalt  }
0x53: {  	_ =	shalt  }
0x54: {  	_ =	shalt  }
0x55: {  	_ =	shalt  }
0x56: {  	_ =	shalt  }
0x57: {  	_ =	shalt  }
0x58: {  	_ =	shalt  }
0x59: {  	_ =	shalt  }
0x5a: {  	_ =	shalt  }
0x5b: {  	_ =	shalt  }
0x5c: {  	_ =	shalt  }
0x5d: {  	_ =	shalt  }
0x5e: {  	_ =	shalt  }
0x5f: {  	_ =	shalt  }
0x60: {  	_ =	shalt  }
0x61: {  	_ =	shalt  }
0x62: {  	_ =	shalt  }
0x63: {  	_ =	shalt  }
0x64: {  	_ =	shalt  }
0x65: {  	_ =	shalt  }
0x66: {  	_ =	shalt  }
0x67: {  	_ =	shalt  }
0x68: {  	_ =	shalt  }
0x69: {  	_ =	shalt  }
0x6a: {  	_ =	shalt  }
0x6b: {  	_ =	shalt  }
0x6c: {  	_ =	shalt  }
0x6d: {  	_ =	shalt  }
0x6e: {  	_ =	shalt  }
0x6f: {  	_ =	shalt  }
0x70: {  	_ =	shalt  }
0x71: {  	_ =	shalt  }
0x72: {  	_ =	shalt  }
0x73: {  	_ =	shalt  }
0x74: {  	_ =	shalt  }
0x75: {  	_ =	shalt  }
0x76: {  	_ =	shalt  }
0x77: {  	_ =	shalt  }
0x78: {  	_ =	shalt  }
0x79: {  	_ =	shalt  }
0x7a: {  	_ =	shalt  }
0x7b: {  	_ =	shalt  }
0x7c: {  	_ =	shalt  }
0x7d: {  	_ =	shalt  }
0x7e: {  	_ =	shalt  }
0x7f: {  	_ =	shalt  }
0x80: {  	_ =	shalt  }
0x81: {  	_ =	shalt  }
0x82: {  	_ =	shalt  }
0x83: {  	_ =	shalt  }
0x84: {  	_ =	shalt  }
0x85: {  	_ =	shalt  }
0x86: {  	_ =	shalt  }
0x87: {  	_ =	shalt  }
.Lfunc_end0:
.L_simem_size_0:
called_computation.1_lowered:
.L_overlay_start_0:
0x88: {  	s2 =	sld [smem:$0x3FD9]  }
0x89: {  	s3 =	sld [smem:$0x3FFE];
	_ =	sdelay $0x1  }
0x8a: {  	s1 =	srdreg.scid  }
0x8b: {  	s0 =	sand.u32 $0x1, s1  }
0x8c: {  	s17 =	sshll.u32 s0, $0xA;
	s2 =	sadd.s32 s3, s2  }
0x8d: {  	s2 =	sadd.s32 s2, s17  }
0x8e: {  	[smem:$0x3FC1] =	sst s2  }
0x8f: {  	_ = 	snop  }
0x90: {  	s2 =	sld [smem:$0x3FD0];
	(tm) =	ssettm $0x1  }
0x91: {  	s18 =	sld [smem:$0x3FFB];
	_ =	sdelay $0x3  }
0x92: {  	_ =	strace s18  }
0x93: {  	s3 =	sld [smem:$0x3FFC];
	_ =	sdelay $0x3  }
0x94: {  	_ =	strace s3  }
0x95: {  	s3 =	sld [smem:$0x3FFD];
	_ =	sdelay $0x3  }
0x96: {  	_ =	strace s3  }
0x97: {  	_ =	strace $0x8FFFFFFF  }
0x98: {  	s19 =	sld [smem:$0x3FDB];
	_ =	sdelay $0x1  }
0x99: {  	s4 =	simm.s32 $_scs_section_size  }
0x9a: {  	s5 =	simm.s32 $_size__tile_overlayer_lowered;
	s6 =	simm.s32 $_tile_overlayer_lowered  }
0x9b: {  	s22 =	simm.s32 $0x1BFF;
	s21 =	sshll.u32 s6, $0x1;
	s3 =	sadd.s32 s4, s19  }
0x9c: {  	s7 =	simm.s32 $0x0;
	s20 =	sshll.u32 s5, $0x1;
	s5 =	sadd.s32 s21, s3  }
0x9d: {  	[timem:s7], [sflag:s22] =	dma.local [hbm:s5], s20  }
0x9e: {  	_ =	swait.ge [sflag:s22], s20  }
0x9f: {  	s4 =	ssub.s32 $0x0, s20;
	[sflag:s22] =	ssyncset.done $0x0  }
0xa0: {  	[sflag:s22] =	ssyncadd.s32 s4;
	_ =	sdelay $0x1  }
0xa1: {  	s23 =	simm.s32 $0x1B8B  }
0xa2: {  	_ =	swait.ge [sflag:s23], $0x1  }
0xa3: {  	[sflag:s23] =	ssyncset.done $0x0  }
0xa4: {  	s25 =	simm.s32 $0x1B8E;
	s24 =	sld [smem:$0x3FFE];
	[sflag:s23] =	ssyncadd.s32 $0xFFFFFFFF  }
0xa5: {  	s26 =	simm.s32 $execute0_lowered;
	[smem:$0x3FD2] =	sst s25  }
0xa6: {  	s5 =	sshll.u32 s26, $0x1;
	_ =	strace $0x80000049;
	[dreg:$0x1] =	wrdreg $0xFFFFFFFF  }
0xa7: {  	s28 =	simm.s32 $_size_execute0_lowered;
	s3 =	sadd.s32 s3, s5;
	[dreg:$0x0] =	wrdreg $0x0  }
0xa8: {  	s5 =	sshll.u32 s28, $0x1;
	[dreg:$0x2] =	wrdreg s3  }
0xa9: {  	[dreg:$0x3] =	wrdreg s5  }
0xaa: {  	[dreg:$0x4] =	wrdreg $0xC0  }
0xab: {  	_ =	task [dreg:s7], $0x5FFFF  }
0xac: {  	[dreg:$0x1] =	wrdreg $0xFFFFFFFF  }
0xad: {  	[dreg:$0x0] =	wrdreg $0x60  }
0xae: {  	[dreg:$0x2] =	wrdreg s2  }
0xaf: {  	[dreg:$0x3] =	wrdreg s24  }
0xb0: {  	[dreg:$0x4] =	wrdreg $0xC3000  }
0xb1: {  	[dreg:$0x5] =	wrdreg $0x9  }
0xb2: {  	_ =	task.clear_ibuf [dreg:s7], $0x6FFFF;
	_ =	strace $0x90000049  }
0xb3: {  	s29 =	simm.s32 $0x9;
	_ =	strace $0x8000004B  }
0xb4: {  	_ =	swait.ge [sflag:s29], $0x1  }
0xb5: {  	[sflag:s29] =	ssyncadd.s32 $0xFFFFFFFF  }
0xb6: {  	_ =	strace $0x9000004B  }
0xb7: {  	_ =	sfence  }
0xb8: {  	s30 =	sld [smem:$0x0];
	_ =	sdelay $0x2  }
0xb9: {  	s31 =	sshll.u32 s1, $0xD;
	s1 =	sshrl.u32 s1, $0x2  }
0xba: {  	s3 =	sand.u32 $0x4000, s31;
	s1 =	sadd.s32 s1, s30  }
0xbb: {  	s0 =	sor.u32 s3, s0;
	s1 =	sshll.u32 s1, $0x11  }
0xbc: {  	s0 =	sor.u32 s1, s0  }
0xbd: {  	s0 =	sadd.s32 $0x8F2B, s0  }
0xbe: {  	[sflag:s0] =	ssyncadd.remote.s32 $0x1  }
0xbf: {  	_ =	sfence.sel $0xFFFF  }
0xc0: {  	[dreg:$0x0] =	wrdreg $0xFFFFFFFF;
	(pc) =	sbr.abs _section_cstart, $3  }
0xc1: {  	[dreg:$0x1] =	wrdreg $0xFFFFFFFF  }
0xc2: {  	_ =	task.clear_ibuf [dreg:s7], $0x2FFFF;
	_ =	strace $0x9FFFFFFF  }
0xc3: {  	(tm) =	ssettm $0x7FFFFFFF  }
tec
execute0_lowered:
.L_overlay_start_1:
0x0: {  	(tag) =	ssettag $0x1  }
0x1: {  	s1 =	rddreg [dreg:$0x0]  }
0x2: {  	s0 =	rddreg [dreg:$0x1]  }
0x3: {  	s3 =	rddreg [dreg:$0x2]  }
0x4: {  	s4 =	simm.s32 $0x0;
	s2 =	srdreg.scid;
	s11 =	stileid.u32  }
0x5: {  	s29 =	simm.s32 $0x8300;
	s30 =	simm.s32 $0x5;
	s31 =	simm.s32 $0x100  }
0x6: {  	[smem:$0x7FF] =	sst s4;
	s2 =	sand.u32 $0x1, s2;
	s5 =	smul.u32 $0x2780, s11  }
0x7: {  	s7 =	sadd.s32 $0xC200, s0;
	s8 =	sadd.s32 $0x2200, s0;
	s21 =	smul.u32 $0x4F000, s11  }
0x8: {  	s9 =	sadd.s32 $0x16200, s0;
	s25 =	smul.u32 $0x2800, s11;
	_ =	strace $0x8000004A  }
0x9: {  	s6 =	smul.u32 $0x27800, s2;
	[dreg:$0x5] =	wrdreg s9;
	s22 =	sshll.u32 s2, $0x4  }
0xa: {  	s23 =	ssub.s32 $0x2, s2;
	s2 =	smul.u32 $0x28000, s2;
	s9 =	sor.u32 s11, s22  }
0xb: {  	s10 =	sshrl.u32 s23, $0x1;
	s11 =	simm.s32 $0x200;
	s5 =	sadd.s32 s5, s6  }
0xc: {  	s6 =	sshrl.u32 s21, $0x2;
	s9 =	smul.u32 $0x2800, s9;
	s2 =	sadd.s32 s25, s2  }
0xd: {  	s0 =	sadd.s32 s5, s0;
	s5 =	ssub.s32 s23, s10;
	s6 =	sadd.s32 s6, s3  }
0xe: {  	s17 =	sor.u32 $0x280, s2;
	s21 =	sor.u32 $0x200, s2;
	s23 =	sor.u32 $0x180, s2  }
0xf: {  	s2 =	sor.u32 $0x100, s2;
	s24 =	sadd.s32 $0x4000, s6;
	s9 =	sshrl.u32 s9, $0x3  }
0x10: {  	s10 =	sshrl.u32 s17, $0x3;
	s22 =	sshrl.u32 s21, $0x3;
	s2 =	sshrl.u32 s2, $0x3  }
0x11: {  	s25 =	sadd.s32 $0x8000, s6;
	s0 =	sadd.s32 $0x16A00, s0;
	[dreg:$0x6] =	wrdreg s24  }
0x12: {  	s28 =	sadd.s32 $0x10000, s6;
	s26 =	sadd.s32 s7, s9;
	[dreg:$0xf] =	wrdreg s25  }
0x13: {  	s12 =	sadd.s32 s8, s9;
	s13 =	sor.u32 $0x10, s9;
	[dreg:$0x10] =	wrdreg s0  }
0x14: {  	s14 =	sadd.s32 $0x4E0, s9;
	s9 =	sadd.s32 $0x4F0, s9;
	[dreg:$0x7] =	wrdreg s26  }
0x15: {  	s20 =	sadd.s32 s10, s8;
	s17 =	sadd.s32 s22, s8;
	[dreg:$0x8] =	wrdreg s12  }
0x16: {  	s24 =	sshrl.u32 s23, $0x3;
	s12 =	sadd.s32 s7, s13;
	[dreg:$0x4] =	wrdreg s20  }
0x17: {  	s21 =	sadd.s32 s2, s8;
	s15 =	sadd.s32 s8, s13;
	[dreg:$0x9] =	wrdreg s12  }
0x18: {  	s0 =	simm.s32 $0x80;
	s16 =	sadd.s32 s7, s14;
	[dreg:$0xa] =	wrdreg s15  }
0x19: {  	s18 =	sadd.s32 s8, s14;
	s19 =	sadd.s32 s7, s9;
	[dreg:$0xb] =	wrdreg s16  }
0x1a: {  	s9 =	sadd.s32 s8, s9;
	s20 =	sadd.s32 s24, s7;
	[dreg:$0xc] =	wrdreg s18  }
0x1b: {  	s26 =	smax.u32 s5, $0x1;
	s5 =	simm.s32 $0x3;
	[dreg:$0xd] =	wrdreg s19  }
0x1c: {  	s13 =	simm.s32 $0x280;
	s14 =	simm.s32 $0x0;
	[dreg:$0xe] =	wrdreg s9  }
0x1d: {  	s16 =	sadd.s32 s10, s7;
	s18 =	sadd.s32 s22, s7;
	s19 =	sadd.s32 s24, s8  }
0x1e: {  	s22 =	sadd.s32 s2, s7;
	[dreg:$0x11] =	wrdreg s26;
	s26 =	sadd.s32 $0xC000, s6  }
0x1f: {  	s2 =	simm.s32 $0x180;
	s7 =	simm.s32 $0x300;
	s8 =	simm.s32 $0x4  }
0x20: {  	s9 =	simm.s32 $0x4300;
	s10 =	simm.s32 $0x1;
	s12 =	simm.s32 $0x2  }
.LBB2_1:
0x21: {  	s15 =	rddreg [dreg:$0x5]  }
0x22: {  	[tilespmem:s29], [sflag:$0x5] =	stream.linear.gather [hbm4b:s15+s4], $0x4000, $0x38;
	[tilespmem:$0x1FF00] =	vst v63  }
0x23: {  	_ =	swait.ge [sflag:s30], $0x4000  }
0x24: {  	[sflag:s30] =	ssyncset.done $0x0  }
0x25: {  	[sflag:s30] =	ssyncadd.s32 $0xFFFFC000  }
0x26: {  	[spmem:s6] =	stream.linear.scatter [tilespmem:s29], [sflag:$0x5], $0x4000, $0x38;
	[tilespmem:$0x1FF00] =	vst v63  }
0x27: {  	_ =	swait.ge [sflag:s30], $0x4000  }
0x28: {  	[sflag:s30] =	ssyncset.done $0x0  }
0x29: {  	s25 =	rddreg [dreg:$0x6];
	[sflag:s30] =	ssyncadd.s32 $0xFFFFC000  }
0x2a: {  	[spmem:s25] =	stream.linear.scatter [tilespmem:s29], [sflag:$0x5], $0x4000, $0x38;
	[tilespmem:$0x1FF00] =	vst v63  }
0x2b: {  	_ =	swait.ge [sflag:s30], $0x4000  }
0x2c: {  	[sflag:s30] =	ssyncset.done $0x0  }
0x2d: {  	s23 =	rddreg [dreg:$0xf];
	[sflag:s30] =	ssyncadd.s32 $0xFFFFC000  }
0x2e: {  	[spmem:s23] =	stream.linear.scatter [tilespmem:s29], [sflag:$0x5], $0x4000, $0x38;
	[tilespmem:$0x1FF00] =	vst v63  }
0x2f: {  	_ =	swait.ge [sflag:s30], $0x4000  }
0x30: {  	[sflag:s30] =	ssyncset.done $0x0  }
0x31: {  	[sflag:s30] =	ssyncadd.s32 $0xFFFFC000  }
0x32: {  	[spmem:s26] =	stream.linear.scatter [tilespmem:s29], [sflag:$0x5], $0x4000, $0x38;
	[tilespmem:$0x1FF00] =	vst v63  }
0x33: {  	_ =	swait.ge [sflag:s30], $0x4000  }
0x34: {  	[sflag:s30] =	ssyncset.done $0x0  }
0x35: {  	[sflag:s30] =	ssyncadd.s32 $0xFFFFC000  }
0x36: {  	[spmem:s28] =	stream.linear.scatter [tilespmem:s29], [sflag:$0x5], $0x3C00, $0x38;
	[tilespmem:$0x1FF00] =	vst v63  }
0x37: {  	_ =	swait.ge [sflag:s30], $0x3C00  }
0x38: {  	[sflag:s30] =	ssyncset.done $0x0  }
0x39: {  	[sflag:s30] =	ssyncadd.s32 $0xFFFFC400  }
0x3a: {  	[bflag:$0x0] =	sbarrier.arrive $0xFFFF  }
0x3b: {  	s24 =	rddreg [dreg:$0x7]  }
0x3c: {  	[tilespmem:s4], [sflag:$0x3] =	stream.linear.gather [hbm4b:s24+s4], $0x80, $0x38;
	[tilespmem:$0x1FF00] =	vst v63  }
0x3d: {  	s25 =	rddreg [dreg:$0x8]  }
0x3e: {  	[tilespmem:s31], [sflag:$0x3] =	stream.linear.gather [hbm4b:s25+s4], $0x80, $0x38;
	[tilespmem:$0x1FF00] =	vst v63  }
0x3f: {  	s23 =	rddreg [dreg:$0x9]  }
0x40: {  	[tilespmem:s0], [sflag:$0x4] =	stream.linear.gather [hbm4b:s23+s4], $0x80, $0x38;
	[tilespmem:$0x1FF00] =	vst v63  }
0x41: {  	s24 =	rddreg [dreg:$0xa]  }
0x42: {  	[tilespmem:s2], [sflag:$0x4] =	stream.linear.gather [hbm4b:s24+s4], $0x80, $0x38;
	[tilespmem:$0x1FF00] =	vst v63  }
0x43: {  	_ =	swait.ge [sflag:s5], $0x80  }
0x44: {  	[sflag:s5] =	ssyncset.done $0x0  }
0x45: {  	[sflag:s5] =	ssyncadd.s32 $0xFFFFFF80  }
0x46: {  	_ =	swait.ge [sflag:s5], $0x80  }
0x47: {  	[sflag:s5] =	ssyncset.done $0x0  }
0x48: {  	[sflag:s5] =	ssyncadd.s32 $0xFFFFFF80  }
0x49: {  	[tilespmem:s7], [sflag:$0x1] =	stream.indirect.gather [hbm4b:s1+s0], $0x80, s4, s0, $0xb8;
	[tilespmem:$0x1FF00] =	vst v63  }
0x4a: {  	_ =	swait.ge [sflag:s8], $0x80  }
0x4b: {  	[sflag:s8] =	ssyncset.done $0x0  }
0x4c: {  	[sflag:s8] =	ssyncadd.s32 $0xFFFFFF80  }
0x4d: {  	_ =	swait.ge [sflag:s8], $0x80  }
0x4e: {  	[sflag:s8] =	ssyncset.done $0x0  }
0x4f: {  	[sflag:s8] =	ssyncadd.s32 $0xFFFFFF80  }
0x50: {  	[tilespmem:s9], [sflag:$0x2] =	stream.indirect.gather [hbm4b:s1+s0], $0x80, s0, s0, $0xb8;
	[tilespmem:$0x1FF00] =	vst v63  }
0x51: {  	_ =	swait.ge [sflag:s10], $0x4000  }
0x52: {  	[sflag:s10] =	ssyncset.done $0x0  }
0x53: {  	[sflag:s10] =	ssyncadd.s32 $0xFFFFC000  }
0x54: {  	[spmem:s3] =	stream.indirect.scatter.add.f32 [tilespmem:s7], [sflag:$0x5], $0x80, s31, s0, $0xb8;
	[tilespmem:$0x1FF00] =	vst v63  }
0x55: {  	_ =	swait.ge [sflag:s30], $0x4000  }
0x56: {  	[sflag:s30] =	ssyncset.done $0x0  }
0x57: {  	s25 =	sadd.s32 $0x0, s22;
	[sflag:s30] =	ssyncadd.s32 $0xFFFFC000  }
0x58: {  	[tilespmem:s4], [sflag:$0x3] =	stream.linear.gather [hbm4b:s25+s4], $0x80, $0x38;
	[tilespmem:$0x1FF00] =	vst v63  }
0x59: {  	s23 =	sadd.s32 $0x0, s21  }
0x5a: {  	[tilespmem:s11], [sflag:$0x3] =	stream.linear.gather [hbm4b:s23+s4], $0x80, $0x38;
	[tilespmem:$0x1FF00] =	vst v63  }
0x5b: {  	_ =	swait.ge [sflag:s5], $0x80  }
0x5c: {  	[sflag:s5] =	ssyncset.done $0x0  }
0x5d: {  	[sflag:s5] =	ssyncadd.s32 $0xFFFFFF80  }
0x5e: {  	_ =	swait.ge [sflag:s5], $0x80  }
0x5f: {  	[sflag:s5] =	ssyncset.done $0x0  }
0x60: {  	[sflag:s5] =	ssyncadd.s32 $0xFFFFFF80  }
0x61: {  	[tilespmem:s7], [sflag:$0x1] =	stream.indirect.gather [hbm4b:s1+s0], $0x80, s4, s0, $0xb8;
	[tilespmem:$0x1FF00] =	vst v63  }
0x62: {  	_ =	swait.ge [sflag:s12], $0x4000  }
0x63: {  	[sflag:s12] =	ssyncset.done $0x0  }
0x64: {  	[sflag:s12] =	ssyncadd.s32 $0xFFFFC000  }
0x65: {  	[spmem:s3] =	stream.indirect.scatter.add.f32 [tilespmem:s9], [sflag:$0x5], $0x80, s2, s0, $0xb8;
	[tilespmem:$0x1FF00] =	vst v63  }
0x66: {  	_ =	swait.ge [sflag:s30], $0x4000  }
0x67: {  	[sflag:s30] =	ssyncset.done $0x0  }
0x68: {  	s24 =	sadd.s32 $0x0, s20;
	[sflag:s30] =	ssyncadd.s32 $0xFFFFC000  }
0x69: {  	[tilespmem:s0], [sflag:$0x4] =	stream.linear.gather [hbm4b:s24+s4], $0x80, $0x38;
	[tilespmem:$0x1FF00] =	vst v63  }
0x6a: {  	s25 =	sadd.s32 $0x0, s19  }
0x6b: {  	[tilespmem:s13], [sflag:$0x4] =	stream.linear.gather [hbm4b:s25+s4], $0x80, $0x38;
	[tilespmem:$0x1FF00] =	vst v63  }
0x6c: {  	_ =	swait.ge [sflag:s8], $0x80  }
0x6d: {  	[sflag:s8] =	ssyncset.done $0x0  }
0x6e: {  	[sflag:s8] =	ssyncadd.s32 $0xFFFFFF80  }
0x6f: {  	_ =	swait.ge [sflag:s8], $0x80  }
0x70: {  	[sflag:s8] =	ssyncset.done $0x0  }
0x71: {  	[sflag:s8] =	ssyncadd.s32 $0xFFFFFF80  }
0x72: {  	[tilespmem:s9], [sflag:$0x2] =	stream.indirect.gather [hbm4b:s1+s0], $0x80, s0, s0, $0xb8;
	[tilespmem:$0x1FF00] =	vst v63  }
0x73: {  	_ =	swait.ge [sflag:s10], $0x4000  }
0x74: {  	[sflag:s10] =	ssyncset.done $0x0  }
0x75: {  	[sflag:s10] =	ssyncadd.s32 $0xFFFFC000  }
0x76: {  	[spmem:s3] =	stream.indirect.scatter.add.f32 [tilespmem:s7], [sflag:$0x5], $0x80, s11, s0, $0xb8;
	[tilespmem:$0x1FF00] =	vst v63  }
0x77: {  	_ =	swait.ge [sflag:s30], $0x4000  }
0x78: {  	[sflag:s30] =	ssyncset.done $0x0  }
0x79: {  	s23 =	sadd.s32 $0x0, s18;
	[sflag:s30] =	ssyncadd.s32 $0xFFFFC000  }
0x7a: {  	[tilespmem:s4], [sflag:$0x3] =	stream.linear.gather [hbm4b:s23+s4], $0x80, $0x38;
	[tilespmem:$0x1FF00] =	vst v63  }
0x7b: {  	s24 =	sadd.s32 $0x0, s17  }
0x7c: {  	[tilespmem:s31], [sflag:$0x3] =	stream.linear.gather [hbm4b:s24+s4], $0x80, $0x38;
	[tilespmem:$0x1FF00] =	vst v63  }
0x7d: {  	_ =	swait.ge [sflag:s5], $0x80  }
0x7e: {  	[sflag:s5] =	ssyncset.done $0x0  }
0x7f: {  	[sflag:s5] =	ssyncadd.s32 $0xFFFFFF80  }
0x80: {  	_ =	swait.ge [sflag:s5], $0x80  }
0x81: {  	[sflag:s5] =	ssyncset.done $0x0  }
0x82: {  	[sflag:s5] =	ssyncadd.s32 $0xFFFFFF80  }
0x83: {  	[tilespmem:s7], [sflag:$0x1] =	stream.indirect.gather [hbm4b:s1+s0], $0x80, s4, s0, $0xb8;
	[tilespmem:$0x1FF00] =	vst v63  }
0x84: {  	_ =	swait.ge [sflag:s12], $0x4000  }
0x85: {  	[sflag:s12] =	ssyncset.done $0x0  }
0x86: {  	[sflag:s12] =	ssyncadd.s32 $0xFFFFC000  }
0x87: {  	[spmem:s3] =	stream.indirect.scatter.add.f32 [tilespmem:s9], [sflag:$0x5], $0x80, s13, s0, $0xb8;
	[tilespmem:$0x1FF00] =	vst v63  }
0x88: {  	_ =	swait.ge [sflag:s30], $0x4000  }
0x89: {  	s15 =	simm.s32 $0x40;
	[sflag:s30] =	ssyncset.done $0x0;
	s23 =	rddreg [dreg:$0x4]  }
0x8a: {  	s25 =	sadd.s32 $0x0, s16;
	[sflag:s30] =	ssyncadd.s32 $0xFFFFC000;
	s23 =	sadd.s32 $0x0, s23  }
0x8b: {  	[tilespmem:s0], [sflag:$0x4] =	stream.linear.gather [hbm4b:s25+s4], $0x80, $0x38;
	[tilespmem:$0x1FF00] =	vst v63  }
.LBB2_2:
0x8c: {  	[tilespmem:s2], [sflag:$0x4] =	stream.linear.gather [hbm4b:s23+s4], $0x80, $0x38;
	[tilespmem:$0x1FF00] =	vst v63  }
0x8d: {  	_ =	swait.ge [sflag:s8], $0x80  }
0x8e: {  	[sflag:s8] =	ssyncset.done $0x0  }
0x8f: {  	[sflag:s8] =	ssyncadd.s32 $0xFFFFFF80  }
0x90: {  	_ =	swait.ge [sflag:s8], $0x80  }
0x91: {  	[sflag:s8] =	ssyncset.done $0x0  }
0x92: {  	[sflag:s8] =	ssyncadd.s32 $0xFFFFFF80  }
0x93: {  	[tilespmem:s9], [sflag:$0x2] =	stream.indirect.gather [hbm4b:s1+s0], $0x80, s0, s0, $0xb8;
	[tilespmem:$0x1FF00] =	vst v63  }
0x94: {  	_ =	swait.ge [sflag:s10], $0x4000  }
0x95: {  	[sflag:s10] =	ssyncset.done $0x0  }
0x96: {  	[sflag:s10] =	ssyncadd.s32 $0xFFFFC000  }
0x97: {  	[spmem:s3] =	stream.indirect.scatter.add.f32 [tilespmem:s7], [sflag:$0x5], $0x80, s31, s0, $0xb8;
	[tilespmem:$0x1FF00] =	vst v63  }
0x98: {  	_ =	swait.ge [sflag:s30], $0x4000  }
0x99: {  	s23 =	smov.u32 s15;
	[sflag:s30] =	ssyncset.done $0x0  }
0x9a: {  	s24 =	sadd.s32 s23, s22;
	[sflag:s30] =	ssyncadd.s32 $0xFFFFC000  }
0x9b: {  	[tilespmem:s4], [sflag:$0x3] =	stream.linear.gather [hbm4b:s24+s4], $0x80, $0x38;
	[tilespmem:$0x1FF00] =	vst v63  }
0x9c: {  	s25 =	sadd.s32 s23, s21  }
0x9d: {  	[tilespmem:s11], [sflag:$0x3] =	stream.linear.gather [hbm4b:s25+s4], $0x80, $0x38;
	[tilespmem:$0x1FF00] =	vst v63  }
0x9e: {  	_ =	swait.ge [sflag:s5], $0x80  }
0x9f: {  	[sflag:s5] =	ssyncset.done $0x0  }
0xa0: {  	[sflag:s5] =	ssyncadd.s32 $0xFFFFFF80  }
0xa1: {  	_ =	swait.ge [sflag:s5], $0x80  }
0xa2: {  	[sflag:s5] =	ssyncset.done $0x0  }
0xa3: {  	[sflag:s5] =	ssyncadd.s32 $0xFFFFFF80  }
0xa4: {  	[tilespmem:s7], [sflag:$0x1] =	stream.indirect.gather [hbm4b:s1+s0], $0x80, s4, s0, $0xb8;
	[tilespmem:$0x1FF00] =	vst v63  }
0xa5: {  	_ =	swait.ge [sflag:s12], $0x4000  }
0xa6: {  	[sflag:s12] =	ssyncset.done $0x0  }
0xa7: {  	[sflag:s12] =	ssyncadd.s32 $0xFFFFC000  }
0xa8: {  	[spmem:s3] =	stream.indirect.scatter.add.f32 [tilespmem:s9], [sflag:$0x5], $0x80, s2, s0, $0xb8;
	[tilespmem:$0x1FF00] =	vst v63  }
0xa9: {  	_ =	swait.ge [sflag:s30], $0x4000  }
0xaa: {  	[sflag:s30] =	ssyncset.done $0x0  }
0xab: {  	s25 =	sadd.s32 s23, s20;
	[sflag:s30] =	ssyncadd.s32 $0xFFFFC000  }
0xac: {  	[tilespmem:s0], [sflag:$0x4] =	stream.linear.gather [hbm4b:s25+s4], $0x80, $0x38;
	[tilespmem:$0x1FF00] =	vst v63  }
0xad: {  	s25 =	sadd.s32 s23, s19  }
0xae: {  	[tilespmem:s13], [sflag:$0x4] =	stream.linear.gather [hbm4b:s25+s4], $0x80, $0x38;
	[tilespmem:$0x1FF00] =	vst v63  }
0xaf: {  	_ =	swait.ge [sflag:s8], $0x80  }
0xb0: {  	[sflag:s8] =	ssyncset.done $0x0  }
0xb1: {  	[sflag:s8] =	ssyncadd.s32 $0xFFFFFF80  }
0xb2: {  	_ =	swait.ge [sflag:s8], $0x80  }
0xb3: {  	[sflag:s8] =	ssyncset.done $0x0  }
0xb4: {  	[sflag:s8] =	ssyncadd.s32 $0xFFFFFF80  }
0xb5: {  	[tilespmem:s9], [sflag:$0x2] =	stream.indirect.gather [hbm4b:s1+s0], $0x80, s0, s0, $0xb8;
	[tilespmem:$0x1FF00] =	vst v63  }
0xb6: {  	_ =	swait.ge [sflag:s10], $0x4000  }
0xb7: {  	[sflag:s10] =	ssyncset.done $0x0  }
0xb8: {  	[sflag:s10] =	ssyncadd.s32 $0xFFFFC000  }
0xb9: {  	[spmem:s3] =	stream.indirect.scatter.add.f32 [tilespmem:s7], [sflag:$0x5], $0x80, s11, s0, $0xb8;
	[tilespmem:$0x1FF00] =	vst v63  }
0xba: {  	_ =	swait.ge [sflag:s30], $0x4000  }
0xbb: {  	[sflag:s30] =	ssyncset.done $0x0  }
0xbc: {  	s25 =	sadd.s32 s23, s18;
	[sflag:s30] =	ssyncadd.s32 $0xFFFFC000  }
0xbd: {  	[tilespmem:s4], [sflag:$0x3] =	stream.linear.gather [hbm4b:s25+s4], $0x80, $0x38;
	[tilespmem:$0x1FF00] =	vst v63  }
0xbe: {  	s25 =	sadd.s32 s23, s17  }
0xbf: {  	[tilespmem:s31], [sflag:$0x3] =	stream.linear.gather [hbm4b:s25+s4], $0x80, $0x38;
	[tilespmem:$0x1FF00] =	vst v63  }
0xc0: {  	_ =	swait.ge [sflag:s5], $0x80  }
0xc1: {  	[sflag:s5] =	ssyncset.done $0x0  }
0xc2: {  	[sflag:s5] =	ssyncadd.s32 $0xFFFFFF80  }
0xc3: {  	_ =	swait.ge [sflag:s5], $0x80  }
0xc4: {  	[sflag:s5] =	ssyncset.done $0x0  }
0xc5: {  	[sflag:s5] =	ssyncadd.s32 $0xFFFFFF80  }
0xc6: {  	[tilespmem:s7], [sflag:$0x1] =	stream.indirect.gather [hbm4b:s1+s0], $0x80, s4, s0, $0xb8;
	[tilespmem:$0x1FF00] =	vst v63  }
0xc7: {  	_ =	swait.ge [sflag:s12], $0x4000  }
0xc8: {  	[sflag:s12] =	ssyncset.done $0x0  }
0xc9: {  	p0 =	sne.s32 s15, $0x480;
	[sflag:s12] =	ssyncadd.s32 $0xFFFFC000  }
0xca: {  	[spmem:s3] =	stream.indirect.scatter.add.f32 [tilespmem:s9], [sflag:$0x5], $0x80, s13, s0, $0xb8;
	[tilespmem:$0x1FF00] =	vst v63  }
.Ltmp0:
0xcb: {  	_ = 	snop;
	(pc) =	sbr.rel @p0 .LBB2_2-.Ltmp0, $4  }
0xcc: {  	_ =	swait.ge [sflag:s30], $0x4000  }
0xcd: {  	s15 =	sadd.s32 $0x40, s15;
	[sflag:s30] =	ssyncset.done $0x0;
	s24 =	rddreg [dreg:$0x4]  }
0xce: {  	s25 =	sadd.s32 s23, s16;
	[sflag:s30] =	ssyncadd.s32 $0xFFFFC000;
	s23 =	sadd.s32 s23, s24  }
0xcf: {  	[tilespmem:s0], [sflag:$0x4] =	stream.linear.gather [hbm4b:s25+s4], $0x80, $0x38;
	[tilespmem:$0x1FF00] =	vst v63  }
0xd0: {  	[tilespmem:s2], [sflag:$0x4] =	stream.linear.gather [hbm4b:s23+s4], $0x80, $0x38;
	[tilespmem:$0x1FF00] =	vst v63  }
0xd1: {  	_ =	swait.ge [sflag:s8], $0x80  }
0xd2: {  	[sflag:s8] =	ssyncset.done $0x0  }
0xd3: {  	[sflag:s8] =	ssyncadd.s32 $0xFFFFFF80  }
0xd4: {  	_ =	swait.ge [sflag:s8], $0x80  }
0xd5: {  	[sflag:s8] =	ssyncset.done $0x0  }
0xd6: {  	[sflag:s8] =	ssyncadd.s32 $0xFFFFFF80  }
0xd7: {  	[tilespmem:s9], [sflag:$0x2] =	stream.indirect.gather [hbm4b:s1+s0], $0x80, s0, s0, $0xb8;
	[tilespmem:$0x1FF00] =	vst v63  }
0xd8: {  	_ =	swait.ge [sflag:s10], $0x4000  }
0xd9: {  	[sflag:s10] =	ssyncset.done $0x0  }
0xda: {  	[sflag:s10] =	ssyncadd.s32 $0xFFFFC000  }
0xdb: {  	[spmem:s3] =	stream.indirect.scatter.add.f32 [tilespmem:s7], [sflag:$0x5], $0x80, s31, s0, $0xb8;
	[tilespmem:$0x1FF00] =	vst v63  }
0xdc: {  	_ =	swait.ge [sflag:s30], $0x4000  }
0xdd: {  	[sflag:s30] =	ssyncset.done $0x0  }
0xde: {  	s15 =	rddreg [dreg:$0xb];
	[sflag:s30] =	ssyncadd.s32 $0xFFFFC000  }
0xdf: {  	[tilespmem:s4], [sflag:$0x3] =	stream.linear.gather [hbm4b:s15+s4], $0x80, $0x38;
	[tilespmem:$0x1FF00] =	vst v63  }
0xe0: {  	s24 =	rddreg [dreg:$0xc]  }
0xe1: {  	[tilespmem:s11], [sflag:$0x3] =	stream.linear.gather [hbm4b:s24+s4], $0x80, $0x38;
	[tilespmem:$0x1FF00] =	vst v63  }
0xe2: {  	_ =	swait.ge [sflag:s5], $0x80  }
0xe3: {  	[sflag:s5] =	ssyncset.done $0x0  }
0xe4: {  	[sflag:s5] =	ssyncadd.s32 $0xFFFFFF80  }
0xe5: {  	_ =	swait.ge [sflag:s5], $0x80  }
0xe6: {  	[sflag:s5] =	ssyncset.done $0x0  }
0xe7: {  	[sflag:s5] =	ssyncadd.s32 $0xFFFFFF80  }
0xe8: {  	[tilespmem:s7], [sflag:$0x1] =	stream.indirect.gather [hbm4b:s1+s0], $0x80, s4, s0, $0xb8;
	[tilespmem:$0x1FF00] =	vst v63  }
0xe9: {  	_ =	swait.ge [sflag:s12], $0x4000  }
0xea: {  	[sflag:s12] =	ssyncset.done $0x0  }
0xeb: {  	[sflag:s12] =	ssyncadd.s32 $0xFFFFC000  }
0xec: {  	[spmem:s3] =	stream.indirect.scatter.add.f32 [tilespmem:s9], [sflag:$0x5], $0x80, s2, s0, $0xb8;
	[tilespmem:$0x1FF00] =	vst v63  }
0xed: {  	_ =	swait.ge [sflag:s30], $0x4000  }
0xee: {  	[sflag:s30] =	ssyncset.done $0x0  }
0xef: {  	s25 =	rddreg [dreg:$0xd];
	[sflag:s30] =	ssyncadd.s32 $0xFFFFC000  }
0xf0: {  	[tilespmem:s0], [sflag:$0x4] =	stream.linear.gather [hbm4b:s25+s4], $0x80, $0x38;
	[tilespmem:$0x1FF00] =	vst v63  }
0xf1: {  	s23 =	rddreg [dreg:$0xe]  }
0xf2: {  	[tilespmem:s13], [sflag:$0x4] =	stream.linear.gather [hbm4b:s23+s4], $0x80, $0x38;
	[tilespmem:$0x1FF00] =	vst v63  }
0xf3: {  	_ =	swait.ge [sflag:s8], $0x80  }
0xf4: {  	[sflag:s8] =	ssyncset.done $0x0  }
0xf5: {  	[sflag:s8] =	ssyncadd.s32 $0xFFFFFF80  }
0xf6: {  	_ =	swait.ge [sflag:s8], $0x80  }
0xf7: {  	[sflag:s8] =	ssyncset.done $0x0  }
0xf8: {  	[sflag:s8] =	ssyncadd.s32 $0xFFFFFF80  }
0xf9: {  	[tilespmem:s9], [sflag:$0x2] =	stream.indirect.gather [hbm4b:s1+s0], $0x80, s0, s0, $0xb8;
	[tilespmem:$0x1FF00] =	vst v63  }
0xfa: {  	_ =	swait.ge [sflag:s10], $0x4000  }
0xfb: {  	[sflag:s10] =	ssyncset.done $0x0  }
0xfc: {  	[sflag:s10] =	ssyncadd.s32 $0xFFFFC000  }
0xfd: {  	[spmem:s3] =	stream.indirect.scatter.add.f32 [tilespmem:s7], [sflag:$0x5], $0x80, s11, s0, $0xb8;
	[tilespmem:$0x1FF00] =	vst v63  }
0xfe: {  	_ =	swait.ge [sflag:s30], $0x4000  }
0xff: {  	[sflag:s30] =	ssyncset.done $0x0  }
0x100: {  	[sflag:s30] =	ssyncadd.s32 $0xFFFFC000  }
0x101: {  	_ =	swait.ge [sflag:s12], $0x4000  }
0x102: {  	[sflag:s12] =	ssyncset.done $0x0  }
0x103: {  	[sflag:s12] =	ssyncadd.s32 $0xFFFFC000  }
0x104: {  	[spmem:s3] =	stream.indirect.scatter.add.f32 [tilespmem:s9], [sflag:$0x5], $0x80, s13, s0, $0xb8;
	[tilespmem:$0x1FF00] =	vst v63  }
0x105: {  	_ =	swait.ge [sflag:s30], $0x4000  }
0x106: {  	[sflag:s30] =	ssyncset.done $0x0  }
0x107: {  	s24 =	stileid.u32;
	[sflag:s30] =	ssyncadd.s32 $0xFFFFC000  }
0x108: {  	s15 =	sshll.u32 s24, $0x6;
	[bflag:$0x0] =	sbarrier.arrive $0xFFFF  }
0x109: {  	s15 =	sor.u32 $0x1C05, s15;
	s25 =	sshrl.u32 s6, $0x3;
	s24 =	rddreg [dreg:$0x10]  }
0x10a: {  	[hbm:s24], [sflag:s15] =	dma.local [spmem:s25], $0x2780  }
0x10b: {  	_ =	swait.ge [sflag:s30], $0x2780  }
0x10c: {  	s14 =	sadd.s32 $0x1, s14;
	s25 =	rddreg [dreg:$0x11]  }
0x10d: {  	p0 =	sne.s32 s14, s25  }
.Ltmp1:
0x10e: {  	_ = 	snop;
	(pc) =	sbr.rel @p0 .LBB2_1-.Ltmp1, $3  }
0x10f: {  	_ =	sdelay $0x1  }
0x110: {  	[sflag:s30] =	ssyncset.done $0x0  }
0x111: {  	[sflag:s30] =	ssyncadd.s32 $0xFFFFD880  }
0x112: {  	_ =	sfence.sel $0x180000  }
0x113: {  	[bflag:$0x0] =	sbarrier.arrive $0xFFFF  }
0x114: {  	_ =	strace $0x9000004A  }
0x115: {  	s0 =	stileid.u32;
	[bflag:$0x2] =	sbarrier.arrive $0xFFFF  }
0x116: {  	p0 =	sne.s32 s0, $0x0;
	s0 =	rddreg [dreg:$0x3]  }
0x117: {  	s0 =	sadd.s32 @!p0 $0x100000, s0  }
0x118: {  	[sflag:s0] =	ssyncadd.tile.s32 @!p0 $0x1;
	_ =	shalt  }
.Lfunc_end2:
_tile_overlayer_lowered:
.L_overlay_start_2:
0x119: {  	(tag) =	ssettag $0x2  }
0x11a: {  	s0 =	rddreg [dreg:$0x0];
	s2 =	stileid.u32  }
0x11b: {  	s1 =	rddreg [dreg:$0x1];
	p0 =	sne.s32 s2, $0x0  }
0x11c: {  	s3 =	rddreg [dreg:$0x2];
	[bflag:$0x3] =	sbarrier.arrive $0xFFFF;
	s2 =	simm.s32 @!p0 $0x1C05  }
0x11d: {  	[timem:s3], [sflag:s2] =	dma.local @!p0 [hbm:s0], s1  }
0x11e: {  	s0 =	simm.s32 @!p0 $0x5  }
0x11f: {  	_ =	swait.ge @!p0 [sflag:s0], s1  }
0x120: {  	s1 =	ssub.s32 @!p0 $0x0, s1;
	[sflag:s0] =	ssyncset.done @!p0 $0x0  }
0x121: {  	[sflag:s0] =	ssyncadd.s32 @!p0 s1  }
0x122: {  	[bflag:$0x3] =	sbarrier.arrive $0xFFFF  }
0x123: {  	_ =	shalt  }

// kernel: kernel.14.cloned.1.call-start
scs
__scs_entry_jumppad:
0x0: {  	(pc) =	sbr.rel $0x88, $3  }
0x1: {  	(tag) =	ssettag $0x0;
	lr =	simm.s32 $0x1  }
0x2: {  	[smem:$0x3F9A] =	sst lr;
	_ =	strace $0xD0000000  }
0x3: {  	_ = 	snop  }
0x4: {  	_ = 	snop  }
0x5: {  	_ = 	snop  }
0x6: {  	_ = 	snop  }
0x7: {  	_ = 	snop  }
__scs_overlays_trampoline_lowered:
0x8: {  	[smem:$0x3FA9] =	sst s0  }
0x9: {  	[smem:$0x3FAA] =	sst s1  }
0xa: {  	[smem:$0x3FAB] =	sst s2  }
0xb: {  	[smem:$0x3FAC] =	sst s3  }
0xc: {  	[smem:$0x3FAD] =	sst s4  }
0xd: {  	[smem:$0x3FAE] =	sst s5  }
0xe: {  	[smem:$0x3FAF] =	sst s6  }
0xf: {  	[smem:$0x3FB0] =	sst s7  }
0x10: {  	[smem:$0x3FB1] =	sst s8  }
0x11: {  	[smem:$0x3FB2] =	sst s9;
	s0 =	simm.s32 @!p0 $0x0  }
0x12: {  	s1 =	sld [smem:$0x3F98];
	s0 =	simm.s32 @p0 $0x1  }
0x13: {  	[smem:$0x3FB3] =	sst s0;
	s0 =	simm.s32 @!p1 $0x0  }
0x14: {  	s2 =	sld [smem:$0x3F97];
	s0 =	simm.s32 @p1 $0x1  }
0x15: {  	[smem:$0x3FB4] =	sst s0;
	s0 =	simm.s32 @!p2 $0x0  }
0x16: {  	s3 =	sld [smem:$0x3FDB];
	s0 =	simm.s32 @p2 $0x1  }
0x17: {  	s4 =	simm.s32 $0x1BF5;
	[smem:$0x3FB6] =	sst s0  }
0x18: {  	s0 =	sld [smem:$0x3F99];
	_ =	swait.ge [sflag:s4], $0x0  }
0x19: {  	s7 =	sld [smem:$0x3F9A]  }
0x1a: {  	s8 =	sadd.s32 $0xFFFFE003, lr  }
0x1b: {  	s9 =	sadd.s32 $0xFFFFFEF7, lr;
	s5 =	simm.s32 $0xFFFFFFFF;
	p2 =	slt.u32 s8, $0xFFFFF086  }
0x1c: {  	p1 =	slt.u32 s9, $0xF7A;
	s5 =	simm.s32 @!p2 $0x0  }
0x1d: {  	s5 =	simm.s32 @p1 $0x1;
	p0 =	seq.s32 s7, s2  }
0x1e: {  	s7 =	smul.u32 @!p0 $0xF7A, s2;
	p2 =	seq.s32 @!p0 s5, $0x0  }
0x1f: {  	s9 =	smul.u32 $0xF7A, s1;
	s8 =	simm.s32 @!p0 $0x1BF5;
	p2 =	por !p2, p0  }
0x20: {  	[sflag:s8] =	ssyncset.s32 @!p0 $0xFFFFF086;
	s6 =	sadd.s32 @!p0 s3, s7;
	s7 =	simm.s32 @!p0 $0x108  }
0x21: {  	s3 =	sadd.s32 s3, s9;
	s6 =	sadd.s32 @!p0 $0x88, s6;
	s7 =	simm.s32 @p2 $0x1082  }
0x22: {  	[simem:s7], [sflag:s8] =	dma.local @!p0 [hbm:s6], $0xF7A  }
0x23: {  	s9 =	sor.u32 $0xD0000000, s2;
	s6 =	simm.s32 $0x108;
	_ =	swait.ge @!p0 [sflag:s8], $0x0  }
0x24: {  	s3 =	sadd.s32 $0x88, s3;
	s6 =	simm.s32 @!p1 $0x1082;
	[sflag:s4] =	ssyncset.s32 $0xFFFFF086  }
0x25: {  	[simem:s6], [sflag:s4] =	dma.local [hbm:s3], $0xF7A  }
0x26: {  	[smem:$0x3F9A] =	sst s1;
	(tag) =	ssettag s2;
	_ =	strace s9  }
0x27: {  	s1 =	sld [smem:$0x3FAA]  }
0x28: {  	s2 =	sld [smem:$0x3FAB]  }
0x29: {  	s4 =	sld [smem:$0x3FAD]  }
0x2a: {  	p0 =	seq.s32 s5, $0x0;
	s5 =	sld [smem:$0x3FAE]  }
0x2b: {  	s6 =	sld [smem:$0x3FAF]  }
0x2c: {  	s7 =	sld [smem:$0x3FB0]  }
0x2d: {  	s3 =	simm.s32 $0x108;
	s8 =	sld [smem:$0x3FB1]  }
0x2e: {  	s3 =	simm.s32 @!p0 $0x1082;
	s9 =	sld [smem:$0x3FB2]  }
0x2f: {  	lr =	sadd.s32 s0, s3;
	s0 =	sld [smem:$0x3FA9]  }
0x30: {  	s3 =	sld [smem:$0x3FAC]  }
0x31: {  	[smem:$0x3FB5] =	sst s10  }
0x32: {  	s10 =	sld [smem:$0x3FB3];
	_ =	sdelay $0x3  }
0x33: {  	p0 =	seq.s32 s10, $0x1;
	s10 =	sld [smem:$0x3FB5];
	_ =	sdelay $0x3  }
0x34: {  	[smem:$0x3FB5] =	sst s10  }
0x35: {  	s10 =	sld [smem:$0x3FB4];
	_ =	sdelay $0x3  }
0x36: {  	p1 =	seq.s32 s10, $0x1;
	s10 =	sld [smem:$0x3FB5];
	_ =	sdelay $0x3  }
0x37: {  	[smem:$0x3FB5] =	sst s10  }
0x38: {  	s10 =	sld [smem:$0x3FB6]  }
0x39: {  	_ = 	snop;
	(pc) =	sbr.ind lr, $3  }
0x3a: {  	_ = 	snop  }
0x3b: {  	_ = 	snop  }
0x3c: {  	p2 =	seq.s32 s10, $0x1;
	s10 =	sld [smem:$0x3FB5]  }
0x3d: {  	_ =	shalt  }
0x3e: {  	_ =	shalt  }
0x3f: {  	_ =	shalt  }
0x40: {  	_ =	shalt  }
0x41: {  	_ =	shalt  }
0x42: {  	_ =	shalt  }
0x43: {  	_ =	shalt  }
0x44: {  	_ =	shalt  }
0x45: {  	_ =	shalt  }
0x46: {  	_ =	shalt  }
0x47: {  	_ =	shalt  }
0x48: {  	_ =	shalt  }
0x49: {  	_ =	shalt  }
0x4a: {  	_ =	shalt  }
0x4b: {  	_ =	shalt  }
0x4c: {  	_ =	shalt  }
0x4d: {  	_ =	shalt  }
0x4e: {  	_ =	shalt  }
0x4f: {  	_ =	shalt  }
0x50: {  	_ =	shalt  }
0x51: {  	_ =	shalt  }
0x52: {  	_ =	shalt  }
0x53: {  	_ =	shalt  }
0x54: {  	_ =	shalt  }
0x55: {  	_ =	shalt  }
0x56: {  	_ =	shalt  }
0x57: {  	_ =	shalt  }
0x58: {  	_ =	shalt  }
0x59: {  	_ =	shalt  }
0x5a: {  	_ =	shalt  }
0x5b: {  	_ =	shalt  }
0x5c: {  	_ =	shalt  }
0x5d: {  	_ =	shalt  }
0x5e: {  	_ =	shalt  }
0x5f: {  	_ =	shalt  }
0x60: {  	_ =	shalt  }
0x61: {  	_ =	shalt  }
0x62: {  	_ =	shalt  }
0x63: {  	_ =	shalt  }
0x64: {  	_ =	shalt  }
0x65: {  	_ =	shalt  }
0x66: {  	_ =	shalt  }
0x67: {  	_ =	shalt  }
0x68: {  	_ =	shalt  }
0x69: {  	_ =	shalt  }
0x6a: {  	_ =	shalt  }
0x6b: {  	_ =	shalt  }
0x6c: {  	_ =	shalt  }
0x6d: {  	_ =	shalt  }
0x6e: {  	_ =	shalt  }
0x6f: {  	_ =	shalt  }
0x70: {  	_ =	shalt  }
0x71: {  	_ =	shalt  }
0x72: {  	_ =	shalt  }
0x73: {  	_ =	shalt  }
0x74: {  	_ =	shalt  }
0x75: {  	_ =	shalt  }
0x76: {  	_ =	shalt  }
0x77: {  	_ =	shalt  }
0x78: {  	_ =	shalt  }
0x79: {  	_ =	shalt  }
0x7a: {  	_ =	shalt  }
0x7b: {  	_ =	shalt  }
0x7c: {  	_ =	shalt  }
0x7d: {  	_ =	shalt  }
0x7e: {  	_ =	shalt  }
0x7f: {  	_ =	shalt  }
0x80: {  	_ =	shalt  }
0x81: {  	_ =	shalt  }
0x82: {  	_ =	shalt  }
0x83: {  	_ =	shalt  }
0x84: {  	_ =	shalt  }
0x85: {  	_ =	shalt  }
0x86: {  	_ =	shalt  }
0x87: {  	_ =	shalt  }
.Lfunc_end0:
.L_simem_size_0:
called_computation.2_lowered:
.L_overlay_start_0:
0x88: {  	s2 =	sld [smem:$0x3FD9]  }
0x89: {  	s3 =	sld [smem:$0x3FFE];
	_ =	sdelay $0x1  }
0x8a: {  	s1 =	srdreg.scid  }
0x8b: {  	s0 =	sand.u32 $0x1, s1  }
0x8c: {  	s17 =	sshll.u32 s0, $0xA;
	s2 =	sadd.s32 s3, s2  }
0x8d: {  	s2 =	sadd.s32 s2, s17  }
0x8e: {  	[smem:$0x3FC1] =	sst s2  }
0x8f: {  	_ = 	snop  }
0x90: {  	s2 =	sld [smem:$0x3FD0];
	(tm) =	ssettm $0x1  }
0x91: {  	s18 =	sld [smem:$0x3FFB];
	_ =	sdelay $0x3  }
0x92: {  	_ =	strace s18  }
0x93: {  	s3 =	sld [smem:$0x3FFC];
	_ =	sdelay $0x3  }
0x94: {  	_ =	strace s3  }
0x95: {  	s3 =	sld [smem:$0x3FFD];
	_ =	sdelay $0x3  }
0x96: {  	_ =	strace s3  }
0x97: {  	_ =	strace $0x8FFFFFFF  }
0x98: {  	s19 =	sld [smem:$0x3FDB];
	_ =	sdelay $0x1  }
0x99: {  	s4 =	simm.s32 $_scs_section_size  }
0x9a: {  	s5 =	simm.s32 $_size__tile_overlayer_lowered;
	s6 =	simm.s32 $_tile_overlayer_lowered  }
0x9b: {  	s22 =	simm.s32 $0x1BFF;
	s21 =	sshll.u32 s6, $0x1;
	s3 =	sadd.s32 s4, s19  }
0x9c: {  	s7 =	simm.s32 $0x0;
	s20 =	sshll.u32 s5, $0x1;
	s5 =	sadd.s32 s21, s3  }
0x9d: {  	[timem:s7], [sflag:s22] =	dma.local [hbm:s5], s20  }
0x9e: {  	_ =	swait.ge [sflag:s22], s20  }
0x9f: {  	s4 =	ssub.s32 $0x0, s20;
	[sflag:s22] =	ssyncset.done $0x0  }
0xa0: {  	[sflag:s22] =	ssyncadd.s32 s4;
	_ =	sdelay $0x1  }
0xa1: {  	s23 =	simm.s32 $0x1B8B  }
0xa2: {  	_ =	swait.ge [sflag:s23], $0x1  }
0xa3: {  	[sflag:s23] =	ssyncset.done $0x0  }
0xa4: {  	s25 =	simm.s32 $0x1B8E;
	s24 =	sld [smem:$0x3FFE];
	[sflag:s23] =	ssyncadd.s32 $0xFFFFFFFF  }
0xa5: {  	s26 =	simm.s32 $execute0_lowered;
	[smem:$0x3FD2] =	sst s25  }
0xa6: {  	s5 =	sshll.u32 s26, $0x1;
	_ =	strace $0x8000004C;
	[dreg:$0x1] =	wrdreg $0xFFFFFFFF  }
0xa7: {  	s28 =	simm.s32 $_size_execute0_lowered;
	s3 =	sadd.s32 s3, s5;
	[dreg:$0x0] =	wrdreg $0x0  }
0xa8: {  	s5 =	sshll.u32 s28, $0x1;
	[dreg:$0x2] =	wrdreg s3  }
0xa9: {  	[dreg:$0x3] =	wrdreg s5  }
0xaa: {  	[dreg:$0x4] =	wrdreg $0xC0  }
0xab: {  	_ =	task [dreg:s7], $0x5FFFF  }
0xac: {  	[dreg:$0x1] =	wrdreg $0xFFFFFFFF  }
0xad: {  	[dreg:$0x0] =	wrdreg $0x60  }
0xae: {  	[dreg:$0x2] =	wrdreg s2  }
0xaf: {  	[dreg:$0x3] =	wrdreg s24  }
0xb0: {  	[dreg:$0x4] =	wrdreg $0xC3000  }
0xb1: {  	[dreg:$0x5] =	wrdreg $0x9  }
0xb2: {  	_ =	task.clear_ibuf [dreg:s7], $0x6FFFF;
	_ =	strace $0x9000004C  }
0xb3: {  	s29 =	simm.s32 $0x9;
	_ =	strace $0x8000004E  }
0xb4: {  	_ =	swait.ge [sflag:s29], $0x1  }
0xb5: {  	[sflag:s29] =	ssyncadd.s32 $0xFFFFFFFF  }
0xb6: {  	_ =	strace $0x9000004E  }
0xb7: {  	_ =	sfence  }
0xb8: {  	s30 =	sld [smem:$0x0];
	_ =	sdelay $0x2  }
0xb9: {  	s31 =	sshll.u32 s1, $0xD;
	s1 =	sshrl.u32 s1, $0x2  }
0xba: {  	s3 =	sand.u32 $0x4000, s31;
	s1 =	sadd.s32 s1, s30  }
0xbb: {  	s0 =	sor.u32 s3, s0;
	s1 =	sshll.u32 s1, $0x11  }
0xbc: {  	s0 =	sor.u32 s1, s0  }
0xbd: {  	s0 =	sadd.s32 $0x8F2B, s0  }
0xbe: {  	[sflag:s0] =	ssyncadd.remote.s32 $0x1  }
0xbf: {  	_ =	sfence.sel $0xFFFF  }
0xc0: {  	[dreg:$0x0] =	wrdreg $0xFFFFFFFF;
	(pc) =	sbr.abs _section_cstart, $3  }
0xc1: {  	[dreg:$0x1] =	wrdreg $0xFFFFFFFF  }
0xc2: {  	_ =	task.clear_ibuf [dreg:s7], $0x2FFFF;
	_ =	strace $0x9FFFFFFF  }
0xc3: {  	(tm) =	ssettm $0x7FFFFFFF  }
tec
execute0_lowered:
.L_overlay_start_1:
0x0: {  	(tag) =	ssettag $0x1  }
0x1: {  	s1 =	rddreg [dreg:$0x0]  }
0x2: {  	s0 =	rddreg [dreg:$0x1]  }
0x3: {  	s3 =	rddreg [dreg:$0x2]  }
0x4: {  	s4 =	simm.s32 $0x0;
	s2 =	srdreg.scid;
	s11 =	stileid.u32  }
0x5: {  	s29 =	simm.s32 $0x8300;
	s30 =	simm.s32 $0x5;
	s31 =	simm.s32 $0x100  }
0x6: {  	[smem:$0x7FF] =	sst s4;
	s2 =	sand.u32 $0x1, s2;
	s5 =	smul.u32 $0x2780, s11  }
0x7: {  	s7 =	sadd.s32 $0xC200, s0;
	s8 =	sadd.s32 $0x2200, s0;
	s21 =	smul.u32 $0x4F000, s11  }
0x8: {  	s9 =	sadd.s32 $0x16200, s0;
	s25 =	smul.u32 $0x2800, s11;
	_ =	strace $0x8000004D  }
0x9: {  	s6 =	smul.u32 $0x27800, s2;
	[dreg:$0x5] =	wrdreg s9;
	s22 =	sshll.u32 s2, $0x4  }
0xa: {  	s23 =	ssub.s32 $0x2, s2;
	s2 =	smul.u32 $0x28000, s2;
	s9 =	sor.u32 s11, s22  }
0xb: {  	s10 =	sshrl.u32 s23, $0x1;
	s11 =	simm.s32 $0x200;
	s5 =	sadd.s32 s5, s6  }
0xc: {  	s6 =	sshrl.u32 s21, $0x2;
	s9 =	smul.u32 $0x2800, s9;
	s2 =	sadd.s32 s25, s2  }
0xd: {  	s0 =	sadd.s32 s5, s0;
	s5 =	ssub.s32 s23, s10;
	s6 =	sadd.s32 s6, s3  }
0xe: {  	s17 =	sor.u32 $0x280, s2;
	s21 =	sor.u32 $0x200, s2;
	s23 =	sor.u32 $0x180, s2  }
0xf: {  	s2 =	sor.u32 $0x100, s2;
	s24 =	sadd.s32 $0x4000, s6;
	s9 =	sshrl.u32 s9, $0x3  }
0x10: {  	s10 =	sshrl.u32 s17, $0x3;
	s22 =	sshrl.u32 s21, $0x3;
	s2 =	sshrl.u32 s2, $0x3  }
0x11: {  	s25 =	sadd.s32 $0x8000, s6;
	s0 =	sadd.s32 $0x16A00, s0;
	[dreg:$0x6] =	wrdreg s24  }
0x12: {  	s28 =	sadd.s32 $0x10000, s6;
	s26 =	sadd.s32 s7, s9;
	[dreg:$0xf] =	wrdreg s25  }
0x13: {  	s12 =	sadd.s32 s8, s9;
	s13 =	sor.u32 $0x10, s9;
	[dreg:$0x10] =	wrdreg s0  }
0x14: {  	s14 =	sadd.s32 $0x4E0, s9;
	s9 =	sadd.s32 $0x4F0, s9;
	[dreg:$0x7] =	wrdreg s26  }
0x15: {  	s20 =	sadd.s32 s10, s8;
	s17 =	sadd.s32 s22, s8;
	[dreg:$0x8] =	wrdreg s12  }
0x16: {  	s24 =	sshrl.u32 s23, $0x3;
	s12 =	sadd.s32 s7, s13;
	[dreg:$0x4] =	wrdreg s20  }
0x17: {  	s21 =	sadd.s32 s2, s8;
	s15 =	sadd.s32 s8, s13;
	[dreg:$0x9] =	wrdreg s12  }
0x18: {  	s0 =	simm.s32 $0x80;
	s16 =	sadd.s32 s7, s14;
	[dreg:$0xa] =	wrdreg s15  }
0x19: {  	s18 =	sadd.s32 s8, s14;
	s19 =	sadd.s32 s7, s9;
	[dreg:$0xb] =	wrdreg s16  }
0x1a: {  	s9 =	sadd.s32 s8, s9;
	s20 =	sadd.s32 s24, s7;
	[dreg:$0xc] =	wrdreg s18  }
0x1b: {  	s26 =	smax.u32 s5, $0x1;
	s5 =	simm.s32 $0x3;
	[dreg:$0xd] =	wrdreg s19  }
0x1c: {  	s13 =	simm.s32 $0x280;
	s14 =	simm.s32 $0x0;
	[dreg:$0xe] =	wrdreg s9  }
0x1d: {  	s16 =	sadd.s32 s10, s7;
	s18 =	sadd.s32 s22, s7;
	s19 =	sadd.s32 s24, s8  }
0x1e: {  	s22 =	sadd.s32 s2, s7;
	[dreg:$0x11] =	wrdreg s26;
	s26 =	sadd.s32 $0xC000, s6  }
0x1f: {  	s2 =	simm.s32 $0x180;
	s7 =	simm.s32 $0x300;
	s8 =	simm.s32 $0x4  }
0x20: {  	s9 =	simm.s32 $0x4300;
	s10 =	simm.s32 $0x1;
	s12 =	simm.s32 $0x2  }
.LBB2_1:
0x21: {  	s15 =	rddreg [dreg:$0x5]  }
0x22: {  	[tilespmem:s29], [sflag:$0x5] =	stream.linear.gather [hbm4b:s15+s4], $0x4000, $0x38;
	[tilespmem:$0x1FF00] =	vst v63  }
0x23: {  	_ =	swait.ge [sflag:s30], $0x4000  }
0x24: {  	[sflag:s30] =	ssyncset.done $0x0  }
0x25: {  	[sflag:s30] =	ssyncadd.s32 $0xFFFFC000  }
0x26: {  	[spmem:s6] =	stream.linear.scatter [tilespmem:s29], [sflag:$0x5], $0x4000, $0x38;
	[tilespmem:$0x1FF00] =	vst v63  }
0x27: {  	_ =	swait.ge [sflag:s30], $0x4000  }
0x28: {  	[sflag:s30] =	ssyncset.done $0x0  }
0x29: {  	s25 =	rddreg [dreg:$0x6];
	[sflag:s30] =	ssyncadd.s32 $0xFFFFC000  }
0x2a: {  	[spmem:s25] =	stream.linear.scatter [tilespmem:s29], [sflag:$0x5], $0x4000, $0x38;
	[tilespmem:$0x1FF00] =	vst v63  }
0x2b: {  	_ =	swait.ge [sflag:s30], $0x4000  }
0x2c: {  	[sflag:s30] =	ssyncset.done $0x0  }
0x2d: {  	s23 =	rddreg [dreg:$0xf];
	[sflag:s30] =	ssyncadd.s32 $0xFFFFC000  }
0x2e: {  	[spmem:s23] =	stream.linear.scatter [tilespmem:s29], [sflag:$0x5], $0x4000, $0x38;
	[tilespmem:$0x1FF00] =	vst v63  }
0x2f: {  	_ =	swait.ge [sflag:s30], $0x4000  }
0x30: {  	[sflag:s30] =	ssyncset.done $0x0  }
0x31: {  	[sflag:s30] =	ssyncadd.s32 $0xFFFFC000  }
0x32: {  	[spmem:s26] =	stream.linear.scatter [tilespmem:s29], [sflag:$0x5], $0x4000, $0x38;
	[tilespmem:$0x1FF00] =	vst v63  }
0x33: {  	_ =	swait.ge [sflag:s30], $0x4000  }
0x34: {  	[sflag:s30] =	ssyncset.done $0x0  }
0x35: {  	[sflag:s30] =	ssyncadd.s32 $0xFFFFC000  }
0x36: {  	[spmem:s28] =	stream.linear.scatter [tilespmem:s29], [sflag:$0x5], $0x3C00, $0x38;
	[tilespmem:$0x1FF00] =	vst v63  }
0x37: {  	_ =	swait.ge [sflag:s30], $0x3C00  }
0x38: {  	[sflag:s30] =	ssyncset.done $0x0  }
0x39: {  	[sflag:s30] =	ssyncadd.s32 $0xFFFFC400  }
0x3a: {  	[bflag:$0x0] =	sbarrier.arrive $0xFFFF  }
0x3b: {  	s24 =	rddreg [dreg:$0x7]  }
0x3c: {  	[tilespmem:s4], [sflag:$0x3] =	stream.linear.gather [hbm4b:s24+s4], $0x80, $0x38;
	[tilespmem:$0x1FF00] =	vst v63  }
0x3d: {  	s25 =	rddreg [dreg:$0x8]  }
0x3e: {  	[tilespmem:s31], [sflag:$0x3] =	stream.linear.gather [hbm4b:s25+s4], $0x80, $0x38;
	[tilespmem:$0x1FF00] =	vst v63  }
0x3f: {  	s23 =	rddreg [dreg:$0x9]  }
0x40: {  	[tilespmem:s0], [sflag:$0x4] =	stream.linear.gather [hbm4b:s23+s4], $0x80, $0x38;
	[tilespmem:$0x1FF00] =	vst v63  }
0x41: {  	s24 =	rddreg [dreg:$0xa]  }
0x42: {  	[tilespmem:s2], [sflag:$0x4] =	stream.linear.gather [hbm4b:s24+s4], $0x80, $0x38;
	[tilespmem:$0x1FF00] =	vst v63  }
0x43: {  	_ =	swait.ge [sflag:s5], $0x80  }
0x44: {  	[sflag:s5] =	ssyncset.done $0x0  }
0x45: {  	[sflag:s5] =	ssyncadd.s32 $0xFFFFFF80  }
0x46: {  	_ =	swait.ge [sflag:s5], $0x80  }
0x47: {  	[sflag:s5] =	ssyncset.done $0x0  }
0x48: {  	[sflag:s5] =	ssyncadd.s32 $0xFFFFFF80  }
0x49: {  	[tilespmem:s7], [sflag:$0x1] =	stream.indirect.gather [hbm4b:s1+s0], $0x80, s4, s0, $0xb8;
	[tilespmem:$0x1FF00] =	vst v63  }
0x4a: {  	_ =	swait.ge [sflag:s8], $0x80  }
0x4b: {  	[sflag:s8] =	ssyncset.done $0x0  }
0x4c: {  	[sflag:s8] =	ssyncadd.s32 $0xFFFFFF80  }
0x4d: {  	_ =	swait.ge [sflag:s8], $0x80  }
0x4e: {  	[sflag:s8] =	ssyncset.done $0x0  }
0x4f: {  	[sflag:s8] =	ssyncadd.s32 $0xFFFFFF80  }
0x50: {  	[tilespmem:s9], [sflag:$0x2] =	stream.indirect.gather [hbm4b:s1+s0], $0x80, s0, s0, $0xb8;
	[tilespmem:$0x1FF00] =	vst v63  }
0x51: {  	_ =	swait.ge [sflag:s10], $0x4000  }
0x52: {  	[sflag:s10] =	ssyncset.done $0x0  }
0x53: {  	[sflag:s10] =	ssyncadd.s32 $0xFFFFC000  }
0x54: {  	[spmem:s3] =	stream.indirect.scatter.add.f32 [tilespmem:s7], [sflag:$0x5], $0x80, s31, s0, $0xb8;
	[tilespmem:$0x1FF00] =	vst v63  }
0x55: {  	_ =	swait.ge [sflag:s30], $0x4000  }
0x56: {  	[sflag:s30] =	ssyncset.done $0x0  }
0x57: {  	s25 =	sadd.s32 $0x0, s22;
	[sflag:s30] =	ssyncadd.s32 $0xFFFFC000  }
0x58: {  	[tilespmem:s4], [sflag:$0x3] =	stream.linear.gather [hbm4b:s25+s4], $0x80, $0x38;
	[tilespmem:$0x1FF00] =	vst v63  }
0x59: {  	s23 =	sadd.s32 $0x0, s21  }
0x5a: {  	[tilespmem:s11], [sflag:$0x3] =	stream.linear.gather [hbm4b:s23+s4], $0x80, $0x38;
	[tilespmem:$0x1FF00] =	vst v63  }
0x5b: {  	_ =	swait.ge [sflag:s5], $0x80  }
0x5c: {  	[sflag:s5] =	ssyncset.done $0x0  }
0x5d: {  	[sflag:s5] =	ssyncadd.s32 $0xFFFFFF80  }
0x5e: {  	_ =	swait.ge [sflag:s5], $0x80  }
0x5f: {  	[sflag:s5] =	ssyncset.done $0x0  }
0x60: {  	[sflag:s5] =	ssyncadd.s32 $0xFFFFFF80  }
0x61: {  	[tilespmem:s7], [sflag:$0x1] =	stream.indirect.gather [hbm4b:s1+s0], $0x80, s4, s0, $0xb8;
	[tilespmem:$0x1FF00] =	vst v63  }
0x62: {  	_ =	swait.ge [sflag:s12], $0x4000  }
0x63: {  	[sflag:s12] =	ssyncset.done $0x0  }
0x64: {  	[sflag:s12] =	ssyncadd.s32 $0xFFFFC000  }
0x65: {  	[spmem:s3] =	stream.indirect.scatter.add.f32 [tilespmem:s9], [sflag:$0x5], $0x80, s2, s0, $0xb8;
	[tilespmem:$0x1FF00] =	vst v63  }
0x66: {  	_ =	swait.ge [sflag:s30], $0x4000  }
0x67: {  	[sflag:s30] =	ssyncset.done $0x0  }
0x68: {  	s24 =	sadd.s32 $0x0, s20;
	[sflag:s30] =	ssyncadd.s32 $0xFFFFC000  }
0x69: {  	[tilespmem:s0], [sflag:$0x4] =	stream.linear.gather [hbm4b:s24+s4], $0x80, $0x38;
	[tilespmem:$0x1FF00] =	vst v63  }
0x6a: {  	s25 =	sadd.s32 $0x0, s19  }
0x6b: {  	[tilespmem:s13], [sflag:$0x4] =	stream.linear.gather [hbm4b:s25+s4], $0x80, $0x38;
	[tilespmem:$0x1FF00] =	vst v63  }
0x6c: {  	_ =	swait.ge [sflag:s8], $0x80  }
0x6d: {  	[sflag:s8] =	ssyncset.done $0x0  }
0x6e: {  	[sflag:s8] =	ssyncadd.s32 $0xFFFFFF80  }
0x6f: {  	_ =	swait.ge [sflag:s8], $0x80  }
0x70: {  	[sflag:s8] =	ssyncset.done $0x0  }
0x71: {  	[sflag:s8] =	ssyncadd.s32 $0xFFFFFF80  }
0x72: {  	[tilespmem:s9], [sflag:$0x2] =	stream.indirect.gather [hbm4b:s1+s0], $0x80, s0, s0, $0xb8;
	[tilespmem:$0x1FF00] =	vst v63  }
0x73: {  	_ =	swait.ge [sflag:s10], $0x4000  }
0x74: {  	[sflag:s10] =	ssyncset.done $0x0  }
0x75: {  	[sflag:s10] =	ssyncadd.s32 $0xFFFFC000  }
0x76: {  	[spmem:s3] =	stream.indirect.scatter.add.f32 [tilespmem:s7], [sflag:$0x5], $0x80, s11, s0, $0xb8;
	[tilespmem:$0x1FF00] =	vst v63  }
0x77: {  	_ =	swait.ge [sflag:s30], $0x4000  }
0x78: {  	[sflag:s30] =	ssyncset.done $0x0  }
0x79: {  	s23 =	sadd.s32 $0x0, s18;
	[sflag:s30] =	ssyncadd.s32 $0xFFFFC000  }
0x7a: {  	[tilespmem:s4], [sflag:$0x3] =	stream.linear.gather [hbm4b:s23+s4], $0x80, $0x38;
	[tilespmem:$0x1FF00] =	vst v63  }
0x7b: {  	s24 =	sadd.s32 $0x0, s17  }
0x7c: {  	[tilespmem:s31], [sflag:$0x3] =	stream.linear.gather [hbm4b:s24+s4], $0x80, $0x38;
	[tilespmem:$0x1FF00] =	vst v63  }
0x7d: {  	_ =	swait.ge [sflag:s5], $0x80  }
0x7e: {  	[sflag:s5] =	ssyncset.done $0x0  }
0x7f: {  	[sflag:s5] =	ssyncadd.s32 $0xFFFFFF80  }
0x80: {  	_ =	swait.ge [sflag:s5], $0x80  }
0x81: {  	[sflag:s5] =	ssyncset.done $0x0  }
0x82: {  	[sflag:s5] =	ssyncadd.s32 $0xFFFFFF80  }
0x83: {  	[tilespmem:s7], [sflag:$0x1] =	stream.indirect.gather [hbm4b:s1+s0], $0x80, s4, s0, $0xb8;
	[tilespmem:$0x1FF00] =	vst v63  }
0x84: {  	_ =	swait.ge [sflag:s12], $0x4000  }
0x85: {  	[sflag:s12] =	ssyncset.done $0x0  }
0x86: {  	[sflag:s12] =	ssyncadd.s32 $0xFFFFC000  }
0x87: {  	[spmem:s3] =	stream.indirect.scatter.add.f32 [tilespmem:s9], [sflag:$0x5], $0x80, s13, s0, $0xb8;
	[tilespmem:$0x1FF00] =	vst v63  }
0x88: {  	_ =	swait.ge [sflag:s30], $0x4000  }
0x89: {  	s15 =	simm.s32 $0x40;
	[sflag:s30] =	ssyncset.done $0x0;
	s23 =	rddreg [dreg:$0x4]  }
0x8a: {  	s25 =	sadd.s32 $0x0, s16;
	[sflag:s30] =	ssyncadd.s32 $0xFFFFC000;
	s23 =	sadd.s32 $0x0, s23  }
0x8b: {  	[tilespmem:s0], [sflag:$0x4] =	stream.linear.gather [hbm4b:s25+s4], $0x80, $0x38;
	[tilespmem:$0x1FF00] =	vst v63  }
.LBB2_2:
0x8c: {  	[tilespmem:s2], [sflag:$0x4] =	stream.linear.gather [hbm4b:s23+s4], $0x80, $0x38;
	[tilespmem:$0x1FF00] =	vst v63  }
0x8d: {  	_ =	swait.ge [sflag:s8], $0x80  }
0x8e: {  	[sflag:s8] =	ssyncset.done $0x0  }
0x8f: {  	[sflag:s8] =	ssyncadd.s32 $0xFFFFFF80  }
0x90: {  	_ =	swait.ge [sflag:s8], $0x80  }
0x91: {  	[sflag:s8] =	ssyncset.done $0x0  }
0x92: {  	[sflag:s8] =	ssyncadd.s32 $0xFFFFFF80  }
0x93: {  	[tilespmem:s9], [sflag:$0x2] =	stream.indirect.gather [hbm4b:s1+s0], $0x80, s0, s0, $0xb8;
	[tilespmem:$0x1FF00] =	vst v63  }
0x94: {  	_ =	swait.ge [sflag:s10], $0x4000  }
0x95: {  	[sflag:s10] =	ssyncset.done $0x0  }
0x96: {  	[sflag:s10] =	ssyncadd.s32 $0xFFFFC000  }
0x97: {  	[spmem:s3] =	stream.indirect.scatter.add.f32 [tilespmem:s7], [sflag:$0x5], $0x80, s31, s0, $0xb8;
	[tilespmem:$0x1FF00] =	vst v63  }
0x98: {  	_ =	swait.ge [sflag:s30], $0x4000  }
0x99: {  	s23 =	smov.u32 s15;
	[sflag:s30] =	ssyncset.done $0x0  }
0x9a: {  	s24 =	sadd.s32 s23, s22;
	[sflag:s30] =	ssyncadd.s32 $0xFFFFC000  }
0x9b: {  	[tilespmem:s4], [sflag:$0x3] =	stream.linear.gather [hbm4b:s24+s4], $0x80, $0x38;
	[tilespmem:$0x1FF00] =	vst v63  }
0x9c: {  	s25 =	sadd.s32 s23, s21  }
0x9d: {  	[tilespmem:s11], [sflag:$0x3] =	stream.linear.gather [hbm4b:s25+s4], $0x80, $0x38;
	[tilespmem:$0x1FF00] =	vst v63  }
0x9e: {  	_ =	swait.ge [sflag:s5], $0x80  }
0x9f: {  	[sflag:s5] =	ssyncset.done $0x0  }
0xa0: {  	[sflag:s5] =	ssyncadd.s32 $0xFFFFFF80  }
0xa1: {  	_ =	swait.ge [sflag:s5], $0x80  }
0xa2: {  	[sflag:s5] =	ssyncset.done $0x0  }
0xa3: {  	[sflag:s5] =	ssyncadd.s32 $0xFFFFFF80  }
0xa4: {  	[tilespmem:s7], [sflag:$0x1] =	stream.indirect.gather [hbm4b:s1+s0], $0x80, s4, s0, $0xb8;
	[tilespmem:$0x1FF00] =	vst v63  }
0xa5: {  	_ =	swait.ge [sflag:s12], $0x4000  }
0xa6: {  	[sflag:s12] =	ssyncset.done $0x0  }
0xa7: {  	[sflag:s12] =	ssyncadd.s32 $0xFFFFC000  }
0xa8: {  	[spmem:s3] =	stream.indirect.scatter.add.f32 [tilespmem:s9], [sflag:$0x5], $0x80, s2, s0, $0xb8;
	[tilespmem:$0x1FF00] =	vst v63  }
0xa9: {  	_ =	swait.ge [sflag:s30], $0x4000  }
0xaa: {  	[sflag:s30] =	ssyncset.done $0x0  }
0xab: {  	s25 =	sadd.s32 s23, s20;
	[sflag:s30] =	ssyncadd.s32 $0xFFFFC000  }
0xac: {  	[tilespmem:s0], [sflag:$0x4] =	stream.linear.gather [hbm4b:s25+s4], $0x80, $0x38;
	[tilespmem:$0x1FF00] =	vst v63  }
0xad: {  	s25 =	sadd.s32 s23, s19  }
0xae: {  	[tilespmem:s13], [sflag:$0x4] =	stream.linear.gather [hbm4b:s25+s4], $0x80, $0x38;
	[tilespmem:$0x1FF00] =	vst v63  }
0xaf: {  	_ =	swait.ge [sflag:s8], $0x80  }
0xb0: {  	[sflag:s8] =	ssyncset.done $0x0  }
0xb1: {  	[sflag:s8] =	ssyncadd.s32 $0xFFFFFF80  }
0xb2: {  	_ =	swait.ge [sflag:s8], $0x80  }
0xb3: {  	[sflag:s8] =	ssyncset.done $0x0  }
0xb4: {  	[sflag:s8] =	ssyncadd.s32 $0xFFFFFF80  }
0xb5: {  	[tilespmem:s9], [sflag:$0x2] =	stream.indirect.gather [hbm4b:s1+s0], $0x80, s0, s0, $0xb8;
	[tilespmem:$0x1FF00] =	vst v63  }
0xb6: {  	_ =	swait.ge [sflag:s10], $0x4000  }
0xb7: {  	[sflag:s10] =	ssyncset.done $0x0  }
0xb8: {  	[sflag:s10] =	ssyncadd.s32 $0xFFFFC000  }
0xb9: {  	[spmem:s3] =	stream.indirect.scatter.add.f32 [tilespmem:s7], [sflag:$0x5], $0x80, s11, s0, $0xb8;
	[tilespmem:$0x1FF00] =	vst v63  }
0xba: {  	_ =	swait.ge [sflag:s30], $0x4000  }
0xbb: {  	[sflag:s30] =	ssyncset.done $0x0  }
0xbc: {  	s25 =	sadd.s32 s23, s18;
	[sflag:s30] =	ssyncadd.s32 $0xFFFFC000  }
0xbd: {  	[tilespmem:s4], [sflag:$0x3] =	stream.linear.gather [hbm4b:s25+s4], $0x80, $0x38;
	[tilespmem:$0x1FF00] =	vst v63  }
0xbe: {  	s25 =	sadd.s32 s23, s17  }
0xbf: {  	[tilespmem:s31], [sflag:$0x3] =	stream.linear.gather [hbm4b:s25+s4], $0x80, $0x38;
	[tilespmem:$0x1FF00] =	vst v63  }
0xc0: {  	_ =	swait.ge [sflag:s5], $0x80  }
0xc1: {  	[sflag:s5] =	ssyncset.done $0x0  }
0xc2: {  	[sflag:s5] =	ssyncadd.s32 $0xFFFFFF80  }
0xc3: {  	_ =	swait.ge [sflag:s5], $0x80  }
0xc4: {  	[sflag:s5] =	ssyncset.done $0x0  }
0xc5: {  	[sflag:s5] =	ssyncadd.s32 $0xFFFFFF80  }
0xc6: {  	[tilespmem:s7], [sflag:$0x1] =	stream.indirect.gather [hbm4b:s1+s0], $0x80, s4, s0, $0xb8;
	[tilespmem:$0x1FF00] =	vst v63  }
0xc7: {  	_ =	swait.ge [sflag:s12], $0x4000  }
0xc8: {  	[sflag:s12] =	ssyncset.done $0x0  }
0xc9: {  	p0 =	sne.s32 s15, $0x480;
	[sflag:s12] =	ssyncadd.s32 $0xFFFFC000  }
0xca: {  	[spmem:s3] =	stream.indirect.scatter.add.f32 [tilespmem:s9], [sflag:$0x5], $0x80, s13, s0, $0xb8;
	[tilespmem:$0x1FF00] =	vst v63  }
.Ltmp0:
0xcb: {  	_ = 	snop;
	(pc) =	sbr.rel @p0 .LBB2_2-.Ltmp0, $4  }
0xcc: {  	_ =	swait.ge [sflag:s30], $0x4000  }
0xcd: {  	s15 =	sadd.s32 $0x40, s15;
	[sflag:s30] =	ssyncset.done $0x0;
	s24 =	rddreg [dreg:$0x4]  }
0xce: {  	s25 =	sadd.s32 s23, s16;
	[sflag:s30] =	ssyncadd.s32 $0xFFFFC000;
	s23 =	sadd.s32 s23, s24  }
0xcf: {  	[tilespmem:s0], [sflag:$0x4] =	stream.linear.gather [hbm4b:s25+s4], $0x80, $0x38;
	[tilespmem:$0x1FF00] =	vst v63  }
0xd0: {  	[tilespmem:s2], [sflag:$0x4] =	stream.linear.gather [hbm4b:s23+s4], $0x80, $0x38;
	[tilespmem:$0x1FF00] =	vst v63  }
0xd1: {  	_ =	swait.ge [sflag:s8], $0x80  }
0xd2: {  	[sflag:s8] =	ssyncset.done $0x0  }
0xd3: {  	[sflag:s8] =	ssyncadd.s32 $0xFFFFFF80  }
0xd4: {  	_ =	swait.ge [sflag:s8], $0x80  }
0xd5: {  	[sflag:s8] =	ssyncset.done $0x0  }
0xd6: {  	[sflag:s8] =	ssyncadd.s32 $0xFFFFFF80  }
0xd7: {  	[tilespmem:s9], [sflag:$0x2] =	stream.indirect.gather [hbm4b:s1+s0], $0x80, s0, s0, $0xb8;
	[tilespmem:$0x1FF00] =	vst v63  }
0xd8: {  	_ =	swait.ge [sflag:s10], $0x4000  }
0xd9: {  	[sflag:s10] =	ssyncset.done $0x0  }
0xda: {  	[sflag:s10] =	ssyncadd.s32 $0xFFFFC000  }
0xdb: {  	[spmem:s3] =	stream.indirect.scatter.add.f32 [tilespmem:s7], [sflag:$0x5], $0x80, s31, s0, $0xb8;
	[tilespmem:$0x1FF00] =	vst v63  }
0xdc: {  	_ =	swait.ge [sflag:s30], $0x4000  }
0xdd: {  	[sflag:s30] =	ssyncset.done $0x0  }
0xde: {  	s15 =	rddreg [dreg:$0xb];
	[sflag:s30] =	ssyncadd.s32 $0xFFFFC000  }
0xdf: {  	[tilespmem:s4], [sflag:$0x3] =	stream.linear.gather [hbm4b:s15+s4], $0x80, $0x38;
	[tilespmem:$0x1FF00] =	vst v63  }
0xe0: {  	s24 =	rddreg [dreg:$0xc]  }
0xe1: {  	[tilespmem:s11], [sflag:$0x3] =	stream.linear.gather [hbm4b:s24+s4], $0x80, $0x38;
	[tilespmem:$0x1FF00] =	vst v63  }
0xe2: {  	_ =	swait.ge [sflag:s5], $0x80  }
0xe3: {  	[sflag:s5] =	ssyncset.done $0x0  }
0xe4: {  	[sflag:s5] =	ssyncadd.s32 $0xFFFFFF80  }
0xe5: {  	_ =	swait.ge [sflag:s5], $0x80  }
0xe6: {  	[sflag:s5] =	ssyncset.done $0x0  }
0xe7: {  	[sflag:s5] =	ssyncadd.s32 $0xFFFFFF80  }
0xe8: {  	[tilespmem:s7], [sflag:$0x1] =	stream.indirect.gather [hbm4b:s1+s0], $0x80, s4, s0, $0xb8;
	[tilespmem:$0x1FF00] =	vst v63  }
0xe9: {  	_ =	swait.ge [sflag:s12], $0x4000  }
0xea: {  	[sflag:s12] =	ssyncset.done $0x0  }
0xeb: {  	[sflag:s12] =	ssyncadd.s32 $0xFFFFC000  }
0xec: {  	[spmem:s3] =	stream.indirect.scatter.add.f32 [tilespmem:s9], [sflag:$0x5], $0x80, s2, s0, $0xb8;
	[tilespmem:$0x1FF00] =	vst v63  }
0xed: {  	_ =	swait.ge [sflag:s30], $0x4000  }
0xee: {  	[sflag:s30] =	ssyncset.done $0x0  }
0xef: {  	s25 =	rddreg [dreg:$0xd];
	[sflag:s30] =	ssyncadd.s32 $0xFFFFC000  }
0xf0: {  	[tilespmem:s0], [sflag:$0x4] =	stream.linear.gather [hbm4b:s25+s4], $0x80, $0x38;
	[tilespmem:$0x1FF00] =	vst v63  }
0xf1: {  	s23 =	rddreg [dreg:$0xe]  }
0xf2: {  	[tilespmem:s13], [sflag:$0x4] =	stream.linear.gather [hbm4b:s23+s4], $0x80, $0x38;
	[tilespmem:$0x1FF00] =	vst v63  }
0xf3: {  	_ =	swait.ge [sflag:s8], $0x80  }
0xf4: {  	[sflag:s8] =	ssyncset.done $0x0  }
0xf5: {  	[sflag:s8] =	ssyncadd.s32 $0xFFFFFF80  }
0xf6: {  	_ =	swait.ge [sflag:s8], $0x80  }
0xf7: {  	[sflag:s8] =	ssyncset.done $0x0  }
0xf8: {  	[sflag:s8] =	ssyncadd.s32 $0xFFFFFF80  }
0xf9: {  	[tilespmem:s9], [sflag:$0x2] =	stream.indirect.gather [hbm4b:s1+s0], $0x80, s0, s0, $0xb8;
	[tilespmem:$0x1FF00] =	vst v63  }
0xfa: {  	_ =	swait.ge [sflag:s10], $0x4000  }
0xfb: {  	[sflag:s10] =	ssyncset.done $0x0  }
0xfc: {  	[sflag:s10] =	ssyncadd.s32 $0xFFFFC000  }
0xfd: {  	[spmem:s3] =	stream.indirect.scatter.add.f32 [tilespmem:s7], [sflag:$0x5], $0x80, s11, s0, $0xb8;
	[tilespmem:$0x1FF00] =	vst v63  }
0xfe: {  	_ =	swait.ge [sflag:s30], $0x4000  }
0xff: {  	[sflag:s30] =	ssyncset.done $0x0  }
0x100: {  	[sflag:s30] =	ssyncadd.s32 $0xFFFFC000  }
0x101: {  	_ =	swait.ge [sflag:s12], $0x4000  }
0x102: {  	[sflag:s12] =	ssyncset.done $0x0  }
0x103: {  	[sflag:s12] =	ssyncadd.s32 $0xFFFFC000  }
0x104: {  	[spmem:s3] =	stream.indirect.scatter.add.f32 [tilespmem:s9], [sflag:$0x5], $0x80, s13, s0, $0xb8;
	[tilespmem:$0x1FF00] =	vst v63  }
0x105: {  	_ =	swait.ge [sflag:s30], $0x4000  }
0x106: {  	[sflag:s30] =	ssyncset.done $0x0  }
0x107: {  	s24 =	stileid.u32;
	[sflag:s30] =	ssyncadd.s32 $0xFFFFC000  }
0x108: {  	s15 =	sshll.u32 s24, $0x6;
	[bflag:$0x0] =	sbarrier.arrive $0xFFFF  }
0x109: {  	s15 =	sor.u32 $0x1C05, s15;
	s25 =	sshrl.u32 s6, $0x3;
	s24 =	rddreg [dreg:$0x10]  }
0x10a: {  	[hbm:s24], [sflag:s15] =	dma.local [spmem:s25], $0x2780  }
0x10b: {  	_ =	swait.ge [sflag:s30], $0x2780  }
0x10c: {  	s14 =	sadd.s32 $0x1, s14;
	s25 =	rddreg [dreg:$0x11]  }
0x10d: {  	p0 =	sne.s32 s14, s25  }
.Ltmp1:
0x10e: {  	_ = 	snop;
	(pc) =	sbr.rel @p0 .LBB2_1-.Ltmp1, $3  }
0x10f: {  	_ =	sdelay $0x1  }
0x110: {  	[sflag:s30] =	ssyncset.done $0x0  }
0x111: {  	[sflag:s30] =	ssyncadd.s32 $0xFFFFD880  }
0x112: {  	_ =	sfence.sel $0x180000  }
0x113: {  	[bflag:$0x0] =	sbarrier.arrive $0xFFFF  }
0x114: {  	_ =	strace $0x9000004D  }
0x115: {  	s0 =	stileid.u32;
	[bflag:$0x2] =	sbarrier.arrive $0xFFFF  }
0x116: {  	p0 =	sne.s32 s0, $0x0;
	s0 =	rddreg [dreg:$0x3]  }
0x117: {  	s0 =	sadd.s32 @!p0 $0x100000, s0  }
0x118: {  	[sflag:s0] =	ssyncadd.tile.s32 @!p0 $0x1;
	_ =	shalt  }
.Lfunc_end2:
_tile_overlayer_lowered:
.L_overlay_start_2:
0x119: {  	(tag) =	ssettag $0x2  }
0x11a: {  	s0 =	rddreg [dreg:$0x0];
	s2 =	stileid.u32  }
0x11b: {  	s1 =	rddreg [dreg:$0x1];
	p0 =	sne.s32 s2, $0x0  }
0x11c: {  	s3 =	rddreg [dreg:$0x2];
	[bflag:$0x3] =	sbarrier.arrive $0xFFFF;
	s2 =	simm.s32 @!p0 $0x1C05  }
0x11d: {  	[timem:s3], [sflag:s2] =	dma.local @!p0 [hbm:s0], s1  }
0x11e: {  	s0 =	simm.s32 @!p0 $0x5  }
0x11f: {  	_ =	swait.ge @!p0 [sflag:s0], s1  }
0x120: {  	s1 =	ssub.s32 @!p0 $0x0, s1;
	[sflag:s0] =	ssyncset.done @!p0 $0x0  }
0x121: {  	[sflag:s0] =	ssyncadd.s32 @!p0 s1  }
0x122: {  	[bflag:$0x3] =	sbarrier.arrive $0xFFFF  }
0x123: {  	_ =	shalt  }

// kernel: kernel.8.cloned.1.call-start
scs
__scs_entry_jumppad:
0x0: {  	(pc) =	sbr.rel $0x88, $3  }
0x1: {  	(tag) =	ssettag $0x0;
	lr =	simm.s32 $0x1  }
0x2: {  	[smem:$0x3F9A] =	sst lr;
	_ =	strace $0xD0000000  }
0x3: {  	_ = 	snop  }
0x4: {  	_ = 	snop  }
0x5: {  	_ = 	snop  }
0x6: {  	_ = 	snop  }
0x7: {  	_ = 	snop  }
__scs_overlays_trampoline_lowered:
0x8: {  	[smem:$0x3FA9] =	sst s0  }
0x9: {  	[smem:$0x3FAA] =	sst s1  }
0xa: {  	[smem:$0x3FAB] =	sst s2  }
0xb: {  	[smem:$0x3FAC] =	sst s3  }
0xc: {  	[smem:$0x3FAD] =	sst s4  }
0xd: {  	[smem:$0x3FAE] =	sst s5  }
0xe: {  	[smem:$0x3FAF] =	sst s6  }
0xf: {  	[smem:$0x3FB0] =	sst s7  }
0x10: {  	[smem:$0x3FB1] =	sst s8  }
0x11: {  	[smem:$0x3FB2] =	sst s9;
	s0 =	simm.s32 @!p0 $0x0  }
0x12: {  	s1 =	sld [smem:$0x3F98];
	s0 =	simm.s32 @p0 $0x1  }
0x13: {  	[smem:$0x3FB3] =	sst s0;
	s0 =	simm.s32 @!p1 $0x0  }
0x14: {  	s2 =	sld [smem:$0x3F97];
	s0 =	simm.s32 @p1 $0x1  }
0x15: {  	[smem:$0x3FB4] =	sst s0;
	s0 =	simm.s32 @!p2 $0x0  }
0x16: {  	s3 =	sld [smem:$0x3FDB];
	s0 =	simm.s32 @p2 $0x1  }
0x17: {  	s4 =	simm.s32 $0x1BF5;
	[smem:$0x3FB6] =	sst s0  }
0x18: {  	s0 =	sld [smem:$0x3F99];
	_ =	swait.ge [sflag:s4], $0x0  }
0x19: {  	s7 =	sld [smem:$0x3F9A]  }
0x1a: {  	s8 =	sadd.s32 $0xFFFFE003, lr  }
0x1b: {  	s9 =	sadd.s32 $0xFFFFFEF7, lr;
	s5 =	simm.s32 $0xFFFFFFFF;
	p2 =	slt.u32 s8, $0xFFFFF086  }
0x1c: {  	p1 =	slt.u32 s9, $0xF7A;
	s5 =	simm.s32 @!p2 $0x0  }
0x1d: {  	s5 =	simm.s32 @p1 $0x1;
	p0 =	seq.s32 s7, s2  }
0x1e: {  	s7 =	smul.u32 @!p0 $0xF7A, s2;
	p2 =	seq.s32 @!p0 s5, $0x0  }
0x1f: {  	s9 =	smul.u32 $0xF7A, s1;
	s8 =	simm.s32 @!p0 $0x1BF5;
	p2 =	por !p2, p0  }
0x20: {  	[sflag:s8] =	ssyncset.s32 @!p0 $0xFFFFF086;
	s6 =	sadd.s32 @!p0 s3, s7;
	s7 =	simm.s32 @!p0 $0x108  }
0x21: {  	s3 =	sadd.s32 s3, s9;
	s6 =	sadd.s32 @!p0 $0x88, s6;
	s7 =	simm.s32 @p2 $0x1082  }
0x22: {  	[simem:s7], [sflag:s8] =	dma.local @!p0 [hbm:s6], $0xF7A  }
0x23: {  	s9 =	sor.u32 $0xD0000000, s2;
	s6 =	simm.s32 $0x108;
	_ =	swait.ge @!p0 [sflag:s8], $0x0  }
0x24: {  	s3 =	sadd.s32 $0x88, s3;
	s6 =	simm.s32 @!p1 $0x1082;
	[sflag:s4] =	ssyncset.s32 $0xFFFFF086  }
0x25: {  	[simem:s6], [sflag:s4] =	dma.local [hbm:s3], $0xF7A  }
0x26: {  	[smem:$0x3F9A] =	sst s1;
	(tag) =	ssettag s2;
	_ =	strace s9  }
0x27: {  	s1 =	sld [smem:$0x3FAA]  }
0x28: {  	s2 =	sld [smem:$0x3FAB]  }
0x29: {  	s4 =	sld [smem:$0x3FAD]  }
0x2a: {  	p0 =	seq.s32 s5, $0x0;
	s5 =	sld [smem:$0x3FAE]  }
0x2b: {  	s6 =	sld [smem:$0x3FAF]  }
0x2c: {  	s7 =	sld [smem:$0x3FB0]  }
0x2d: {  	s3 =	simm.s32 $0x108;
	s8 =	sld [smem:$0x3FB1]  }
0x2e: {  	s3 =	simm.s32 @!p0 $0x1082;
	s9 =	sld [smem:$0x3FB2]  }
0x2f: {  	lr =	sadd.s32 s0, s3;
	s0 =	sld [smem:$0x3FA9]  }
0x30: {  	s3 =	sld [smem:$0x3FAC]  }
0x31: {  	[smem:$0x3FB5] =	sst s10  }
0x32: {  	s10 =	sld [smem:$0x3FB3];
	_ =	sdelay $0x3  }
0x33: {  	p0 =	seq.s32 s10, $0x1;
	s10 =	sld [smem:$0x3FB5];
	_ =	sdelay $0x3  }
0x34: {  	[smem:$0x3FB5] =	sst s10  }
0x35: {  	s10 =	sld [smem:$0x3FB4];
	_ =	sdelay $0x3  }
0x36: {  	p1 =	seq.s32 s10, $0x1;
	s10 =	sld [smem:$0x3FB5];
	_ =	sdelay $0x3  }
0x37: {  	[smem:$0x3FB5] =	sst s10  }
0x38: {  	s10 =	sld [smem:$0x3FB6]  }
0x39: {  	_ = 	snop;
	(pc) =	sbr.ind lr, $3  }
0x3a: {  	_ = 	snop  }
0x3b: {  	_ = 	snop  }
0x3c: {  	p2 =	seq.s32 s10, $0x1;
	s10 =	sld [smem:$0x3FB5]  }
0x3d: {  	_ =	shalt  }
0x3e: {  	_ =	shalt  }
0x3f: {  	_ =	shalt  }
0x40: {  	_ =	shalt  }
0x41: {  	_ =	shalt  }
0x42: {  	_ =	shalt  }
0x43: {  	_ =	shalt  }
0x44: {  	_ =	shalt  }
0x45: {  	_ =	shalt  }
0x46: {  	_ =	shalt  }
0x47: {  	_ =	shalt  }
0x48: {  	_ =	shalt  }
0x49: {  	_ =	shalt  }
0x4a: {  	_ =	shalt  }
0x4b: {  	_ =	shalt  }
0x4c: {  	_ =	shalt  }
0x4d: {  	_ =	shalt  }
0x4e: {  	_ =	shalt  }
0x4f: {  	_ =	shalt  }
0x50: {  	_ =	shalt  }
0x51: {  	_ =	shalt  }
0x52: {  	_ =	shalt  }
0x53: {  	_ =	shalt  }
0x54: {  	_ =	shalt  }
0x55: {  	_ =	shalt  }
0x56: {  	_ =	shalt  }
0x57: {  	_ =	shalt  }
0x58: {  	_ =	shalt  }
0x59: {  	_ =	shalt  }
0x5a: {  	_ =	shalt  }
0x5b: {  	_ =	shalt  }
0x5c: {  	_ =	shalt  }
0x5d: {  	_ =	shalt  }
0x5e: {  	_ =	shalt  }
0x5f: {  	_ =	shalt  }
0x60: {  	_ =	shalt  }
0x61: {  	_ =	shalt  }
0x62: {  	_ =	shalt  }
0x63: {  	_ =	shalt  }
0x64: {  	_ =	shalt  }
0x65: {  	_ =	shalt  }
0x66: {  	_ =	shalt  }
0x67: {  	_ =	shalt  }
0x68: {  	_ =	shalt  }
0x69: {  	_ =	shalt  }
0x6a: {  	_ =	shalt  }
0x6b: {  	_ =	shalt  }
0x6c: {  	_ =	shalt  }
0x6d: {  	_ =	shalt  }
0x6e: {  	_ =	shalt  }
0x6f: {  	_ =	shalt  }
0x70: {  	_ =	shalt  }
0x71: {  	_ =	shalt  }
0x72: {  	_ =	shalt  }
0x73: {  	_ =	shalt  }
0x74: {  	_ =	shalt  }
0x75: {  	_ =	shalt  }
0x76: {  	_ =	shalt  }
0x77: {  	_ =	shalt  }
0x78: {  	_ =	shalt  }
0x79: {  	_ =	shalt  }
0x7a: {  	_ =	shalt  }
0x7b: {  	_ =	shalt  }
0x7c: {  	_ =	shalt  }
0x7d: {  	_ =	shalt  }
0x7e: {  	_ =	shalt  }
0x7f: {  	_ =	shalt  }
0x80: {  	_ =	shalt  }
0x81: {  	_ =	shalt  }
0x82: {  	_ =	shalt  }
0x83: {  	_ =	shalt  }
0x84: {  	_ =	shalt  }
0x85: {  	_ =	shalt  }
0x86: {  	_ =	shalt  }
0x87: {  	_ =	shalt  }
.Lfunc_end0:
.L_simem_size_0:
called_computation_lowered:
.L_overlay_start_0:
0x88: {  	s2 =	sld [smem:$0x3FD9]  }
0x89: {  	s3 =	sld [smem:$0x3FFE];
	_ =	sdelay $0x1  }
0x8a: {  	s1 =	srdreg.scid  }
0x8b: {  	s0 =	sand.u32 $0x1, s1  }
0x8c: {  	s17 =	sshll.u32 s0, $0xA;
	s2 =	sadd.s32 s3, s2  }
0x8d: {  	s2 =	sadd.s32 s2, s17  }
0x8e: {  	[smem:$0x3FC1] =	sst s2  }
0x8f: {  	_ = 	snop  }
0x90: {  	s2 =	sld [smem:$0x3FD0];
	(tm) =	ssettm $0x1  }
0x91: {  	s18 =	sld [smem:$0x3FFB];
	_ =	sdelay $0x3  }
0x92: {  	_ =	strace s18  }
0x93: {  	s3 =	sld [smem:$0x3FFC];
	_ =	sdelay $0x3  }
0x94: {  	_ =	strace s3  }
0x95: {  	s3 =	sld [smem:$0x3FFD];
	_ =	sdelay $0x3  }
0x96: {  	_ =	strace s3  }
0x97: {  	_ =	strace $0x8FFFFFFF  }
0x98: {  	s19 =	sld [smem:$0x3FDB];
	_ =	sdelay $0x1  }
0x99: {  	s4 =	simm.s32 $_scs_section_size  }
0x9a: {  	s5 =	simm.s32 $_size__tile_overlayer_lowered;
	s6 =	simm.s32 $_tile_overlayer_lowered  }
0x9b: {  	s22 =	simm.s32 $0x1BFF;
	s21 =	sshll.u32 s6, $0x1;
	s3 =	sadd.s32 s4, s19  }
0x9c: {  	s7 =	simm.s32 $0x0;
	s20 =	sshll.u32 s5, $0x1;
	s5 =	sadd.s32 s21, s3  }
0x9d: {  	[timem:s7], [sflag:s22] =	dma.local [hbm:s5], s20  }
0x9e: {  	_ =	swait.ge [sflag:s22], s20  }
0x9f: {  	s4 =	ssub.s32 $0x0, s20;
	[sflag:s22] =	ssyncset.done $0x0  }
0xa0: {  	[sflag:s22] =	ssyncadd.s32 s4;
	_ =	sdelay $0x1  }
0xa1: {  	s23 =	simm.s32 $0x1B8B  }
0xa2: {  	_ =	swait.ge [sflag:s23], $0x1  }
0xa3: {  	[sflag:s23] =	ssyncset.done $0x0  }
0xa4: {  	s25 =	simm.s32 $0x1B8E;
	s24 =	sld [smem:$0x3FFE];
	[sflag:s23] =	ssyncadd.s32 $0xFFFFFFFF  }
0xa5: {  	s26 =	simm.s32 $execute0_lowered;
	[smem:$0x3FD2] =	sst s25  }
0xa6: {  	s5 =	sshll.u32 s26, $0x1;
	_ =	strace $0x80000046;
	[dreg:$0x1] =	wrdreg $0xFFFFFFFF  }
0xa7: {  	s28 =	simm.s32 $_size_execute0_lowered;
	s3 =	sadd.s32 s3, s5;
	[dreg:$0x0] =	wrdreg $0x0  }
0xa8: {  	s5 =	sshll.u32 s28, $0x1;
	[dreg:$0x2] =	wrdreg s3  }
0xa9: {  	[dreg:$0x3] =	wrdreg s5  }
0xaa: {  	[dreg:$0x4] =	wrdreg $0xC0  }
0xab: {  	_ =	task [dreg:s7], $0x5FFFF  }
0xac: {  	[dreg:$0x1] =	wrdreg $0xFFFFFFFF  }
0xad: {  	[dreg:$0x0] =	wrdreg $0x60  }
0xae: {  	[dreg:$0x2] =	wrdreg s24  }
0xaf: {  	[dreg:$0x3] =	wrdreg s2  }
0xb0: {  	[dreg:$0x4] =	wrdreg $0x29800  }
0xb1: {  	[dreg:$0x5] =	wrdreg $0x9  }
0xb2: {  	_ =	task.clear_ibuf [dreg:s7], $0x6FFFF;
	_ =	strace $0x90000046  }
0xb3: {  	s29 =	simm.s32 $0x9;
	_ =	strace $0x80000048  }
0xb4: {  	_ =	swait.ge [sflag:s29], $0x1  }
0xb5: {  	[sflag:s29] =	ssyncadd.s32 $0xFFFFFFFF  }
0xb6: {  	_ =	strace $0x90000048  }
0xb7: {  	_ =	sfence  }
0xb8: {  	s30 =	sld [smem:$0x0];
	_ =	sdelay $0x2  }
0xb9: {  	s31 =	sshll.u32 s1, $0xD;
	s1 =	sshrl.u32 s1, $0x2  }
0xba: {  	s3 =	sand.u32 $0x4000, s31;
	s1 =	sadd.s32 s1, s30  }
0xbb: {  	s0 =	sor.u32 s3, s0;
	s1 =	sshll.u32 s1, $0x11  }
0xbc: {  	s0 =	sor.u32 s1, s0  }
0xbd: {  	s0 =	sadd.s32 $0x8F2B, s0  }
0xbe: {  	[sflag:s0] =	ssyncadd.remote.s32 $0x1  }
0xbf: {  	_ =	sfence.sel $0xFFFF  }
0xc0: {  	[dreg:$0x0] =	wrdreg $0xFFFFFFFF;
	(pc) =	sbr.abs _section_cstart, $3  }
0xc1: {  	[dreg:$0x1] =	wrdreg $0xFFFFFFFF  }
0xc2: {  	_ =	task.clear_ibuf [dreg:s7], $0x2FFFF;
	_ =	strace $0x9FFFFFFF  }
0xc3: {  	(tm) =	ssettm $0x7FFFFFFF  }
tec
execute0_lowered:
.L_overlay_start_1:
0x0: {  	(tag) =	ssettag $0x1  }
0x1: {  	s4 =	rddreg [dreg:$0x0]  }
0x2: {  	s7 =	rddreg [dreg:$0x1]  }
0x3: {  	s1 =	rddreg [dreg:$0x2]  }
0x4: {  	s3 =	srdreg.scid;
	s0 =	rddreg [dreg:$0x3];
	s2 =	simm.s32 $0x0  }
0x5: {  	s18 =	stileid.u32;
	s15 =	simm.s32 $0x1;
	s16 =	simm.s32 $0x2  }
0x6: {  	s17 =	simm.s32 $0x50;
	s20 =	simm.s32 $0x0;
	s5 =	sand.u32 $0x1, s3  }
0x7: {  	[smem:$0x7FF] =	sst s2;
	s10 =	sadd.s32 $0x2200, s4;
	s13 =	sshll.u32 s18, $0xA  }
0x8: {  	s14 =	smul.u32 $0x2800, s18;
	p0 =	sne.s32 s18, $0x0;
	p1 =	sgt.u32 s18, $0x9  }
0x9: {  	s3 =	sshll.u32 s5, $0x4;
	_ =	strace $0x80000047;
	s9 =	smul.u32 $0x2800, s5  }
0xa: {  	s8 =	ssub.s32 $0x2, s5;
	s12 =	smul.u32 $0x28000, s5;
	s19 =	sadd.s32 s13, s1  }
0xb: {  	s6 =	sor.u32 s18, s3;
	s3 =	sadd.s32 $0x16200, s4;
	s4 =	sadd.s32 $0x16400, s4  }
0xc: {  	s11 =	sshrl.u32 s8, $0x1;
	s18 =	sshll.u32 @!p1 s18, $0x6;
	s19 =	sshrl.u32 @!p1 s19, $0x3  }
0xd: {  	s6 =	smul.u32 $0x2800, s6;
	s8 =	ssub.s32 s8, s11;
	s9 =	sadd.s32 s9, s13  }
0xe: {  	s30 =	sadd.s32 s14, s12;
	s12 =	simm.s32 $0x3;
	s13 =	simm.s32 $0x180  }
0xf: {  	s14 =	simm.s32 $0x80;
	s18 =	sor.u32 @!p1 $0x1C03, s18;
	s9 =	sshrl.u32 s9, $0x3  }
0x10: {  	s31 =	sor.u32 $0x180, s30;
	s11 =	sor.u32 $0x100, s30;
	s8 =	smax.u32 s8, $0x1  }
0x11: {  	s6 =	sshrl.u32 s6, $0x3;
	s7 =	sadd.s32 s7, s9;
	s9 =	sshrl.u32 s31, $0x3  }
0x12: {  	s11 =	sshrl.u32 s11, $0x3;
	s5 =	sadd.s32 s10, s6;
	s9 =	sadd.s32 s9, s10  }
0x13: {  	v0 =	vimm.f32 $1.000000000e+00;
	s10 =	sadd.s32 s11, s10;
	s11 =	simm.s32 $0x100;
	s6 =	sadd.s32 $0x10, s5  }
.LBB2_1:
0x14: {  	[tilespmem:s11], [sflag:$0x3] =	stream.linear.gather [hbm4b:s3+s2], $0x80, $0x38;
	[tilespmem:$0x2C00] =	vst v63  }
0x15: {  	_ =	swait.ge [sflag:s12], $0x80  }
0x16: {  	[sflag:s12] =	ssyncset.done $0x0  }
0x17: {  	[sflag:s12] =	ssyncadd.s32 $0xFFFFFF80  }
0x18: {  	[tilespmem:s13], [sflag:$0x3] =	stream.linear.gather [hbm4b:s4+s2], $0x2800, $0x38;
	[tilespmem:$0x2C00] =	vst v63  }
0x19: {  	_ =	swait.ge [sflag:s12], $0x2800  }
0x1a: {  	[sflag:s12] =	ssyncset.done $0x0  }
0x1b: {  	s21 =	simm.s32 @!p0 $0x180;
	[sflag:s12] =	ssyncadd.s32 $0xFFFFD800  }
0x1c: {  	[spmem:s1] =	stream.linear.scatter @!p0 [tilespmem:s21], [sflag:$0x3], $0x2800, $0x38;
	[tilespmem:$0x2C00] =	vst v63  }
0x1d: {  	s21 =	simm.s32 @!p0 $0x3  }
0x1e: {  	_ =	swait.ge @!p0 [sflag:s21], $0x2800  }
0x1f: {  	[sflag:s21] =	ssyncset.done @!p0 $0x0  }
0x20: {  	[sflag:s21] =	ssyncadd.s32 @!p0 $0xFFFFD800  }
0x21: {  	[bflag:$0x0] =	sbarrier.arrive $0xFFFF  }
0x22: {  	[tilespmem:s2], [sflag:$0x1] =	stream.linear.gather [hbm4b:s5+s2], $0x80, $0x38;
	[tilespmem:$0x2C00] =	vst v63  }
0x23: {  	s21 =	simm.s32 $0x0  }
0x24: {  	[tilespmem:s14], [sflag:$0x2] =	stream.linear.gather [hbm4b:s6+s2], $0x80, $0x38;
	[tilespmem:$0x2C00] =	vst v63  }
.LBB2_2:
0x25: {  	_ =	swait.ge [sflag:s15], $0x80  }
0x26: {  	[sflag:s15] =	ssyncset.done $0x0  }
0x27: {  	[sflag:s15] =	ssyncadd.s32 $0xFFFFFF80  }
0x28: {  	v1 =	vld [tilespmem:$0x0];
	_ =	sdelay $0x7  }
0x29: {  	[tilespmem:v1+s13+$0x0] =	vst.idx.add.f32.msk $0xffff, v0  }
0x2a: {  	v1 =	vld [tilespmem:$0x10];
	_ =	sdelay $0x7  }
0x2b: {  	[tilespmem:v1+s13+$0x0] =	vst.idx.add.f32.msk $0xffff, v0  }
0x2c: {  	v1 =	vld [tilespmem:$0x20];
	_ =	sdelay $0x7  }
0x2d: {  	[tilespmem:v1+s13+$0x0] =	vst.idx.add.f32.msk $0xffff, v0  }
0x2e: {  	v1 =	vld [tilespmem:$0x30];
	_ =	sdelay $0x7  }
0x2f: {  	[tilespmem:v1+s13+$0x0] =	vst.idx.add.f32.msk $0xffff, v0  }
0x30: {  	v1 =	vld [tilespmem:$0x40];
	_ =	sdelay $0x7  }
0x31: {  	[tilespmem:v1+s13+$0x0] =	vst.idx.add.f32.msk $0xffff, v0  }
0x32: {  	v1 =	vld [tilespmem:$0x50];
	_ =	sdelay $0x7  }
0x33: {  	[tilespmem:v1+s13+$0x0] =	vst.idx.add.f32.msk $0xffff, v0  }
0x34: {  	v1 =	vld [tilespmem:$0x60];
	_ =	sdelay $0x7  }
0x35: {  	[tilespmem:v1+s13+$0x0] =	vst.idx.add.f32.msk $0xffff, v0  }
0x36: {  	v1 =	vld [tilespmem:$0x70];
	_ =	sdelay $0x7  }
0x37: {  	s22 =	sadd.s32 s21, s10;
	[tilespmem:v1+s13+$0x0] =	vst.idx.add.f32.msk $0xffff, v0  }
0x38: {  	[tilespmem:s2], [sflag:$0x1] =	stream.linear.gather [hbm4b:s22+s2], $0x80, $0x38;
	[tilespmem:$0x2C00] =	vst v63  }
0x39: {  	_ =	swait.ge [sflag:s16], $0x80  }
0x3a: {  	[sflag:s16] =	ssyncset.done $0x0  }
0x3b: {  	[sflag:s16] =	ssyncadd.s32 $0xFFFFFF80  }
0x3c: {  	v1 =	vld [tilespmem:$0x80];
	_ =	sdelay $0x7  }
0x3d: {  	[tilespmem:v1+s13+$0x0] =	vst.idx.add.f32.msk $0xffff, v0  }
0x3e: {  	v1 =	vld [tilespmem:$0x90];
	_ =	sdelay $0x7  }
0x3f: {  	[tilespmem:v1+s13+$0x0] =	vst.idx.add.f32.msk $0xffff, v0  }
0x40: {  	v1 =	vld [tilespmem:$0xA0];
	_ =	sdelay $0x7  }
0x41: {  	[tilespmem:v1+s13+$0x0] =	vst.idx.add.f32.msk $0xffff, v0  }
0x42: {  	v1 =	vld [tilespmem:$0xB0];
	_ =	sdelay $0x7  }
0x43: {  	[tilespmem:v1+s13+$0x0] =	vst.idx.add.f32.msk $0xffff, v0  }
0x44: {  	v1 =	vld [tilespmem:$0xC0];
	_ =	sdelay $0x7  }
0x45: {  	[tilespmem:v1+s13+$0x0] =	vst.idx.add.f32.msk $0xffff, v0  }
0x46: {  	v1 =	vld [tilespmem:$0xD0];
	_ =	sdelay $0x7  }
0x47: {  	[tilespmem:v1+s13+$0x0] =	vst.idx.add.f32.msk $0xffff, v0  }
0x48: {  	v1 =	vld [tilespmem:$0xE0];
	_ =	sdelay $0x7  }
0x49: {  	[tilespmem:v1+s13+$0x0] =	vst.idx.add.f32.msk $0xffff, v0  }
0x4a: {  	v1 =	vld [tilespmem:$0xF0];
	_ =	sdelay $0x3  }
0x4b: {  	p2 =	sne.s32 s21, $0x4C0  }
.Ltmp0:
0x4c: {  	_ = 	snop;
	(pc) =	sbr.rel @p2 .LBB2_2-.Ltmp0, $3  }
0x4d: {  	_ =	sdelay $0x1  }
0x4e: {  	s31 =	sadd.s32 s21, s9;
	s21 =	sadd.s32 $0x20, s21;
	[tilespmem:v1+s13+$0x0] =	vst.idx.add.f32.msk $0xffff, v0  }
0x4f: {  	[tilespmem:s14], [sflag:$0x2] =	stream.linear.gather [hbm4b:s31+s2], $0x80, $0x38;
	[tilespmem:$0x2C00] =	vst v63  }
0x50: {  	_ =	swait.ge [sflag:s15], $0x80  }
0x51: {  	[sflag:s15] =	ssyncset.done $0x0  }
0x52: {  	[sflag:s15] =	ssyncadd.s32 $0xFFFFFF80  }
0x53: {  	v1 =	vld [tilespmem:$0x0];
	_ =	sdelay $0x7  }
0x54: {  	[tilespmem:v1+s13+$0x0] =	vst.idx.add.f32.msk $0xffff, v0  }
0x55: {  	v1 =	vld [tilespmem:$0x10];
	_ =	sdelay $0x7  }
0x56: {  	[tilespmem:v1+s13+$0x0] =	vst.idx.add.f32.msk $0xffff, v0  }
0x57: {  	v1 =	vld [tilespmem:$0x20];
	_ =	sdelay $0x7  }
0x58: {  	[tilespmem:v1+s13+$0x0] =	vst.idx.add.f32.msk $0xffff, v0  }
0x59: {  	v1 =	vld [tilespmem:$0x30];
	_ =	sdelay $0x7  }
0x5a: {  	[tilespmem:v1+s13+$0x0] =	vst.idx.add.f32.msk $0xffff, v0  }
0x5b: {  	v1 =	vld [tilespmem:$0x40];
	_ =	sdelay $0x7  }
0x5c: {  	[tilespmem:v1+s13+$0x0] =	vst.idx.add.f32.msk $0xffff, v0  }
0x5d: {  	v1 =	vld [tilespmem:$0x50];
	_ =	sdelay $0x7  }
0x5e: {  	[tilespmem:v1+s13+$0x0] =	vst.idx.add.f32.msk $0xffff, v0  }
0x5f: {  	v1 =	vld [tilespmem:$0x60];
	_ =	sdelay $0x7  }
0x60: {  	[tilespmem:v1+s13+$0x0] =	vst.idx.add.f32.msk $0xffff, v0  }
0x61: {  	v1 =	vld [tilespmem:$0x70];
	_ =	sdelay $0x7  }
0x62: {  	[tilespmem:v1+s13+$0x0] =	vst.idx.add.f32.msk $0xffff, v0  }
0x63: {  	_ =	swait.ge [sflag:s16], $0x80  }
0x64: {  	[sflag:s16] =	ssyncset.done $0x0  }
0x65: {  	[sflag:s16] =	ssyncadd.s32 $0xFFFFFF80  }
0x66: {  	v1 =	vld [tilespmem:$0x80];
	_ =	sdelay $0x7  }
0x67: {  	[tilespmem:v1+s13+$0x0] =	vst.idx.add.f32.msk $0xffff, v0  }
0x68: {  	v1 =	vld [tilespmem:$0x90];
	_ =	sdelay $0x7  }
0x69: {  	[tilespmem:v1+s13+$0x0] =	vst.idx.add.f32.msk $0xffff, v0  }
0x6a: {  	v1 =	vld [tilespmem:$0xA0];
	_ =	sdelay $0x7  }
0x6b: {  	[tilespmem:v1+s13+$0x0] =	vst.idx.add.f32.msk $0xffff, v0  }
0x6c: {  	v1 =	vld [tilespmem:$0xB0];
	_ =	sdelay $0x7  }
0x6d: {  	[tilespmem:v1+s13+$0x0] =	vst.idx.add.f32.msk $0xffff, v0  }
0x6e: {  	v1 =	vld [tilespmem:$0xC0];
	_ =	sdelay $0x7  }
0x6f: {  	[tilespmem:v1+s13+$0x0] =	vst.idx.add.f32.msk $0xffff, v0  }
0x70: {  	v1 =	vld [tilespmem:$0xD0];
	_ =	sdelay $0x7  }
0x71: {  	[tilespmem:v1+s13+$0x0] =	vst.idx.add.f32.msk $0xffff, v0  }
0x72: {  	v1 =	vld [tilespmem:$0xE0];
	_ =	sdelay $0x7  }
0x73: {  	[tilespmem:v1+s13+$0x0] =	vst.idx.add.f32.msk $0xffff, v0  }
0x74: {  	v1 =	vld [tilespmem:$0xF0];
	_ =	sdelay $0x7  }
0x75: {  	[tilespmem:v1+s13+$0x0] =	vst.idx.add.f32.msk $0xffff, v0  }
0x76: {  	[spmem:s1] =	stream.indirect.scatter.add.f32 [tilespmem:s13], [sflag:$0x3], $0x80, s11, s17, $0xb8;
	[tilespmem:$0x2C00] =	vst v63  }
0x77: {  	_ =	swait.ge [sflag:s12], $0x2800  }
0x78: {  	s20 =	sadd.s32 $0x1, s20;
	[sflag:s12] =	ssyncset.done $0x0  }
0x79: {  	p2 =	sne.s32 s20, s8;
	[sflag:s12] =	ssyncadd.s32 $0xFFFFD800  }
.Ltmp1:
0x7a: {  	s21 =	simm.s32 @!p1 $0x3;
	[bflag:$0x0] =	sbarrier.arrive $0xFFFF;
	(pc) =	sbr.rel @p2 .LBB2_1-.Ltmp1, $4  }
0x7b: {  	[hbm:s7], [sflag:s18] =	dma.local @!p1 [spmem:s19], $0x80  }
0x7c: {  	_ =	swait.ge @!p1 [sflag:s21], $0x80  }
0x7d: {  	[sflag:s21] =	ssyncset.done @!p1 $0x0  }
0x7e: {  	[sflag:s21] =	ssyncadd.s32 @!p1 $0xFFFFFF80  }
0x7f: {  	_ =	sfence.sel $0x180000  }
0x80: {  	[bflag:$0x0] =	sbarrier.arrive $0xFFFF  }
0x81: {  	_ =	strace $0x90000047  }
0x82: {  	s0 =	sadd.s32 @!p0 $0x100000, s0;
	[bflag:$0x2] =	sbarrier.arrive $0xFFFF  }
0x83: {  	[sflag:s0] =	ssyncadd.tile.s32 @!p0 $0x1;
	_ =	shalt  }
.Lfunc_end2:
_tile_overlayer_lowered:
.L_overlay_start_2:
0x84: {  	(tag) =	ssettag $0x2  }
0x85: {  	s0 =	rddreg [dreg:$0x0];
	s2 =	stileid.u32  }
0x86: {  	s1 =	rddreg [dreg:$0x1];
	p0 =	sne.s32 s2, $0x0  }
0x87: {  	s3 =	rddreg [dreg:$0x2];
	[bflag:$0x3] =	sbarrier.arrive $0xFFFF;
	s2 =	simm.s32 @!p0 $0x1C03  }
0x88: {  	[timem:s3], [sflag:s2] =	dma.local @!p0 [hbm:s0], s1  }
0x89: {  	s0 =	simm.s32 @!p0 $0x3  }
0x8a: {  	_ =	swait.ge @!p0 [sflag:s0], s1  }
0x8b: {  	s1 =	ssub.s32 @!p0 $0x0, s1;
	[sflag:s0] =	ssyncset.done @!p0 $0x0  }
0x8c: {  	[sflag:s0] =	ssyncadd.s32 @!p0 s1  }
0x8d: {  	[bflag:$0x3] =	sbarrier.arrive $0xFFFF  }
0x8e: {  	_ =	shalt  }

</sc_bundles>
